<compile_context>
chip_gen: v7x
topology: tpu7x:2x2x1
jax: 0.10.2.dev20260603
libtpu: 0.0.44.dev20260713+nightly
codegen_flags: <defaults>
</compile_context>

<pallas_src>
import functools

import numpy as np
import jax
import jax.numpy as jnp
from jax import lax
from jax.experimental import pallas as pl
from jax.experimental.pallas import tpu as pltpu
from jax.experimental.pallas import tpu_sc as plsc

_NB = 18
_NCOL = 9
_F = 8
_T = 1024
_NW = 32
_ROWS = _NCOL * _NB
_CHUNKS = _T // 16

_CUTS = [float(v) for v in np.linspace(-np.pi, np.pi, _NB + 1).astype(np.float32)[1:_NB]]


def _sc_histogram(phat, ampt):
    mesh = plsc.VectorSubcoreMesh(core_axis_name="c", subcore_axis_name="s")

    @functools.partial(
        pl.kernel,
        out_type=jax.ShapeDtypeStruct((_NW, _ROWS * 128), jnp.float32),
        mesh=mesh,
        compiler_params=pltpu.CompilerParams(needs_layout_passes=False),
        scratch_types=[
            pltpu.VMEM((_F, _T), jnp.float32),
            pltpu.VMEM((_F, _T), jnp.float32),
            pltpu.VMEM((_ROWS * 128,), jnp.float32),
        ],
    )
    def k(pha_hbm, amp_hbm, out_hbm, pha_v, amp_v, hist_v):
        wid = lax.axis_index("s") * 2 + lax.axis_index("c")
        ci = wid // 4
        si = wid - ci * 4
        pltpu.sync_copy(pha_hbm.at[0, ci, :, si, :], pha_v)
        pltpu.sync_copy(amp_hbm.at[0, ci, :, si, :], amp_v)

        zero16 = jnp.zeros((16,), jnp.float32)

        def zero_body(z, carry):
            base = z * 256
            for r in range(16):
                hist_v[pl.ds(base + r * 16, 16)] = zero16
            return carry

        lax.fori_loop(0, (_ROWS * 128) // 256, zero_body, 0)

        ones16 = jnp.ones((16,), jnp.float32)
        lane = lax.iota(jnp.int32, 16)
        zero_i = jnp.zeros((16,), jnp.int32)
        one_i = jnp.ones((16,), jnp.int32)

        def chunk_body(t, carry):
            for half in range(2):
                off = t * 32 + half * 16
                amps = [amp_v[fa, pl.ds(off, 16)] for fa in range(_F)]
                for fp in range(_F):
                    x = pha_v[fp, pl.ds(off, 16)]
                    ms = [jnp.where(x > c, one_i, zero_i) for c in _CUTS]
                    while len(ms) > 1:
                        ms = [ms[i] + ms[i + 1] for i in range(0, len(ms) - 1, 2)] + (
                            [ms[-1]] if len(ms) % 2 else [])
                    b = ms[0]
                    base = b * 128 + (lane + fp * 16)
                    for fa in range(_F):
                        plsc.addupdate_scatter(hist_v, [base + fa * (_NB * 128)], amps[fa])
                    plsc.addupdate_scatter(hist_v, [base + _F * (_NB * 128)], ones16)
            return carry

        lax.fori_loop(0, _CHUNKS // 2, chunk_body, 0)
        pltpu.sync_copy(hist_v, out_hbm.at[wid])

    return k(phat, ampt)


def _mi_body(h_ref, o_ref):
    eps = jnp.float32(1e-9)
    h = h_ref[...]
    hm = h.reshape(_NW * _ROWS, 128)
    li = jax.lax.broadcasted_iota(jnp.int32, (128, _F), 0)
    gi = jax.lax.broadcasted_iota(jnp.int32, (128, _F), 1)
    G = (li // 16 == gi).astype(jnp.float32)
    s8 = jax.lax.dot_general(hm, G, (((1,), (0,)), ((), ())),
                             precision=jax.lax.Precision.HIGHEST)
    s8 = s8.reshape(_NW, _ROWS, _F)
    counts = s8[:, _F * _NB:, :]
    wi = jax.lax.broadcasted_iota(jnp.int32, (_F, _NW), 1)
    ci = jax.lax.broadcasted_iota(jnp.int32, (_F, _NW), 0)
    A = jnp.where(wi // 4 == ci, jnp.float32(0.25), jnp.float32(0.0))
    nb = jnp.float32(_NB)
    outs = []
    for fa in range(_F):
        sums = s8[:, fa * _NB:(fa + 1) * _NB, :]
        means = sums / (counts + eps)
        probs = means / (jnp.sum(means, axis=1, keepdims=True) + eps)
        ent = jnp.sum(probs * jnp.log(probs + eps), axis=1)
        mi = (jnp.log(nb + eps) + ent) / jnp.log(nb)
        outs.append(jax.lax.dot_general(
            A, mi, (((1,), (0,)), ((), ())),
            precision=jax.lax.Precision.HIGHEST))
    o_ref[...] = jnp.stack(outs, axis=-1)


def kernel(pha, amp):
    B, C, F, S, T = pha.shape
    hist = _sc_histogram(pha, amp)

    mi = pl.pallas_call(
        _mi_body,
        out_shape=jax.ShapeDtypeStruct((C, F, F), jnp.float32),
    )(hist)
    return mi.reshape(B, C, F, F)

# --- scband reference (transcript-rebuilt; emitter-appended) ---
"""Pipeline reference for scband-modulation-index-28046136443162 (READ-ONLY COPY).

The authoritative reference and input builder live on the scoring server;
editing this copy changes nothing except your own understanding.
"""

import jax, jax.numpy as jnp
import numpy as np

N_BINS = 18
SHAPE = (1, 8, 8, 4, 1024)

def setup_inputs(seed: int = 0) -> dict:
    key = jax.random.key(seed)
    k1, k2 = jax.random.split(key)
    pha = jax.random.normal(k1, SHAPE, dtype=jnp.float32)
    amp = jax.random.uniform(k2, SHAPE, dtype=jnp.float32)
    return {"pha": pha, "amp": amp}

def reference(pha, amp):
    epsilon = 1e-9
    n_bins = N_BINS
    cutoffs = jnp.linspace(-np.pi, np.pi, n_bins + 1).astype(jnp.float32)
    # torch.bucketize(..., right=False) == searchsorted side='left'
    bin_idx = jnp.clip(jnp.searchsorted(cutoffs, jax.lax.stop_gradient(pha), side='left') - 1, 0, n_bins - 1)
    # one-hot masks: (B, C, Fp, S, T, n_bins)
    pha_masks = jax.nn.one_hot(bin_idx, n_bins, dtype=jnp.float32)
    # unsqueeze Fa axis at dim 3 -> (B, C, Fp, 1, S, T, n_bins)
    pha_masks = pha_masks[:, :, :, None, :, :, :]
    # amp: unsqueeze Fp at dim 2 and bins at dim 6 -> (B, C, 1, Fa, S, T, 1)
    amp_e = amp[:, :, None, :, :, :, None]
    amp_bins = pha_masks * amp_e
    amp_sums = amp_bins.sum(axis=5, keepdims=True)
    counts = pha_masks.sum(axis=5, keepdims=True)
    amp_means = amp_sums / (counts + epsilon)
    amp_probs = amp_means / (amp_means.sum(axis=-1, keepdims=True) + epsilon)
    MI = (jnp.log(jnp.float32(n_bins) + epsilon) + (amp_probs * jnp.log(amp_probs + epsilon)).sum(axis=-1)) / jnp.log(jnp.float32(n_bins))
    MI = jnp.squeeze(MI, axis=-1)  # remove kept time dim -> (B, C, Fp, Fa, S)
    MI = MI.mean(axis=-1)          # mean over segments -> (B, C, Fp, Fa)
    return MI

if __name__ == "__main__":
    import jax
    _d = setup_inputs()
    print(jax.jit(kernel)(*tuple(_d.values())))

</pallas_src>

<mosaic_0001>
#map = affine_map<(d0, d1) -> (0, 0, 0, 0, 0)>
#map1 = affine_map<(d0, d1) -> (0, 0)>
module attributes {stable_mosaic.version = 14 : i64} {
  func.func @k(%arg0: i32, %arg1: i32, %arg2: memref<1x8x8x4x1024xf32, #tpu.memory_space<hbm>>, %arg3: memref<1x8x8x4x1024xf32, #tpu.memory_space<hbm>>, %arg4: memref<32x20736xf32, #tpu.memory_space<hbm>>, %arg5: memref<8x1024xf32, #tpu.memory_space<vmem>>, %arg6: memref<8x1024xf32, #tpu.memory_space<vmem>>, %arg7: memref<20736xf32, #tpu.memory_space<vmem>>) attributes {dimension_semantics = [#tpu.dimension_semantics<core_parallel>, #tpu.dimension_semantics<subcore_parallel>], iteration_bounds = array<i64: 2, 16>, scalar_prefetch = 0 : i64, scratch_operands = 3 : i64, tpu.core_type = #tpu.core_type<sc_vector_subcore>, window_params = [{transform_indices = #map}, {transform_indices = #map}, {transform_indices = #map1}]} {
    %mul3A = arith.constant 2 : i32
    %mul3A_0 = arith.muli %arg1, %mul3A : i32
    %add3A = arith.addi %mul3A_0, %arg0 : i32
    %jit3A = arith.constant 4 : i32
    %div3A = arith.divsi %add3A, %jit3A : i32
    %sign3A = arith.constant 0 : i32
    %sign3A_1 = arith.cmpi sgt, %add3A, %sign3A : i32
    %sign3A_2 = arith.extui %sign3A_1 : i1 to i32
    %sign3A_3 = arith.constant 0 : i32
    %sign3A_4 = arith.cmpi slt, %add3A, %sign3A_3 : i32
    %sign3A_5 = arith.extui %sign3A_4 : i1 to i32
    %sign3A_6 = arith.subi %sign3A_2, %sign3A_5 : i32
    %sign3A_7 = arith.constant 0 : i32
    %sign3A_8 = arith.cmpi sgt, %jit3A, %sign3A_7 : i32
    %sign3A_9 = arith.extui %sign3A_8 : i1 to i32
    %sign3A_10 = arith.constant 0 : i32
    %sign3A_11 = arith.cmpi slt, %jit3A, %sign3A_10 : i32
    %sign3A_12 = arith.extui %sign3A_11 : i1 to i32
    %sign3A_13 = arith.subi %sign3A_9, %sign3A_12 : i32
    %ne3A = arith.cmpi ne, %sign3A_6, %sign3A_13 : i32
    %rem3A = arith.remsi %add3A, %jit3A : i32
    %ne3A_14 = arith.constant 0 : i32
    %ne3A_15 = arith.cmpi ne, %rem3A, %ne3A_14 : i32
    %and3A = arith.andi %ne3A, %ne3A_15 : i1
    %sub3A = arith.constant 1 : i32
    %sub3A_16 = arith.subi %div3A, %sub3A : i32
    %select_n3A = arith.select %and3A, %sub3A_16, %div3A : i32
    %mul3A_17 = arith.constant 4 : i32
    %mul3A_18 = arith.muli %select_n3A, %mul3A_17 : i32
    %sub3A_19 = arith.subi %add3A, %mul3A_18 : i32
    %run_scoped3A = arith.constant 0 : i32
    "tpu.region"() ({
      %run_scoped3A_39 = tpu.sem_alloc : memref<!tpu.dma_semaphore, #tpu.memory_space<semaphore_mem>>
      %dma_start3A = arith.constant 0 : i32
      %dma_start3A_40 = arith.constant 0 : i32
      %dma_start3A_41 = tpu.memref_slice %arg2[%run_scoped3A, %select_n3A, %dma_start3A, %sub3A_19, %dma_start3A_40] : memref<1x8x8x4x1024xf32, #tpu.memory_space<hbm>> -> memref<1x1x8x1x1024xf32, #tpu.memory_space<hbm>>
      %dma_start3A_42 = tpu.memref_squeeze %dma_start3A_41 : memref<1x1x8x1x1024xf32, #tpu.memory_space<hbm>> -> memref<8x1024xf32, #tpu.memory_space<hbm>>
      %dma_start3A_43 = arith.constant 0 : i32
      %dma_start3A_44 = arith.constant 0 : i32
      %dma_start3A_45 = tpu.memref_slice %arg2[%run_scoped3A, %select_n3A, %dma_start3A_43, %sub3A_19, %dma_start3A_44] : memref<1x8x8x4x1024xf32, #tpu.memory_space<hbm>> -> memref<1x1x8x1x1024xf32, #tpu.memory_space<hbm>>
      %dma_start3A_46 = tpu.memref_squeeze %dma_start3A_45 : memref<1x1x8x1x1024xf32, #tpu.memory_space<hbm>> -> memref<8x1024xf32, #tpu.memory_space<hbm>>
      tpu.enqueue_dma source(%dma_start3A_46 : memref<8x1024xf32, #tpu.memory_space<hbm>>) target(%arg5 : memref<8x1024xf32, #tpu.memory_space<vmem>>) target_semaphore(%run_scoped3A_39 : memref<!tpu.dma_semaphore, #tpu.memory_space<semaphore_mem>>)
      %dma_wait3A = arith.constant 0 : i32
      %dma_wait3A_47 = arith.constant 0 : i32
      %dma_wait3A_48 = tpu.memref_slice %arg2[%run_scoped3A, %select_n3A, %dma_wait3A, %sub3A_19, %dma_wait3A_47] : memref<1x8x8x4x1024xf32, #tpu.memory_space<hbm>> -> memref<1x1x8x1x1024xf32, #tpu.memory_space<hbm>>
      %dma_wait3A_49 = tpu.memref_squeeze %dma_wait3A_48 : memref<1x1x8x1x1024xf32, #tpu.memory_space<hbm>> -> memref<8x1024xf32, #tpu.memory_space<hbm>>
      %dma_wait3A_50 = arith.constant 0 : i32
      %dma_wait3A_51 = arith.constant 0 : i32
      %dma_wait3A_52 = tpu.memref_slice %arg2[%run_scoped3A, %select_n3A, %dma_wait3A_50, %sub3A_19, %dma_wait3A_51] : memref<1x8x8x4x1024xf32, #tpu.memory_space<hbm>> -> memref<1x1x8x1x1024xf32, #tpu.memory_space<hbm>>
      %dma_wait3A_53 = tpu.memref_squeeze %dma_wait3A_52 : memref<1x1x8x1x1024xf32, #tpu.memory_space<hbm>> -> memref<8x1024xf32, #tpu.memory_space<hbm>>
      tpu.wait_dma2 semaphore(%run_scoped3A_39 : memref<!tpu.dma_semaphore, #tpu.memory_space<semaphore_mem>>) src(%dma_wait3A_53 : memref<8x1024xf32, #tpu.memory_space<hbm>>) dst(%arg5 : memref<8x1024xf32, #tpu.memory_space<vmem>>)
      tpu.yield
    }) : () -> ()
    %run_scoped3A_20 = arith.constant 0 : i32
    "tpu.region"() ({
      %run_scoped3A_39 = tpu.sem_alloc : memref<!tpu.dma_semaphore, #tpu.memory_space<semaphore_mem>>
      %dma_start3A = arith.constant 0 : i32
      %dma_start3A_40 = arith.constant 0 : i32
      %dma_start3A_41 = tpu.memref_slice %arg3[%run_scoped3A_20, %select_n3A, %dma_start3A, %sub3A_19, %dma_start3A_40] : memref<1x8x8x4x1024xf32, #tpu.memory_space<hbm>> -> memref<1x1x8x1x1024xf32, #tpu.memory_space<hbm>>
      %dma_start3A_42 = tpu.memref_squeeze %dma_start3A_41 : memref<1x1x8x1x1024xf32, #tpu.memory_space<hbm>> -> memref<8x1024xf32, #tpu.memory_space<hbm>>
      %dma_start3A_43 = arith.constant 0 : i32
      %dma_start3A_44 = arith.constant 0 : i32
      %dma_start3A_45 = tpu.memref_slice %arg3[%run_scoped3A_20, %select_n3A, %dma_start3A_43, %sub3A_19, %dma_start3A_44] : memref<1x8x8x4x1024xf32, #tpu.memory_space<hbm>> -> memref<1x1x8x1x1024xf32, #tpu.memory_space<hbm>>
      %dma_start3A_46 = tpu.memref_squeeze %dma_start3A_45 : memref<1x1x8x1x1024xf32, #tpu.memory_space<hbm>> -> memref<8x1024xf32, #tpu.memory_space<hbm>>
      tpu.enqueue_dma source(%dma_start3A_46 : memref<8x1024xf32, #tpu.memory_space<hbm>>) target(%arg6 : memref<8x1024xf32, #tpu.memory_space<vmem>>) target_semaphore(%run_scoped3A_39 : memref<!tpu.dma_semaphore, #tpu.memory_space<semaphore_mem>>)
      %dma_wait3A = arith.constant 0 : i32
      %dma_wait3A_47 = arith.constant 0 : i32
      %dma_wait3A_48 = tpu.memref_slice %arg3[%run_scoped3A_20, %select_n3A, %dma_wait3A, %sub3A_19, %dma_wait3A_47] : memref<1x8x8x4x1024xf32, #tpu.memory_space<hbm>> -> memref<1x1x8x1x1024xf32, #tpu.memory_space<hbm>>
      %dma_wait3A_49 = tpu.memref_squeeze %dma_wait3A_48 : memref<1x1x8x1x1024xf32, #tpu.memory_space<hbm>> -> memref<8x1024xf32, #tpu.memory_space<hbm>>
      %dma_wait3A_50 = arith.constant 0 : i32
      %dma_wait3A_51 = arith.constant 0 : i32
      %dma_wait3A_52 = tpu.memref_slice %arg3[%run_scoped3A_20, %select_n3A, %dma_wait3A_50, %sub3A_19, %dma_wait3A_51] : memref<1x8x8x4x1024xf32, #tpu.memory_space<hbm>> -> memref<1x1x8x1x1024xf32, #tpu.memory_space<hbm>>
      %dma_wait3A_53 = tpu.memref_squeeze %dma_wait3A_52 : memref<1x1x8x1x1024xf32, #tpu.memory_space<hbm>> -> memref<8x1024xf32, #tpu.memory_space<hbm>>
      tpu.wait_dma2 semaphore(%run_scoped3A_39 : memref<!tpu.dma_semaphore, #tpu.memory_space<semaphore_mem>>) src(%dma_wait3A_53 : memref<8x1024xf32, #tpu.memory_space<hbm>>) dst(%arg6 : memref<8x1024xf32, #tpu.memory_space<vmem>>)
      tpu.yield
    }) : () -> ()
    %broadcast_in_dim3A = arith.constant 0.000000e+00 : f32
    %broadcast_in_dim3A_21 = vector.broadcast %broadcast_in_dim3A : f32 to vector<16xf32>
    %scan3A = arith.constant 0 : i32
    %scan3A_22 = arith.constant 0 : i32
    %scan3A_23 = arith.constant 81 : i32
    %scan3A_24 = arith.addi %scan3A_22, %scan3A_23 : i32
    %scan3A_25 = arith.constant 1 : i32
    scf.for %scan3A_39 = %scan3A_22 to %scan3A_24 step %scan3A_25  : i32 {
      %mul3A_40 = arith.constant 256 : i32
      %mul3A_41 = arith.muli %scan3A_39, %mul3A_40 : i32
      %add3A_42 = arith.constant 0 : i32
      %add3A_43 = arith.addi %mul3A_41, %add3A_42 : i32
      %swap3A = arith.index_cast %add3A_43 : i32 to index
      %swap3A_44 = tpu.vector_load %arg7[%swap3A] {strides = array<i32>} : memref<20736xf32, #tpu.memory_space<vmem>>, vector<16xf32>,
      tpu.vector_store %arg7[%swap3A], %broadcast_in_dim3A_21 {strides = array<i32>} : memref<20736xf32, #tpu.memory_space<vmem>>, vector<16xf32>,
      %add3A_45 = arith.constant 16 : i32
      %add3A_46 = arith.addi %mul3A_41, %add3A_45 : i32
      %swap3A_47 = arith.index_cast %add3A_46 : i32 to index
      %swap3A_48 = tpu.vector_load %arg7[%swap3A_47] {strides = array<i32>} : memref<20736xf32, #tpu.memory_space<vmem>>, vector<16xf32>,
      tpu.vector_store %arg7[%swap3A_47], %broadcast_in_dim3A_21 {strides = array<i32>} : memref<20736xf32, #tpu.memory_space<vmem>>, vector<16xf32>,
      %add3A_49 = arith.constant 32 : i32
      %add3A_50 = arith.addi %mul3A_41, %add3A_49 : i32
      %swap3A_51 = arith.index_cast %add3A_50 : i32 to index
      %swap3A_52 = tpu.vector_load %arg7[%swap3A_51] {strides = array<i32>} : memref<20736xf32, #tpu.memory_space<vmem>>, vector<16xf32>,
      tpu.vector_store %arg7[%swap3A_51], %broadcast_in_dim3A_21 {strides = array<i32>} : memref<20736xf32, #tpu.memory_space<vmem>>, vector<16xf32>,
      %add3A_53 = arith.constant 48 : i32
      %add3A_54 = arith.addi %mul3A_41, %add3A_53 : i32
      %swap3A_55 = arith.index_cast %add3A_54 : i32 to index
      %swap3A_56 = tpu.vector_load %arg7[%swap3A_55] {strides = array<i32>} : memref<20736xf32, #tpu.memory_space<vmem>>, vector<16xf32>,
      tpu.vector_store %arg7[%swap3A_55], %broadcast_in_dim3A_21 {strides = array<i32>} : memref<20736xf32, #tpu.memory_space<vmem>>, vector<16xf32>,
      %add3A_57 = arith.constant 64 : i32
      %add3A_58 = arith.addi %mul3A_41, %add3A_57 : i32
      %swap3A_59 = arith.index_cast %add3A_58 : i32 to index
      %swap3A_60 = tpu.vector_load %arg7[%swap3A_59] {strides = array<i32>} : memref<20736xf32, #tpu.memory_space<vmem>>, vector<16xf32>,
      tpu.vector_store %arg7[%swap3A_59], %broadcast_in_dim3A_21 {strides = array<i32>} : memref<20736xf32, #tpu.memory_space<vmem>>, vector<16xf32>,
      %add3A_61 = arith.constant 80 : i32
      %add3A_62 = arith.addi %mul3A_41, %add3A_61 : i32
      %swap3A_63 = arith.index_cast %add3A_62 : i32 to index
      %swap3A_64 = tpu.vector_load %arg7[%swap3A_63] {strides = array<i32>} : memref<20736xf32, #tpu.memory_space<vmem>>, vector<16xf32>,
      tpu.vector_store %arg7[%swap3A_63], %broadcast_in_dim3A_21 {strides = array<i32>} : memref<20736xf32, #tpu.memory_space<vmem>>, vector<16xf32>,
      %add3A_65 = arith.constant 96 : i32
      %add3A_66 = arith.addi %mul3A_41, %add3A_65 : i32
      %swap3A_67 = arith.index_cast %add3A_66 : i32 to index
      %swap3A_68 = tpu.vector_load %arg7[%swap3A_67] {strides = array<i32>} : memref<20736xf32, #tpu.memory_space<vmem>>, vector<16xf32>,
      tpu.vector_store %arg7[%swap3A_67], %broadcast_in_dim3A_21 {strides = array<i32>} : memref<20736xf32, #tpu.memory_space<vmem>>, vector<16xf32>,
      %add3A_69 = arith.constant 112 : i32
      %add3A_70 = arith.addi %mul3A_41, %add3A_69 : i32
      %swap3A_71 = arith.index_cast %add3A_70 : i32 to index
      %swap3A_72 = tpu.vector_load %arg7[%swap3A_71] {strides = array<i32>} : memref<20736xf32, #tpu.memory_space<vmem>>, vector<16xf32>,
      tpu.vector_store %arg7[%swap3A_71], %broadcast_in_dim3A_21 {strides = array<i32>} : memref<20736xf32, #tpu.memory_space<vmem>>, vector<16xf32>,
      %add3A_73 = arith.constant 128 : i32
      %add3A_74 = arith.addi %mul3A_41, %add3A_73 : i32
      %swap3A_75 = arith.index_cast %add3A_74 : i32 to index
      %swap3A_76 = tpu.vector_load %arg7[%swap3A_75] {strides = array<i32>} : memref<20736xf32, #tpu.memory_space<vmem>>, vector<16xf32>,
      tpu.vector_store %arg7[%swap3A_75], %broadcast_in_dim3A_21 {strides = array<i32>} : memref<20736xf32, #tpu.memory_space<vmem>>, vector<16xf32>,
      %add3A_77 = arith.constant 144 : i32
      %add3A_78 = arith.addi %mul3A_41, %add3A_77 : i32
      %swap3A_79 = arith.index_cast %add3A_78 : i32 to index
      %swap3A_80 = tpu.vector_load %arg7[%swap3A_79] {strides = array<i32>} : memref<20736xf32, #tpu.memory_space<vmem>>, vector<16xf32>,
      tpu.vector_store %arg7[%swap3A_79], %broadcast_in_dim3A_21 {strides = array<i32>} : memref<20736xf32, #tpu.memory_space<vmem>>, vector<16xf32>,
      %add3A_81 = arith.constant 160 : i32
      %add3A_82 = arith.addi %mul3A_41, %add3A_81 : i32
      %swap3A_83 = arith.index_cast %add3A_82 : i32 to index
      %swap3A_84 = tpu.vector_load %arg7[%swap3A_83] {strides = array<i32>} : memref<20736xf32, #tpu.memory_space<vmem>>, vector<16xf32>,
      tpu.vector_store %arg7[%swap3A_83], %broadcast_in_dim3A_21 {strides = array<i32>} : memref<20736xf32, #tpu.memory_space<vmem>>, vector<16xf32>,
      %add3A_85 = arith.constant 176 : i32
      %add3A_86 = arith.addi %mul3A_41, %add3A_85 : i32
      %swap3A_87 = arith.index_cast %add3A_86 : i32 to index
      %swap3A_88 = tpu.vector_load %arg7[%swap3A_87] {strides = array<i32>} : memref<20736xf32, #tpu.memory_space<vmem>>, vector<16xf32>,
      tpu.vector_store %arg7[%swap3A_87], %broadcast_in_dim3A_21 {strides = array<i32>} : memref<20736xf32, #tpu.memory_space<vmem>>, vector<16xf32>,
      %add3A_89 = arith.constant 192 : i32
      %add3A_90 = arith.addi %mul3A_41, %add3A_89 : i32
      %swap3A_91 = arith.index_cast %add3A_90 : i32 to index
      %swap3A_92 = tpu.vector_load %arg7[%swap3A_91] {strides = array<i32>} : memref<20736xf32, #tpu.memory_space<vmem>>, vector<16xf32>,
      tpu.vector_store %arg7[%swap3A_91], %broadcast_in_dim3A_21 {strides = array<i32>} : memref<20736xf32, #tpu.memory_space<vmem>>, vector<16xf32>,
      %add3A_93 = arith.constant 208 : i32
      %add3A_94 = arith.addi %mul3A_41, %add3A_93 : i32
      %swap3A_95 = arith.index_cast %add3A_94 : i32 to index
      %swap3A_96 = tpu.vector_load %arg7[%swap3A_95] {strides = array<i32>} : memref<20736xf32, #tpu.memory_space<vmem>>, vector<16xf32>,
      tpu.vector_store %arg7[%swap3A_95], %broadcast_in_dim3A_21 {strides = array<i32>} : memref<20736xf32, #tpu.memory_space<vmem>>, vector<16xf32>,
      %add3A_97 = arith.constant 224 : i32
      %add3A_98 = arith.addi %mul3A_41, %add3A_97 : i32
      %swap3A_99 = arith.index_cast %add3A_98 : i32 to index
      %swap3A_100 = tpu.vector_load %arg7[%swap3A_99] {strides = array<i32>} : memref<20736xf32, #tpu.memory_space<vmem>>, vector<16xf32>,
      tpu.vector_store %arg7[%swap3A_99], %broadcast_in_dim3A_21 {strides = array<i32>} : memref<20736xf32, #tpu.memory_space<vmem>>, vector<16xf32>,
      %add3A_101 = arith.constant 240 : i32
      %add3A_102 = arith.addi %mul3A_41, %add3A_101 : i32
      %swap3A_103 = arith.index_cast %add3A_102 : i32 to index
      %swap3A_104 = tpu.vector_load %arg7[%swap3A_103] {strides = array<i32>} : memref<20736xf32, #tpu.memory_space<vmem>>, vector<16xf32>,
      tpu.vector_store %arg7[%swap3A_103], %broadcast_in_dim3A_21 {strides = array<i32>} : memref<20736xf32, #tpu.memory_space<vmem>>, vector<16xf32>,
    }
    %scan3A_26 = arith.constant 81 : i32
    %broadcast_in_dim3A_27 = arith.constant 1.000000e+00 : f32
    %broadcast_in_dim3A_28 = vector.broadcast %broadcast_in_dim3A_27 : f32 to vector<16xf32>
    %iota3A = tpu.iota {dimensions = array<i32: 0>} : vector<16xi32>
    %broadcast_in_dim3A_29 = arith.constant 0 : i32
    %broadcast_in_dim3A_30 = vector.broadcast %broadcast_in_dim3A_29 : i32 to vector<16xi32>
    %broadcast_in_dim3A_31 = arith.constant 1 : i32
    %broadcast_in_dim3A_32 = vector.broadcast %broadcast_in_dim3A_31 : i32 to vector<16xi32>
    %scan3A_33 = arith.constant 0 : i32
    %scan3A_34 = arith.constant 0 : i32
    %scan3A_35 = arith.constant 32 : i32
    %scan3A_36 = arith.addi %scan3A_34, %scan3A_35 : i32
    %scan3A_37 = arith.constant 1 : i32
    scf.for %scan3A_39 = %scan3A_34 to %scan3A_36 step %scan3A_37  : i32 {
      %mul3A_40 = arith.constant 32 : i32
      %mul3A_41 = arith.muli %scan3A_39, %mul3A_40 : i32
      %add3A_42 = arith.constant 0 : i32
      %add3A_43 = arith.addi %mul3A_41, %add3A_42 : i32
      %get3A = arith.constant 0 : i32
      %get3A_44 = arith.index_cast %get3A : i32 to index
      %get3A_45 = arith.index_cast %add3A_43 : i32 to index
      %get3A_46 = tpu.vector_load %arg6[%get3A_44, %get3A_45] {strides = array<i32>} : memref<8x1024xf32, #tpu.memory_space<vmem>>, vector<16xf32>,
      %get3A_47 = arith.constant 1 : i32
      %get3A_48 = arith.index_cast %get3A_47 : i32 to index
      %get3A_49 = arith.index_cast %add3A_43 : i32 to index
      %get3A_50 = tpu.vector_load %arg6[%get3A_48, %get3A_49] {strides = array<i32>} : memref<8x1024xf32, #tpu.memory_space<vmem>>, vector<16xf32>,
      %get3A_51 = arith.constant 2 : i32
      %get3A_52 = arith.index_cast %get3A_51 : i32 to index
      %get3A_53 = arith.index_cast %add3A_43 : i32 to index
      %get3A_54 = tpu.vector_load %arg6[%get3A_52, %get3A_53] {strides = array<i32>} : memref<8x1024xf32, #tpu.memory_space<vmem>>, vector<16xf32>,
      %get3A_55 = arith.constant 3 : i32
      %get3A_56 = arith.index_cast %get3A_55 : i32 to index
      %get3A_57 = arith.index_cast %add3A_43 : i32 to index
      %get3A_58 = tpu.vector_load %arg6[%get3A_56, %get3A_57] {strides = array<i32>} : memref<8x1024xf32, #tpu.memory_space<vmem>>, vector<16xf32>,
      %get3A_59 = arith.constant 4 : i32
      %get3A_60 = arith.index_cast %get3A_59 : i32 to index
      %get3A_61 = arith.index_cast %add3A_43 : i32 to index
      %get3A_62 = tpu.vector_load %arg6[%get3A_60, %get3A_61] {strides = array<i32>} : memref<8x1024xf32, #tpu.memory_space<vmem>>, vector<16xf32>,
      %get3A_63 = arith.constant 5 : i32
      %get3A_64 = arith.index_cast %get3A_63 : i32 to index
      %get3A_65 = arith.index_cast %add3A_43 : i32 to index
      %get3A_66 = tpu.vector_load %arg6[%get3A_64, %get3A_65] {strides = array<i32>} : memref<8x1024xf32, #tpu.memory_space<vmem>>, vector<16xf32>,
      %get3A_67 = arith.constant 6 : i32
      %get3A_68 = arith.index_cast %get3A_67 : i32 to index
      %get3A_69 = arith.index_cast %add3A_43 : i32 to index
      %get3A_70 = tpu.vector_load %arg6[%get3A_68, %get3A_69] {strides = array<i32>} : memref<8x1024xf32, #tpu.memory_space<vmem>>, vector<16xf32>,
      %get3A_71 = arith.constant 7 : i32
      %get3A_72 = arith.index_cast %get3A_71 : i32 to index
      %get3A_73 = arith.index_cast %add3A_43 : i32 to index
      %get3A_74 = tpu.vector_load %arg6[%get3A_72, %get3A_73] {strides = array<i32>} : memref<8x1024xf32, #tpu.memory_space<vmem>>, vector<16xf32>,
      %get3A_75 = arith.constant 0 : i32
      %get3A_76 = arith.index_cast %get3A_75 : i32 to index
      %get3A_77 = arith.index_cast %add3A_43 : i32 to index
      %get3A_78 = tpu.vector_load %arg5[%get3A_76, %get3A_77] {strides = array<i32>} : memref<8x1024xf32, #tpu.memory_space<vmem>>, vector<16xf32>,
      %gt3A = arith.constant -2.79252672 : f32
      %gt3A_79 = vector.broadcast %gt3A : f32 to vector<16xf32>
      %gt3A_80 = arith.cmpf ogt, %get3A_78, %gt3A_79 : vector<16xf32>
      %select_n3A_81 = arith.select %gt3A_80, %broadcast_in_dim3A_32, %broadcast_in_dim3A_30 : vector<16xi1>, vector<16xi32>
      %gt3A_82 = arith.constant -2.44346094 : f32
      %gt3A_83 = vector.broadcast %gt3A_82 : f32 to vector<16xf32>
      %gt3A_84 = arith.cmpf ogt, %get3A_78, %gt3A_83 : vector<16xf32>
      %select_n3A_85 = arith.select %gt3A_84, %broadcast_in_dim3A_32, %broadcast_in_dim3A_30 : vector<16xi1>, vector<16xi32>
      %gt3A_86 = arith.constant -2.09439516 : f32
      %gt3A_87 = vector.broadcast %gt3A_86 : f32 to vector<16xf32>
      %gt3A_88 = arith.cmpf ogt, %get3A_78, %gt3A_87 : vector<16xf32>
      %select_n3A_89 = arith.select %gt3A_88, %broadcast_in_dim3A_32, %broadcast_in_dim3A_30 : vector<16xi1>, vector<16xi32>
      %gt3A_90 = arith.constant -1.74532926 : f32
      %gt3A_91 = vector.broadcast %gt3A_90 : f32 to vector<16xf32>
      %gt3A_92 = arith.cmpf ogt, %get3A_78, %gt3A_91 : vector<16xf32>
      %select_n3A_93 = arith.select %gt3A_92, %broadcast_in_dim3A_32, %broadcast_in_dim3A_30 : vector<16xi1>, vector<16xi32>
      %gt3A_94 = arith.constant -1.39626336 : f32
      %gt3A_95 = vector.broadcast %gt3A_94 : f32 to vector<16xf32>
      %gt3A_96 = arith.cmpf ogt, %get3A_78, %gt3A_95 : vector<16xf32>
      %select_n3A_97 = arith.select %gt3A_96, %broadcast_in_dim3A_32, %broadcast_in_dim3A_30 : vector<16xi1>, vector<16xi32>
      %gt3A_98 = arith.constant -1.04719758 : f32
      %gt3A_99 = vector.broadcast %gt3A_98 : f32 to vector<16xf32>
      %gt3A_100 = arith.cmpf ogt, %get3A_78, %gt3A_99 : vector<16xf32>
      %select_n3A_101 = arith.select %gt3A_100, %broadcast_in_dim3A_32, %broadcast_in_dim3A_30 : vector<16xi1>, vector<16xi32>
      %gt3A_102 = arith.constant -0.69813168 : f32
      %gt3A_103 = vector.broadcast %gt3A_102 : f32 to vector<16xf32>
      %gt3A_104 = arith.cmpf ogt, %get3A_78, %gt3A_103 : vector<16xf32>
      %select_n3A_105 = arith.select %gt3A_104, %broadcast_in_dim3A_32, %broadcast_in_dim3A_30 : vector<16xi1>, vector<16xi32>
      %gt3A_106 = arith.constant -0.34906584 : f32
      %gt3A_107 = vector.broadcast %gt3A_106 : f32 to vector<16xf32>
      %gt3A_108 = arith.cmpf ogt, %get3A_78, %gt3A_107 : vector<16xf32>
      %select_n3A_109 = arith.select %gt3A_108, %broadcast_in_dim3A_32, %broadcast_in_dim3A_30 : vector<16xi1>, vector<16xi32>
      %gt3A_110 = arith.constant 0.000000e+00 : f32
      %gt3A_111 = vector.broadcast %gt3A_110 : f32 to vector<16xf32>
      %gt3A_112 = arith.cmpf ogt, %get3A_78, %gt3A_111 : vector<16xf32>
      %select_n3A_113 = arith.select %gt3A_112, %broadcast_in_dim3A_32, %broadcast_in_dim3A_30 : vector<16xi1>, vector<16xi32>
      %gt3A_114 = arith.constant 0.34906584 : f32
      %gt3A_115 = vector.broadcast %gt3A_114 : f32 to vector<16xf32>
      %gt3A_116 = arith.cmpf ogt, %get3A_78, %gt3A_115 : vector<16xf32>
      %select_n3A_117 = arith.select %gt3A_116, %broadcast_in_dim3A_32, %broadcast_in_dim3A_30 : vector<16xi1>, vector<16xi32>
      %gt3A_118 = arith.constant 0.69813168 : f32
      %gt3A_119 = vector.broadcast %gt3A_118 : f32 to vector<16xf32>
      %gt3A_120 = arith.cmpf ogt, %get3A_78, %gt3A_119 : vector<16xf32>
      %select_n3A_121 = arith.select %gt3A_120, %broadcast_in_dim3A_32, %broadcast_in_dim3A_30 : vector<16xi1>, vector<16xi32>
      %gt3A_122 = arith.constant 1.04719758 : f32
      %gt3A_123 = vector.broadcast %gt3A_122 : f32 to vector<16xf32>
      %gt3A_124 = arith.cmpf ogt, %get3A_78, %gt3A_123 : vector<16xf32>
      %select_n3A_125 = arith.select %gt3A_124, %broadcast_in_dim3A_32, %broadcast_in_dim3A_30 : vector<16xi1>, vector<16xi32>
      %gt3A_126 = arith.constant 1.39626336 : f32
      %gt3A_127 = vector.broadcast %gt3A_126 : f32 to vector<16xf32>
      %gt3A_128 = arith.cmpf ogt, %get3A_78, %gt3A_127 : vector<16xf32>
      %select_n3A_129 = arith.select %gt3A_128, %broadcast_in_dim3A_32, %broadcast_in_dim3A_30 : vector<16xi1>, vector<16xi32>
      %gt3A_130 = arith.constant 1.74532926 : f32
      %gt3A_131 = vector.broadcast %gt3A_130 : f32 to vector<16xf32>
      %gt3A_132 = arith.cmpf ogt, %get3A_78, %gt3A_131 : vector<16xf32>
      %select_n3A_133 = arith.select %gt3A_132, %broadcast_in_dim3A_32, %broadcast_in_dim3A_30 : vector<16xi1>, vector<16xi32>
      %gt3A_134 = arith.constant 2.09439516 : f32
      %gt3A_135 = vector.broadcast %gt3A_134 : f32 to vector<16xf32>
      %gt3A_136 = arith.cmpf ogt, %get3A_78, %gt3A_135 : vector<16xf32>
      %select_n3A_137 = arith.select %gt3A_136, %broadcast_in_dim3A_32, %broadcast_in_dim3A_30 : vector<16xi1>, vector<16xi32>
      %gt3A_138 = arith.constant 2.44346094 : f32
      %gt3A_139 = vector.broadcast %gt3A_138 : f32 to vector<16xf32>
      %gt3A_140 = arith.cmpf ogt, %get3A_78, %gt3A_139 : vector<16xf32>
      %select_n3A_141 = arith.select %gt3A_140, %broadcast_in_dim3A_32, %broadcast_in_dim3A_30 : vector<16xi1>, vector<16xi32>
      %gt3A_142 = arith.constant 2.79252672 : f32
      %gt3A_143 = vector.broadcast %gt3A_142 : f32 to vector<16xf32>
      %gt3A_144 = arith.cmpf ogt, %get3A_78, %gt3A_143 : vector<16xf32>
      %select_n3A_145 = arith.select %gt3A_144, %broadcast_in_dim3A_32, %broadcast_in_dim3A_30 : vector<16xi1>, vector<16xi32>
      %add3A_146 = arith.addi %select_n3A_81, %select_n3A_85 : vector<16xi32>
      %add3A_147 = arith.addi %select_n3A_89, %select_n3A_93 : vector<16xi32>
      %add3A_148 = arith.addi %select_n3A_97, %select_n3A_101 : vector<16xi32>
      %add3A_149 = arith.addi %select_n3A_105, %select_n3A_109 : vector<16xi32>
      %add3A_150 = arith.addi %select_n3A_113, %select_n3A_117 : vector<16xi32>
      %add3A_151 = arith.addi %select_n3A_121, %select_n3A_125 : vector<16xi32>
      %add3A_152 = arith.addi %select_n3A_129, %select_n3A_133 : vector<16xi32>
      %add3A_153 = arith.addi %select_n3A_137, %select_n3A_141 : vector<16xi32>
      %add3A_154 = arith.addi %add3A_146, %add3A_147 : vector<16xi32>
      %add3A_155 = arith.addi %add3A_148, %add3A_149 : vector<16xi32>
      %add3A_156 = arith.addi %add3A_150, %add3A_151 : vector<16xi32>
      %add3A_157 = arith.addi %add3A_152, %add3A_153 : vector<16xi32>
      %add3A_158 = arith.addi %add3A_154, %add3A_155 : vector<16xi32>
      %add3A_159 = arith.addi %add3A_156, %add3A_157 : vector<16xi32>
      %add3A_160 = arith.addi %add3A_158, %add3A_159 : vector<16xi32>
      %add3A_161 = arith.addi %add3A_160, %select_n3A_145 : vector<16xi32>
      %mul3A_162 = arith.constant 128 : i32
      %mul3A_163 = vector.broadcast %mul3A_162 : i32 to vector<16xi32>
      %mul3A_164 = arith.muli %add3A_161, %mul3A_163 : vector<16xi32>
      %add3A_165 = arith.constant 0 : i32
      %add3A_166 = vector.broadcast %add3A_165 : i32 to vector<16xi32>
      %add3A_167 = arith.addi %iota3A, %add3A_166 : vector<16xi32>
      %add3A_168 = arith.addi %mul3A_164, %add3A_167 : vector<16xi32>
      %add3A_169 = arith.constant 0 : i32
      %add3A_170 = vector.broadcast %add3A_169 : i32 to vector<16xi32>
      %add3A_171 = arith.addi %add3A_168, %add3A_170 : vector<16xi32>
      tpu.vector_store_idx %arg7[%add3A_171], %get3A_46 {add = true} : memref<20736xf32, #tpu.memory_space<vmem>>[vector<16xi32>], vector<16xf32>,
      %add3A_172 = arith.constant 2304 : i32
      %add3A_173 = vector.broadcast %add3A_172 : i32 to vector<16xi32>
      %add3A_174 = arith.addi %add3A_168, %add3A_173 : vector<16xi32>
      tpu.vector_store_idx %arg7[%add3A_174], %get3A_50 {add = true} : memref<20736xf32, #tpu.memory_space<vmem>>[vector<16xi32>], vector<16xf32>,
      %add3A_175 = arith.constant 4608 : i32
      %add3A_176 = vector.broadcast %add3A_175 : i32 to vector<16xi32>
      %add3A_177 = arith.addi %add3A_168, %add3A_176 : vector<16xi32>
      tpu.vector_store_idx %arg7[%add3A_177], %get3A_54 {add = true} : memref<20736xf32, #tpu.memory_space<vmem>>[vector<16xi32>], vector<16xf32>,
      %add3A_178 = arith.constant 6912 : i32
      %add3A_179 = vector.broadcast %add3A_178 : i32 to vector<16xi32>
      %add3A_180 = arith.addi %add3A_168, %add3A_179 : vector<16xi32>
      tpu.vector_store_idx %arg7[%add3A_180], %get3A_58 {add = true} : memref<20736xf32, #tpu.memory_space<vmem>>[vector<16xi32>], vector<16xf32>,
      %add3A_181 = arith.constant 9216 : i32
      %add3A_182 = vector.broadcast %add3A_181 : i32 to vector<16xi32>
      %add3A_183 = arith.addi %add3A_168, %add3A_182 : vector<16xi32>
      tpu.vector_store_idx %arg7[%add3A_183], %get3A_62 {add = true} : memref<20736xf32, #tpu.memory_space<vmem>>[vector<16xi32>], vector<16xf32>,
      %add3A_184 = arith.constant 11520 : i32
      %add3A_185 = vector.broadcast %add3A_184 : i32 to vector<16xi32>
      %add3A_186 = arith.addi %add3A_168, %add3A_185 : vector<16xi32>
      tpu.vector_store_idx %arg7[%add3A_186], %get3A_66 {add = true} : memref<20736xf32, #tpu.memory_space<vmem>>[vector<16xi32>], vector<16xf32>,
      %add3A_187 = arith.constant 13824 : i32
      %add3A_188 = vector.broadcast %add3A_187 : i32 to vector<16xi32>
      %add3A_189 = arith.addi %add3A_168, %add3A_188 : vector<16xi32>
      tpu.vector_store_idx %arg7[%add3A_189], %get3A_70 {add = true} : memref<20736xf32, #tpu.memory_space<vmem>>[vector<16xi32>], vector<16xf32>,
      %add3A_190 = arith.constant 16128 : i32
      %add3A_191 = vector.broadcast %add3A_190 : i32 to vector<16xi32>
      %add3A_192 = arith.addi %add3A_168, %add3A_191 : vector<16xi32>
      tpu.vector_store_idx %arg7[%add3A_192], %get3A_74 {add = true} : memref<20736xf32, #tpu.memory_space<vmem>>[vector<16xi32>], vector<16xf32>,
      %add3A_193 = arith.constant 18432 : i32
      %add3A_194 = vector.broadcast %add3A_193 : i32 to vector<16xi32>
      %add3A_195 = arith.addi %add3A_168, %add3A_194 : vector<16xi32>
      tpu.vector_store_idx %arg7[%add3A_195], %broadcast_in_dim3A_28 {add = true} : memref<20736xf32, #tpu.memory_space<vmem>>[vector<16xi32>], vector<16xf32>,
      %get3A_196 = arith.constant 1 : i32
      %get3A_197 = arith.index_cast %get3A_196 : i32 to index
      %get3A_198 = arith.index_cast %add3A_43 : i32 to index
      %get3A_199 = tpu.vector_load %arg5[%get3A_197, %get3A_198] {strides = array<i32>} : memref<8x1024xf32, #tpu.memory_space<vmem>>, vector<16xf32>,
      %gt3A_200 = arith.constant -2.79252672 : f32
      %gt3A_201 = vector.broadcast %gt3A_200 : f32 to vector<16xf32>
      %gt3A_202 = arith.cmpf ogt, %get3A_199, %gt3A_201 : vector<16xf32>
      %select_n3A_203 = arith.select %gt3A_202, %broadcast_in_dim3A_32, %broadcast_in_dim3A_30 : vector<16xi1>, vector<16xi32>
      %gt3A_204 = arith.constant -2.44346094 : f32
      %gt3A_205 = vector.broadcast %gt3A_204 : f32 to vector<16xf32>
      %gt3A_206 = arith.cmpf ogt, %get3A_199, %gt3A_205 : vector<16xf32>
      %select_n3A_207 = arith.select %gt3A_206, %broadcast_in_dim3A_32, %broadcast_in_dim3A_30 : vector<16xi1>, vector<16xi32>
      %gt3A_208 = arith.constant -2.09439516 : f32
      %gt3A_209 = vector.broadcast %gt3A_208 : f32 to vector<16xf32>
      %gt3A_210 = arith.cmpf ogt, %get3A_199, %gt3A_209 : vector<16xf32>
      %select_n3A_211 = arith.select %gt3A_210, %broadcast_in_dim3A_32, %broadcast_in_dim3A_30 : vector<16xi1>, vector<16xi32>
      %gt3A_212 = arith.constant -1.74532926 : f32
      %gt3A_213 = vector.broadcast %gt3A_212 : f32 to vector<16xf32>
      %gt3A_214 = arith.cmpf ogt, %get3A_199, %gt3A_213 : vector<16xf32>
      %select_n3A_215 = arith.select %gt3A_214, %broadcast_in_dim3A_32, %broadcast_in_dim3A_30 : vector<16xi1>, vector<16xi32>
      %gt3A_216 = arith.constant -1.39626336 : f32
      %gt3A_217 = vector.broadcast %gt3A_216 : f32 to vector<16xf32>
      %gt3A_218 = arith.cmpf ogt, %get3A_199, %gt3A_217 : vector<16xf32>
      %select_n3A_219 = arith.select %gt3A_218, %broadcast_in_dim3A_32, %broadcast_in_dim3A_30 : vector<16xi1>, vector<16xi32>
      %gt3A_220 = arith.constant -1.04719758 : f32
      %gt3A_221 = vector.broadcast %gt3A_220 : f32 to vector<16xf32>
      %gt3A_222 = arith.cmpf ogt, %get3A_199, %gt3A_221 : vector<16xf32>
      %select_n3A_223 = arith.select %gt3A_222, %broadcast_in_dim3A_32, %broadcast_in_dim3A_30 : vector<16xi1>, vector<16xi32>
      %gt3A_224 = arith.constant -0.69813168 : f32
      %gt3A_225 = vector.broadcast %gt3A_224 : f32 to vector<16xf32>
      %gt3A_226 = arith.cmpf ogt, %get3A_199, %gt3A_225 : vector<16xf32>
      %select_n3A_227 = arith.select %gt3A_226, %broadcast_in_dim3A_32, %broadcast_in_dim3A_30 : vector<16xi1>, vector<16xi32>
      %gt3A_228 = arith.constant -0.34906584 : f32
      %gt3A_229 = vector.broadcast %gt3A_228 : f32 to vector<16xf32>
      %gt3A_230 = arith.cmpf ogt, %get3A_199, %gt3A_229 : vector<16xf32>
      %select_n3A_231 = arith.select %gt3A_230, %broadcast_in_dim3A_32, %broadcast_in_dim3A_30 : vector<16xi1>, vector<16xi32>
      %gt3A_232 = arith.constant 0.000000e+00 : f32
      %gt3A_233 = vector.broadcast %gt3A_232 : f32 to vector<16xf32>
      %gt3A_234 = arith.cmpf ogt, %get3A_199, %gt3A_233 : vector<16xf32>
      %select_n3A_235 = arith.select %gt3A_234, %broadcast_in_dim3A_32, %broadcast_in_dim3A_30 : vector<16xi1>, vector<16xi32>
      %gt3A_236 = arith.constant 0.34906584 : f32
      %gt3A_237 = vector.broadcast %gt3A_236 : f32 to vector<16xf32>
      %gt3A_238 = arith.cmpf ogt, %get3A_199, %gt3A_237 : vector<16xf32>
      %select_n3A_239 = arith.select %gt3A_238, %broadcast_in_dim3A_32, %broadcast_in_dim3A_30 : vector<16xi1>, vector<16xi32>
      %gt3A_240 = arith.constant 0.69813168 : f32
      %gt3A_241 = vector.broadcast %gt3A_240 : f32 to vector<16xf32>
      %gt3A_242 = arith.cmpf ogt, %get3A_199, %gt3A_241 : vector<16xf32>
      %select_n3A_243 = arith.select %gt3A_242, %broadcast_in_dim3A_32, %broadcast_in_dim3A_30 : vector<16xi1>, vector<16xi32>
      %gt3A_244 = arith.constant 1.04719758 : f32
      %gt3A_245 = vector.broadcast %gt3A_244 : f32 to vector<16xf32>
      %gt3A_246 = arith.cmpf ogt, %get3A_199, %gt3A_245 : vector<16xf32>
      %select_n3A_247 = arith.select %gt3A_246, %broadcast_in_dim3A_32, %broadcast_in_dim3A_30 : vector<16xi1>, vector<16xi32>
      %gt3A_248 = arith.constant 1.39626336 : f32
      %gt3A_249 = vector.broadcast %gt3A_248 : f32 to vector<16xf32>
      %gt3A_250 = arith.cmpf ogt, %get3A_199, %gt3A_249 : vector<16xf32>
      %select_n3A_251 = arith.select %gt3A_250, %broadcast_in_dim3A_32, %broadcast_in_dim3A_30 : vector<16xi1>, vector<16xi32>
      %gt3A_252 = arith.constant 1.74532926 : f32
      %gt3A_253 = vector.broadcast %gt3A_252 : f32 to vector<16xf32>
      %gt3A_254 = arith.cmpf ogt, %get3A_199, %gt3A_253 : vector<16xf32>
      %select_n3A_255 = arith.select %gt3A_254, %broadcast_in_dim3A_32, %broadcast_in_dim3A_30 : vector<16xi1>, vector<16xi32>
      %gt3A_256 = arith.constant 2.09439516 : f32
      %gt3A_257 = vector.broadcast %gt3A_256 : f32 to vector<16xf32>
      %gt3A_258 = arith.cmpf ogt, %get3A_199, %gt3A_257 : vector<16xf32>
      %select_n3A_259 = arith.select %gt3A_258, %broadcast_in_dim3A_32, %broadcast_in_dim3A_30 : vector<16xi1>, vector<16xi32>
      %gt3A_260 = arith.constant 2.44346094 : f32
      %gt3A_261 = vector.broadcast %gt3A_260 : f32 to vector<16xf32>
      %gt3A_262 = arith.cmpf ogt, %get3A_199, %gt3A_261 : vector<16xf32>
      %select_n3A_263 = arith.select %gt3A_262, %broadcast_in_dim3A_32, %broadcast_in_dim3A_30 : vector<16xi1>, vector<16xi32>
      %gt3A_264 = arith.constant 2.79252672 : f32
      %gt3A_265 = vector.broadcast %gt3A_264 : f32 to vector<16xf32>
      %gt3A_266 = arith.cmpf ogt, %get3A_199, %gt3A_265 : vector<16xf32>
      %select_n3A_267 = arith.select %gt3A_266, %broadcast_in_dim3A_32, %broadcast_in_dim3A_30 : vector<16xi1>, vector<16xi32>
      %add3A_268 = arith.addi %select_n3A_203, %select_n3A_207 : vector<16xi32>
      %add3A_269 = arith.addi %select_n3A_211, %select_n3A_215 : vector<16xi32>
      %add3A_270 = arith.addi %select_n3A_219, %select_n3A_223 : vector<16xi32>
      %add3A_271 = arith.addi %select_n3A_227, %select_n3A_231 : vector<16xi32>
      %add3A_272 = arith.addi %select_n3A_235, %select_n3A_239 : vector<16xi32>
      %add3A_273 = arith.addi %select_n3A_243, %select_n3A_247 : vector<16xi32>
      %add3A_274 = arith.addi %select_n3A_251, %select_n3A_255 : vector<16xi32>
      %add3A_275 = arith.addi %select_n3A_259, %select_n3A_263 : vector<16xi32>
      %add3A_276 = arith.addi %add3A_268, %add3A_269 : vector<16xi32>
      %add3A_277 = arith.addi %add3A_270, %add3A_271 : vector<16xi32>
      %add3A_278 = arith.addi %add3A_272, %add3A_273 : vector<16xi32>
      %add3A_279 = arith.addi %add3A_274, %add3A_275 : vector<16xi32>
      %add3A_280 = arith.addi %add3A_276, %add3A_277 : vector<16xi32>
      %add3A_281 = arith.addi %add3A_278, %add3A_279 : vector<16xi32>
      %add3A_282 = arith.addi %add3A_280, %add3A_281 : vector<16xi32>
      %add3A_283 = arith.addi %add3A_282, %select_n3A_267 : vector<16xi32>
      %mul3A_284 = arith.constant 128 : i32
      %mul3A_285 = vector.broadcast %mul3A_284 : i32 to vector<16xi32>
      %mul3A_286 = arith.muli %add3A_283, %mul3A_285 : vector<16xi32>
      %add3A_287 = arith.constant 16 : i32
      %add3A_288 = vector.broadcast %add3A_287 : i32 to vector<16xi32>
      %add3A_289 = arith.addi %iota3A, %add3A_288 : vector<16xi32>
      %add3A_290 = arith.addi %mul3A_286, %add3A_289 : vector<16xi32>
      %add3A_291 = arith.constant 0 : i32
      %add3A_292 = vector.broadcast %add3A_291 : i32 to vector<16xi32>
      %add3A_293 = arith.addi %add3A_290, %add3A_292 : vector<16xi32>
      tpu.vector_store_idx %arg7[%add3A_293], %get3A_46 {add = true} : memref<20736xf32, #tpu.memory_space<vmem>>[vector<16xi32>], vector<16xf32>,
      %add3A_294 = arith.constant 2304 : i32
      %add3A_295 = vector.broadcast %add3A_294 : i32 to vector<16xi32>
      %add3A_296 = arith.addi %add3A_290, %add3A_295 : vector<16xi32>
      tpu.vector_store_idx %arg7[%add3A_296], %get3A_50 {add = true} : memref<20736xf32, #tpu.memory_space<vmem>>[vector<16xi32>], vector<16xf32>,
      %add3A_297 = arith.constant 4608 : i32
      %add3A_298 = vector.broadcast %add3A_297 : i32 to vector<16xi32>
      %add3A_299 = arith.addi %add3A_290, %add3A_298 : vector<16xi32>
      tpu.vector_store_idx %arg7[%add3A_299], %get3A_54 {add = true} : memref<20736xf32, #tpu.memory_space<vmem>>[vector<16xi32>], vector<16xf32>,
      %add3A_300 = arith.constant 6912 : i32
      %add3A_301 = vector.broadcast %add3A_300 : i32 to vector<16xi32>
      %add3A_302 = arith.addi %add3A_290, %add3A_301 : vector<16xi32>
      tpu.vector_store_idx %arg7[%add3A_302], %get3A_58 {add = true} : memref<20736xf32, #tpu.memory_space<vmem>>[vector<16xi32>], vector<16xf32>,
      %add3A_303 = arith.constant 9216 : i32
      %add3A_304 = vector.broadcast %add3A_303 : i32 to vector<16xi32>
      %add3A_305 = arith.addi %add3A_290, %add3A_304 : vector<16xi32>
      tpu.vector_store_idx %arg7[%add3A_305], %get3A_62 {add = true} : memref<20736xf32, #tpu.memory_space<vmem>>[vector<16xi32>], vector<16xf32>,
      %add3A_306 = arith.constant 11520 : i32
      %add3A_307 = vector.broadcast %add3A_306 : i32 to vector<16xi32>
      %add3A_308 = arith.addi %add3A_290, %add3A_307 : vector<16xi32>
      tpu.vector_store_idx %arg7[%add3A_308], %get3A_66 {add = true} : memref<20736xf32, #tpu.memory_space<vmem>>[vector<16xi32>], vector<16xf32>,
      %add3A_309 = arith.constant 13824 : i32
      %add3A_310 = vector.broadcast %add3A_309 : i32 to vector<16xi32>
      %add3A_311 = arith.addi %add3A_290, %add3A_310 : vector<16xi32>
      tpu.vector_store_idx %arg7[%add3A_311], %get3A_70 {add = true} : memref<20736xf32, #tpu.memory_space<vmem>>[vector<16xi32>], vector<16xf32>,
      %add3A_312 = arith.constant 16128 : i32
      %add3A_313 = vector.broadcast %add3A_312 : i32 to vector<16xi32>
      %add3A_314 = arith.addi %add3A_290, %add3A_313 : vector<16xi32>
      tpu.vector_store_idx %arg7[%add3A_314], %get3A_74 {add = true} : memref<20736xf32, #tpu.memory_space<vmem>>[vector<16xi32>], vector<16xf32>,
      %add3A_315 = arith.constant 18432 : i32
      %add3A_316 = vector.broadcast %add3A_315 : i32 to vector<16xi32>
      %add3A_317 = arith.addi %add3A_290, %add3A_316 : vector<16xi32>
      tpu.vector_store_idx %arg7[%add3A_317], %broadcast_in_dim3A_28 {add = true} : memref<20736xf32, #tpu.memory_space<vmem>>[vector<16xi32>], vector<16xf32>,
      %get3A_318 = arith.constant 2 : i32
      %get3A_319 = arith.index_cast %get3A_318 : i32 to index
      %get3A_320 = arith.index_cast %add3A_43 : i32 to index
      %get3A_321 = tpu.vector_load %arg5[%get3A_319, %get3A_320] {strides = array<i32>} : memref<8x1024xf32, #tpu.memory_space<vmem>>, vector<16xf32>,
      %gt3A_322 = arith.constant -2.79252672 : f32
      %gt3A_323 = vector.broadcast %gt3A_322 : f32 to vector<16xf32>
      %gt3A_324 = arith.cmpf ogt, %get3A_321, %gt3A_323 : vector<16xf32>
      %select_n3A_325 = arith.select %gt3A_324, %broadcast_in_dim3A_32, %broadcast_in_dim3A_30 : vector<16xi1>, vector<16xi32>
      %gt3A_326 = arith.constant -2.44346094 : f32
      %gt3A_327 = vector.broadcast %gt3A_326 : f32 to vector<16xf32>
      %gt3A_328 = arith.cmpf ogt, %get3A_321, %gt3A_327 : vector<16xf32>
      %select_n3A_329 = arith.select %gt3A_328, %broadcast_in_dim3A_32, %broadcast_in_dim3A_30 : vector<16xi1>, vector<16xi32>
      %gt3A_330 = arith.constant -2.09439516 : f32
      %gt3A_331 = vector.broadcast %gt3A_330 : f32 to vector<16xf32>
      %gt3A_332 = arith.cmpf ogt, %get3A_321, %gt3A_331 : vector<16xf32>
      %select_n3A_333 = arith.select %gt3A_332, %broadcast_in_dim3A_32, %broadcast_in_dim3A_30 : vector<16xi1>, vector<16xi32>
      %gt3A_334 = arith.constant -1.74532926 : f32
      %gt3A_335 = vector.broadcast %gt3A_334 : f32 to vector<16xf32>
      %gt3A_336 = arith.cmpf ogt, %get3A_321, %gt3A_335 : vector<16xf32>
      %select_n3A_337 = arith.select %gt3A_336, %broadcast_in_dim3A_32, %broadcast_in_dim3A_30 : vector<16xi1>, vector<16xi32>
      %gt3A_338 = arith.constant -1.39626336 : f32
      %gt3A_339 = vector.broadcast %gt3A_338 : f32 to vector<16xf32>
      %gt3A_340 = arith.cmpf ogt, %get3A_321, %gt3A_339 : vector<16xf32>
      %select_n3A_341 = arith.select %gt3A_340, %broadcast_in_dim3A_32, %broadcast_in_dim3A_30 : vector<16xi1>, vector<16xi32>
      %gt3A_342 = arith.constant -1.04719758 : f32
      %gt3A_343 = vector.broadcast %gt3A_342 : f32 to vector<16xf32>
      %gt3A_344 = arith.cmpf ogt, %get3A_321, %gt3A_343 : vector<16xf32>
      %select_n3A_345 = arith.select %gt3A_344, %broadcast_in_dim3A_32, %broadcast_in_dim3A_30 : vector<16xi1>, vector<16xi32>
      %gt3A_346 = arith.constant -0.69813168 : f32
      %gt3A_347 = vector.broadcast %gt3A_346 : f32 to vector<16xf32>
      %gt3A_348 = arith.cmpf ogt, %get3A_321, %gt3A_347 : vector<16xf32>
      %select_n3A_349 = arith.select %gt3A_348, %broadcast_in_dim3A_32, %broadcast_in_dim3A_30 : vector<16xi1>, vector<16xi32>
      %gt3A_350 = arith.constant -0.34906584 : f32
      %gt3A_351 = vector.broadcast %gt3A_350 : f32 to vector<16xf32>
      %gt3A_352 = arith.cmpf ogt, %get3A_321, %gt3A_351 : vector<16xf32>
      %select_n3A_353 = arith.select %gt3A_352, %broadcast_in_dim3A_32, %broadcast_in_dim3A_30 : vector<16xi1>, vector<16xi32>
      %gt3A_354 = arith.constant 0.000000e+00 : f32
      %gt3A_355 = vector.broadcast %gt3A_354 : f32 to vector<16xf32>
      %gt3A_356 = arith.cmpf ogt, %get3A_321, %gt3A_355 : vector<16xf32>
      %select_n3A_357 = arith.select %gt3A_356, %broadcast_in_dim3A_32, %broadcast_in_dim3A_30 : vector<16xi1>, vector<16xi32>
      %gt3A_358 = arith.constant 0.34906584 : f32
      %gt3A_359 = vector.broadcast %gt3A_358 : f32 to vector<16xf32>
      %gt3A_360 = arith.cmpf ogt, %get3A_321, %gt3A_359 : vector<16xf32>
      %select_n3A_361 = arith.select %gt3A_360, %broadcast_in_dim3A_32, %broadcast_in_dim3A_30 : vector<16xi1>, vector<16xi32>
      %gt3A_362 = arith.constant 0.69813168 : f32
      %gt3A_363 = vector.broadcast %gt3A_362 : f32 to vector<16xf32>
      %gt3A_364 = arith.cmpf ogt, %get3A_321, %gt3A_363 : vector<16xf32>
      %select_n3A_365 = arith.select %gt3A_364, %broadcast_in_dim3A_32, %broadcast_in_dim3A_30 : vector<16xi1>, vector<16xi32>
      %gt3A_366 = arith.constant 1.04719758 : f32
      %gt3A_367 = vector.broadcast %gt3A_366 : f32 to vector<16xf32>
      %gt3A_368 = arith.cmpf ogt, %get3A_321, %gt3A_367 : vector<16xf32>
      %select_n3A_369 = arith.select %gt3A_368, %broadcast_in_dim3A_32, %broadcast_in_dim3A_30 : vector<16xi1>, vector<16xi32>
      %gt3A_370 = arith.constant 1.39626336 : f32
      %gt3A_371 = vector.broadcast %gt3A_370 : f32 to vector<16xf32>
      %gt3A_372 = arith.cmpf ogt, %get3A_321, %gt3A_371 : vector<16xf32>
      %select_n3A_373 = arith.select %gt3A_372, %broadcast_in_dim3A_32, %broadcast_in_dim3A_30 : vector<16xi1>, vector<16xi32>
      %gt3A_374 = arith.constant 1.74532926 : f32
      %gt3A_375 = vector.broadcast %gt3A_374 : f32 to vector<16xf32>
      %gt3A_376 = arith.cmpf ogt, %get3A_321, %gt3A_375 : vector<16xf32>
      %select_n3A_377 = arith.select %gt3A_376, %broadcast_in_dim3A_32, %broadcast_in_dim3A_30 : vector<16xi1>, vector<16xi32>
      %gt3A_378 = arith.constant 2.09439516 : f32
      %gt3A_379 = vector.broadcast %gt3A_378 : f32 to vector<16xf32>
      %gt3A_380 = arith.cmpf ogt, %get3A_321, %gt3A_379 : vector<16xf32>
      %select_n3A_381 = arith.select %gt3A_380, %broadcast_in_dim3A_32, %broadcast_in_dim3A_30 : vector<16xi1>, vector<16xi32>
      %gt3A_382 = arith.constant 2.44346094 : f32
      %gt3A_383 = vector.broadcast %gt3A_382 : f32 to vector<16xf32>
      %gt3A_384 = arith.cmpf ogt, %get3A_321, %gt3A_383 : vector<16xf32>
      %select_n3A_385 = arith.select %gt3A_384, %broadcast_in_dim3A_32, %broadcast_in_dim3A_30 : vector<16xi1>, vector<16xi32>
      %gt3A_386 = arith.constant 2.79252672 : f32
      %gt3A_387 = vector.broadcast %gt3A_386 : f32 to vector<16xf32>
      %gt3A_388 = arith.cmpf ogt, %get3A_321, %gt3A_387 : vector<16xf32>
      %select_n3A_389 = arith.select %gt3A_388, %broadcast_in_dim3A_32, %broadcast_in_dim3A_30 : vector<16xi1>, vector<16xi32>
      %add3A_390 = arith.addi %select_n3A_325, %select_n3A_329 : vector<16xi32>
      %add3A_391 = arith.addi %select_n3A_333, %select_n3A_337 : vector<16xi32>
      %add3A_392 = arith.addi %select_n3A_341, %select_n3A_345 : vector<16xi32>
      %add3A_393 = arith.addi %select_n3A_349, %select_n3A_353 : vector<16xi32>
      %add3A_394 = arith.addi %select_n3A_357, %select_n3A_361 : vector<16xi32>
      %add3A_395 = arith.addi %select_n3A_365, %select_n3A_369 : vector<16xi32>
      %add3A_396 = arith.addi %select_n3A_373, %select_n3A_377 : vector<16xi32>
      %add3A_397 = arith.addi %select_n3A_381, %select_n3A_385 : vector<16xi32>
      %add3A_398 = arith.addi %add3A_390, %add3A_391 : vector<16xi32>
      %add3A_399 = arith.addi %add3A_392, %add3A_393 : vector<16xi32>
      %add3A_400 = arith.addi %add3A_394, %add3A_395 : vector<16xi32>
      %add3A_401 = arith.addi %add3A_396, %add3A_397 : vector<16xi32>
      %add3A_402 = arith.addi %add3A_398, %add3A_399 : vector<16xi32>
      %add3A_403 = arith.addi %add3A_400, %add3A_401 : vector<16xi32>
      %add3A_404 = arith.addi %add3A_402, %add3A_403 : vector<16xi32>
      %add3A_405 = arith.addi %add3A_404, %select_n3A_389 : vector<16xi32>
      %mul3A_406 = arith.constant 128 : i32
      %mul3A_407 = vector.broadcast %mul3A_406 : i32 to vector<16xi32>
      %mul3A_408 = arith.muli %add3A_405, %mul3A_407 : vector<16xi32>
      %add3A_409 = arith.constant 32 : i32
      %add3A_410 = vector.broadcast %add3A_409 : i32 to vector<16xi32>
      %add3A_411 = arith.addi %iota3A, %add3A_410 : vector<16xi32>
      %add3A_412 = arith.addi %mul3A_408, %add3A_411 : vector<16xi32>
      %add3A_413 = arith.constant 0 : i32
      %add3A_414 = vector.broadcast %add3A_413 : i32 to vector<16xi32>
      %add3A_415 = arith.addi %add3A_412, %add3A_414 : vector<16xi32>
      tpu.vector_store_idx %arg7[%add3A_415], %get3A_46 {add = true} : memref<20736xf32, #tpu.memory_space<vmem>>[vector<16xi32>], vector<16xf32>,
      %add3A_416 = arith.constant 2304 : i32
      %add3A_417 = vector.broadcast %add3A_416 : i32 to vector<16xi32>
      %add3A_418 = arith.addi %add3A_412, %add3A_417 : vector<16xi32>
      tpu.vector_store_idx %arg7[%add3A_418], %get3A_50 {add = true} : memref<20736xf32, #tpu.memory_space<vmem>>[vector<16xi32>], vector<16xf32>,
      %add3A_419 = arith.constant 4608 : i32
      %add3A_420 = vector.broadcast %add3A_419 : i32 to vector<16xi32>
      %add3A_421 = arith.addi %add3A_412, %add3A_420 : vector<16xi32>
      tpu.vector_store_idx %arg7[%add3A_421], %get3A_54 {add = true} : memref<20736xf32, #tpu.memory_space<vmem>>[vector<16xi32>], vector<16xf32>,
      %add3A_422 = arith.constant 6912 : i32
      %add3A_423 = vector.broadcast %add3A_422 : i32 to vector<16xi32>
      %add3A_424 = arith.addi %add3A_412, %add3A_423 : vector<16xi32>
      tpu.vector_store_idx %arg7[%add3A_424], %get3A_58 {add = true} : memref<20736xf32, #tpu.memory_space<vmem>>[vector<16xi32>], vector<16xf32>,
      %add3A_425 = arith.constant 9216 : i32
      %add3A_426 = vector.broadcast %add3A_425 : i32 to vector<16xi32>
      %add3A_427 = arith.addi %add3A_412, %add3A_426 : vector<16xi32>
      tpu.vector_store_idx %arg7[%add3A_427], %get3A_62 {add = true} : memref<20736xf32, #tpu.memory_space<vmem>>[vector<16xi32>], vector<16xf32>,
      %add3A_428 = arith.constant 11520 : i32
      %add3A_429 = vector.broadcast %add3A_428 : i32 to vector<16xi32>
      %add3A_430 = arith.addi %add3A_412, %add3A_429 : vector<16xi32>
      tpu.vector_store_idx %arg7[%add3A_430], %get3A_66 {add = true} : memref<20736xf32, #tpu.memory_space<vmem>>[vector<16xi32>], vector<16xf32>,
      %add3A_431 = arith.constant 13824 : i32
      %add3A_432 = vector.broadcast %add3A_431 : i32 to vector<16xi32>
      %add3A_433 = arith.addi %add3A_412, %add3A_432 : vector<16xi32>
      tpu.vector_store_idx %arg7[%add3A_433], %get3A_70 {add = true} : memref<20736xf32, #tpu.memory_space<vmem>>[vector<16xi32>], vector<16xf32>,
      %add3A_434 = arith.constant 16128 : i32
      %add3A_435 = vector.broadcast %add3A_434 : i32 to vector<16xi32>
      %add3A_436 = arith.addi %add3A_412, %add3A_435 : vector<16xi32>
      tpu.vector_store_idx %arg7[%add3A_436], %get3A_74 {add = true} : memref<20736xf32, #tpu.memory_space<vmem>>[vector<16xi32>], vector<16xf32>,
      %add3A_437 = arith.constant 18432 : i32
      %add3A_438 = vector.broadcast %add3A_437 : i32 to vector<16xi32>
      %add3A_439 = arith.addi %add3A_412, %add3A_438 : vector<16xi32>
      tpu.vector_store_idx %arg7[%add3A_439], %broadcast_in_dim3A_28 {add = true} : memref<20736xf32, #tpu.memory_space<vmem>>[vector<16xi32>], vector<16xf32>,
      %get3A_440 = arith.constant 3 : i32
      %get3A_441 = arith.index_cast %get3A_440 : i32 to index
      %get3A_442 = arith.index_cast %add3A_43 : i32 to index
      %get3A_443 = tpu.vector_load %arg5[%get3A_441, %get3A_442] {strides = array<i32>} : memref<8x1024xf32, #tpu.memory_space<vmem>>, vector<16xf32>,
      %gt3A_444 = arith.constant -2.79252672 : f32
      %gt3A_445 = vector.broadcast %gt3A_444 : f32 to vector<16xf32>
      %gt3A_446 = arith.cmpf ogt, %get3A_443, %gt3A_445 : vector<16xf32>
      %select_n3A_447 = arith.select %gt3A_446, %broadcast_in_dim3A_32, %broadcast_in_dim3A_30 : vector<16xi1>, vector<16xi32>
      %gt3A_448 = arith.constant -2.44346094 : f32
      %gt3A_449 = vector.broadcast %gt3A_448 : f32 to vector<16xf32>
      %gt3A_450 = arith.cmpf ogt, %get3A_443, %gt3A_449 : vector<16xf32>
      %select_n3A_451 = arith.select %gt3A_450, %broadcast_in_dim3A_32, %broadcast_in_dim3A_30 : vector<16xi1>, vector<16xi32>
      %gt3A_452 = arith.constant -2.09439516 : f32
      %gt3A_453 = vector.broadcast %gt3A_452 : f32 to vector<16xf32>
      %gt3A_454 = arith.cmpf ogt, %get3A_443, %gt3A_453 : vector<16xf32>
      %select_n3A_455 = arith.select %gt3A_454, %broadcast_in_dim3A_32, %broadcast_in_dim3A_30 : vector<16xi1>, vector<16xi32>
      %gt3A_456 = arith.constant -1.74532926 : f32
      %gt3A_457 = vector.broadcast %gt3A_456 : f32 to vector<16xf32>
      %gt3A_458 = arith.cmpf ogt, %get3A_443, %gt3A_457 : vector<16xf32>
      %select_n3A_459 = arith.select %gt3A_458, %broadcast_in_dim3A_32, %broadcast_in_dim3A_30 : vector<16xi1>, vector<16xi32>
      %gt3A_460 = arith.constant -1.39626336 : f32
      %gt3A_461 = vector.broadcast %gt3A_460 : f32 to vector<16xf32>
      %gt3A_462 = arith.cmpf ogt, %get3A_443, %gt3A_461 : vector<16xf32>
      %select_n3A_463 = arith.select %gt3A_462, %broadcast_in_dim3A_32, %broadcast_in_dim3A_30 : vector<16xi1>, vector<16xi32>
      %gt3A_464 = arith.constant -1.04719758 : f32
      %gt3A_465 = vector.broadcast %gt3A_464 : f32 to vector<16xf32>
      %gt3A_466 = arith.cmpf ogt, %get3A_443, %gt3A_465 : vector<16xf32>
      %select_n3A_467 = arith.select %gt3A_466, %broadcast_in_dim3A_32, %broadcast_in_dim3A_30 : vector<16xi1>, vector<16xi32>
      %gt3A_468 = arith.constant -0.69813168 : f32
      %gt3A_469 = vector.broadcast %gt3A_468 : f32 to vector<16xf32>
      %gt3A_470 = arith.cmpf ogt, %get3A_443, %gt3A_469 : vector<16xf32>
      %select_n3A_471 = arith.select %gt3A_470, %broadcast_in_dim3A_32, %broadcast_in_dim3A_30 : vector<16xi1>, vector<16xi32>
      %gt3A_472 = arith.constant -0.34906584 : f32
      %gt3A_473 = vector.broadcast %gt3A_472 : f32 to vector<16xf32>
      %gt3A_474 = arith.cmpf ogt, %get3A_443, %gt3A_473 : vector<16xf32>
      %select_n3A_475 = arith.select %gt3A_474, %broadcast_in_dim3A_32, %broadcast_in_dim3A_30 : vector<16xi1>, vector<16xi32>
      %gt3A_476 = arith.constant 0.000000e+00 : f32
      %gt3A_477 = vector.broadcast %gt3A_476 : f32 to vector<16xf32>
      %gt3A_478 = arith.cmpf ogt, %get3A_443, %gt3A_477 : vector<16xf32>
      %select_n3A_479 = arith.select %gt3A_478, %broadcast_in_dim3A_32, %broadcast_in_dim3A_30 : vector<16xi1>, vector<16xi32>
      %gt3A_480 = arith.constant 0.34906584 : f32
      %gt3A_481 = vector.broadcast %gt3A_480 : f32 to vector<16xf32>
      %gt3A_482 = arith.cmpf ogt, %get3A_443, %gt3A_481 : vector<16xf32>
      %select_n3A_483 = arith.select %gt3A_482, %broadcast_in_dim3A_32, %broadcast_in_dim3A_30 : vector<16xi1>, vector<16xi32>
      %gt3A_484 = arith.constant 0.69813168 : f32
      %gt3A_485 = vector.broadcast %gt3A_484 : f32 to vector<16xf32>
      %gt3A_486 = arith.cmpf ogt, %get3A_443, %gt3A_485 : vector<16xf32>
      %select_n3A_487 = arith.select %gt3A_486, %broadcast_in_dim3A_32, %broadcast_in_dim3A_30 : vector<16xi1>, vector<16xi32>
      %gt3A_488 = arith.constant 1.04719758 : f32
      %gt3A_489 = vector.broadcast %gt3A_488 : f32 to vector<16xf32>
      %gt3A_490 = arith.cmpf ogt, %get3A_443, %gt3A_489 : vector<16xf32>
      %select_n3A_491 = arith.select %gt3A_490, %broadcast_in_dim3A_32, %broadcast_in_dim3A_30 : vector<16xi1>, vector<16xi32>
      %gt3A_492 = arith.constant 1.39626336 : f32
      %gt3A_493 = vector.broadcast %gt3A_492 : f32 to vector<16xf32>
      %gt3A_494 = arith.cmpf ogt, %get3A_443, %gt3A_493 : vector<16xf32>
      %select_n3A_495 = arith.select %gt3A_494, %broadcast_in_dim3A_32, %broadcast_in_dim3A_30 : vector<16xi1>, vector<16xi32>
      %gt3A_496 = arith.constant 1.74532926 : f32
      %gt3A_497 = vector.broadcast %gt3A_496 : f32 to vector<16xf32>
      %gt3A_498 = arith.cmpf ogt, %get3A_443, %gt3A_497 : vector<16xf32>
      %select_n3A_499 = arith.select %gt3A_498, %broadcast_in_dim3A_32, %broadcast_in_dim3A_30 : vector<16xi1>, vector<16xi32>
      %gt3A_500 = arith.constant 2.09439516 : f32
      %gt3A_501 = vector.broadcast %gt3A_500 : f32 to vector<16xf32>
      %gt3A_502 = arith.cmpf ogt, %get3A_443, %gt3A_501 : vector<16xf32>
      %select_n3A_503 = arith.select %gt3A_502, %broadcast_in_dim3A_32, %broadcast_in_dim3A_30 : vector<16xi1>, vector<16xi32>
      %gt3A_504 = arith.constant 2.44346094 : f32
      %gt3A_505 = vector.broadcast %gt3A_504 : f32 to vector<16xf32>
      %gt3A_506 = arith.cmpf ogt, %get3A_443, %gt3A_505 : vector<16xf32>
      %select_n3A_507 = arith.select %gt3A_506, %broadcast_in_dim3A_32, %broadcast_in_dim3A_30 : vector<16xi1>, vector<16xi32>
      %gt3A_508 = arith.constant 2.79252672 : f32
      %gt3A_509 = vector.broadcast %gt3A_508 : f32 to vector<16xf32>
      %gt3A_510 = arith.cmpf ogt, %get3A_443, %gt3A_509 : vector<16xf32>
      %select_n3A_511 = arith.select %gt3A_510, %broadcast_in_dim3A_32, %broadcast_in_dim3A_30 : vector<16xi1>, vector<16xi32>
      %add3A_512 = arith.addi %select_n3A_447, %select_n3A_451 : vector<16xi32>
      %add3A_513 = arith.addi %select_n3A_455, %select_n3A_459 : vector<16xi32>
      %add3A_514 = arith.addi %select_n3A_463, %select_n3A_467 : vector<16xi32>
      %add3A_515 = arith.addi %select_n3A_471, %select_n3A_475 : vector<16xi32>
      %add3A_516 = arith.addi %select_n3A_479, %select_n3A_483 : vector<16xi32>
      %add3A_517 = arith.addi %select_n3A_487, %select_n3A_491 : vector<16xi32>
      %add3A_518 = arith.addi %select_n3A_495, %select_n3A_499 : vector<16xi32>
      %add3A_519 = arith.addi %select_n3A_503, %select_n3A_507 : vector<16xi32>
      %add3A_520 = arith.addi %add3A_512, %add3A_513 : vector<16xi32>
      %add3A_521 = arith.addi %add3A_514, %add3A_515 : vector<16xi32>
      %add3A_522 = arith.addi %add3A_516, %add3A_517 : vector<16xi32>
      %add3A_523 = arith.addi %add3A_518, %add3A_519 : vector<16xi32>
      %add3A_524 = arith.addi %add3A_520, %add3A_521 : vector<16xi32>
      %add3A_525 = arith.addi %add3A_522, %add3A_523 : vector<16xi32>
      %add3A_526 = arith.addi %add3A_524, %add3A_525 : vector<16xi32>
      %add3A_527 = arith.addi %add3A_526, %select_n3A_511 : vector<16xi32>
      %mul3A_528 = arith.constant 128 : i32
      %mul3A_529 = vector.broadcast %mul3A_528 : i32 to vector<16xi32>
      %mul3A_530 = arith.muli %add3A_527, %mul3A_529 : vector<16xi32>
      %add3A_531 = arith.constant 48 : i32
      %add3A_532 = vector.broadcast %add3A_531 : i32 to vector<16xi32>
      %add3A_533 = arith.addi %iota3A, %add3A_532 : vector<16xi32>
      %add3A_534 = arith.addi %mul3A_530, %add3A_533 : vector<16xi32>
      %add3A_535 = arith.constant 0 : i32
      %add3A_536 = vector.broadcast %add3A_535 : i32 to vector<16xi32>
      %add3A_537 = arith.addi %add3A_534, %add3A_536 : vector<16xi32>
      tpu.vector_store_idx %arg7[%add3A_537], %get3A_46 {add = true} : memref<20736xf32, #tpu.memory_space<vmem>>[vector<16xi32>], vector<16xf32>,
      %add3A_538 = arith.constant 2304 : i32
      %add3A_539 = vector.broadcast %add3A_538 : i32 to vector<16xi32>
      %add3A_540 = arith.addi %add3A_534, %add3A_539 : vector<16xi32>
      tpu.vector_store_idx %arg7[%add3A_540], %get3A_50 {add = true} : memref<20736xf32, #tpu.memory_space<vmem>>[vector<16xi32>], vector<16xf32>,
      %add3A_541 = arith.constant 4608 : i32
      %add3A_542 = vector.broadcast %add3A_541 : i32 to vector<16xi32>
      %add3A_543 = arith.addi %add3A_534, %add3A_542 : vector<16xi32>
      tpu.vector_store_idx %arg7[%add3A_543], %get3A_54 {add = true} : memref<20736xf32, #tpu.memory_space<vmem>>[vector<16xi32>], vector<16xf32>,
      %add3A_544 = arith.constant 6912 : i32
      %add3A_545 = vector.broadcast %add3A_544 : i32 to vector<16xi32>
      %add3A_546 = arith.addi %add3A_534, %add3A_545 : vector<16xi32>
      tpu.vector_store_idx %arg7[%add3A_546], %get3A_58 {add = true} : memref<20736xf32, #tpu.memory_space<vmem>>[vector<16xi32>], vector<16xf32>,
      %add3A_547 = arith.constant 9216 : i32
      %add3A_548 = vector.broadcast %add3A_547 : i32 to vector<16xi32>
      %add3A_549 = arith.addi %add3A_534, %add3A_548 : vector<16xi32>
      tpu.vector_store_idx %arg7[%add3A_549], %get3A_62 {add = true} : memref<20736xf32, #tpu.memory_space<vmem>>[vector<16xi32>], vector<16xf32>,
      %add3A_550 = arith.constant 11520 : i32
      %add3A_551 = vector.broadcast %add3A_550 : i32 to vector<16xi32>
      %add3A_552 = arith.addi %add3A_534, %add3A_551 : vector<16xi32>
      tpu.vector_store_idx %arg7[%add3A_552], %get3A_66 {add = true} : memref<20736xf32, #tpu.memory_space<vmem>>[vector<16xi32>], vector<16xf32>,
      %add3A_553 = arith.constant 13824 : i32
      %add3A_554 = vector.broadcast %add3A_553 : i32 to vector<16xi32>
      %add3A_555 = arith.addi %add3A_534, %add3A_554 : vector<16xi32>
      tpu.vector_store_idx %arg7[%add3A_555], %get3A_70 {add = true} : memref<20736xf32, #tpu.memory_space<vmem>>[vector<16xi32>], vector<16xf32>,
      %add3A_556 = arith.constant 16128 : i32
      %add3A_557 = vector.broadcast %add3A_556 : i32 to vector<16xi32>
      %add3A_558 = arith.addi %add3A_534, %add3A_557 : vector<16xi32>
      tpu.vector_store_idx %arg7[%add3A_558], %get3A_74 {add = true} : memref<20736xf32, #tpu.memory_space<vmem>>[vector<16xi32>], vector<16xf32>,
      %add3A_559 = arith.constant 18432 : i32
      %add3A_560 = vector.broadcast %add3A_559 : i32 to vector<16xi32>
      %add3A_561 = arith.addi %add3A_534, %add3A_560 : vector<16xi32>
      tpu.vector_store_idx %arg7[%add3A_561], %broadcast_in_dim3A_28 {add = true} : memref<20736xf32, #tpu.memory_space<vmem>>[vector<16xi32>], vector<16xf32>,
      %get3A_562 = arith.constant 4 : i32
      %get3A_563 = arith.index_cast %get3A_562 : i32 to index
      %get3A_564 = arith.index_cast %add3A_43 : i32 to index
      %get3A_565 = tpu.vector_load %arg5[%get3A_563, %get3A_564] {strides = array<i32>} : memref<8x1024xf32, #tpu.memory_space<vmem>>, vector<16xf32>,
      %gt3A_566 = arith.constant -2.79252672 : f32
      %gt3A_567 = vector.broadcast %gt3A_566 : f32 to vector<16xf32>
      %gt3A_568 = arith.cmpf ogt, %get3A_565, %gt3A_567 : vector<16xf32>
      %select_n3A_569 = arith.select %gt3A_568, %broadcast_in_dim3A_32, %broadcast_in_dim3A_30 : vector<16xi1>, vector<16xi32>
      %gt3A_570 = arith.constant -2.44346094 : f32
      %gt3A_571 = vector.broadcast %gt3A_570 : f32 to vector<16xf32>
      %gt3A_572 = arith.cmpf ogt, %get3A_565, %gt3A_571 : vector<16xf32>
      %select_n3A_573 = arith.select %gt3A_572, %broadcast_in_dim3A_32, %broadcast_in_dim3A_30 : vector<16xi1>, vector<16xi32>
      %gt3A_574 = arith.constant -2.09439516 : f32
      %gt3A_575 = vector.broadcast %gt3A_574 : f32 to vector<16xf32>
      %gt3A_576 = arith.cmpf ogt, %get3A_565, %gt3A_575 : vector<16xf32>
      %select_n3A_577 = arith.select %gt3A_576, %broadcast_in_dim3A_32, %broadcast_in_dim3A_30 : vector<16xi1>, vector<16xi32>
      %gt3A_578 = arith.constant -1.74532926 : f32
      %gt3A_579 = vector.broadcast %gt3A_578 : f32 to vector<16xf32>
      %gt3A_580 = arith.cmpf ogt, %get3A_565, %gt3A_579 : vector<16xf32>
      %select_n3A_581 = arith.select %gt3A_580, %broadcast_in_dim3A_32, %broadcast_in_dim3A_30 : vector<16xi1>, vector<16xi32>
      %gt3A_582 = arith.constant -1.39626336 : f32
      %gt3A_583 = vector.broadcast %gt3A_582 : f32 to vector<16xf32>
      %gt3A_584 = arith.cmpf ogt, %get3A_565, %gt3A_583 : vector<16xf32>
      %select_n3A_585 = arith.select %gt3A_584, %broadcast_in_dim3A_32, %broadcast_in_dim3A_30 : vector<16xi1>, vector<16xi32>
      %gt3A_586 = arith.constant -1.04719758 : f32
      %gt3A_587 = vector.broadcast %gt3A_586 : f32 to vector<16xf32>
      %gt3A_588 = arith.cmpf ogt, %get3A_565, %gt3A_587 : vector<16xf32>
      %select_n3A_589 = arith.select %gt3A_588, %broadcast_in_dim3A_32, %broadcast_in_dim3A_30 : vector<16xi1>, vector<16xi32>
      %gt3A_590 = arith.constant -0.69813168 : f32
      %gt3A_591 = vector.broadcast %gt3A_590 : f32 to vector<16xf32>
      %gt3A_592 = arith.cmpf ogt, %get3A_565, %gt3A_591 : vector<16xf32>
      %select_n3A_593 = arith.select %gt3A_592, %broadcast_in_dim3A_32, %broadcast_in_dim3A_30 : vector<16xi1>, vector<16xi32>
      %gt3A_594 = arith.constant -0.34906584 : f32
      %gt3A_595 = vector.broadcast %gt3A_594 : f32 to vector<16xf32>
      %gt3A_596 = arith.cmpf ogt, %get3A_565, %gt3A_595 : vector<16xf32>
      %select_n3A_597 = arith.select %gt3A_596, %broadcast_in_dim3A_32, %broadcast_in_dim3A_30 : vector<16xi1>, vector<16xi32>
      %gt3A_598 = arith.constant 0.000000e+00 : f32
      %gt3A_599 = vector.broadcast %gt3A_598 : f32 to vector<16xf32>
      %gt3A_600 = arith.cmpf ogt, %get3A_565, %gt3A_599 : vector<16xf32>
      %select_n3A_601 = arith.select %gt3A_600, %broadcast_in_dim3A_32, %broadcast_in_dim3A_30 : vector<16xi1>, vector<16xi32>
      %gt3A_602 = arith.constant 0.34906584 : f32
      %gt3A_603 = vector.broadcast %gt3A_602 : f32 to vector<16xf32>
      %gt3A_604 = arith.cmpf ogt, %get3A_565, %gt3A_603 : vector<16xf32>
      %select_n3A_605 = arith.select %gt3A_604, %broadcast_in_dim3A_32, %broadcast_in_dim3A_30 : vector<16xi1>, vector<16xi32>
      %gt3A_606 = arith.constant 0.69813168 : f32
      %gt3A_607 = vector.broadcast %gt3A_606 : f32 to vector<16xf32>
      %gt3A_608 = arith.cmpf ogt, %get3A_565, %gt3A_607 : vector<16xf32>
      %select_n3A_609 = arith.select %gt3A_608, %broadcast_in_dim3A_32, %broadcast_in_dim3A_30 : vector<16xi1>, vector<16xi32>
      %gt3A_610 = arith.constant 1.04719758 : f32
      %gt3A_611 = vector.broadcast %gt3A_610 : f32 to vector<16xf32>
      %gt3A_612 = arith.cmpf ogt, %get3A_565, %gt3A_611 : vector<16xf32>
      %select_n3A_613 = arith.select %gt3A_612, %broadcast_in_dim3A_32, %broadcast_in_dim3A_30 : vector<16xi1>, vector<16xi32>
      %gt3A_614 = arith.constant 1.39626336 : f32
      %gt3A_615 = vector.broadcast %gt3A_614 : f32 to vector<16xf32>
      %gt3A_616 = arith.cmpf ogt, %get3A_565, %gt3A_615 : vector<16xf32>
      %select_n3A_617 = arith.select %gt3A_616, %broadcast_in_dim3A_32, %broadcast_in_dim3A_30 : vector<16xi1>, vector<16xi32>
      %gt3A_618 = arith.constant 1.74532926 : f32
      %gt3A_619 = vector.broadcast %gt3A_618 : f32 to vector<16xf32>
      %gt3A_620 = arith.cmpf ogt, %get3A_565, %gt3A_619 : vector<16xf32>
      %select_n3A_621 = arith.select %gt3A_620, %broadcast_in_dim3A_32, %broadcast_in_dim3A_30 : vector<16xi1>, vector<16xi32>
      %gt3A_622 = arith.constant 2.09439516 : f32
      %gt3A_623 = vector.broadcast %gt3A_622 : f32 to vector<16xf32>
      %gt3A_624 = arith.cmpf ogt, %get3A_565, %gt3A_623 : vector<16xf32>
      %select_n3A_625 = arith.select %gt3A_624, %broadcast_in_dim3A_32, %broadcast_in_dim3A_30 : vector<16xi1>, vector<16xi32>
      %gt3A_626 = arith.constant 2.44346094 : f32
      %gt3A_627 = vector.broadcast %gt3A_626 : f32 to vector<16xf32>
      %gt3A_628 = arith.cmpf ogt, %get3A_565, %gt3A_627 : vector<16xf32>
      %select_n3A_629 = arith.select %gt3A_628, %broadcast_in_dim3A_32, %broadcast_in_dim3A_30 : vector<16xi1>, vector<16xi32>
      %gt3A_630 = arith.constant 2.79252672 : f32
      %gt3A_631 = vector.broadcast %gt3A_630 : f32 to vector<16xf32>
      %gt3A_632 = arith.cmpf ogt, %get3A_565, %gt3A_631 : vector<16xf32>
      %select_n3A_633 = arith.select %gt3A_632, %broadcast_in_dim3A_32, %broadcast_in_dim3A_30 : vector<16xi1>, vector<16xi32>
      %add3A_634 = arith.addi %select_n3A_569, %select_n3A_573 : vector<16xi32>
      %add3A_635 = arith.addi %select_n3A_577, %select_n3A_581 : vector<16xi32>
      %add3A_636 = arith.addi %select_n3A_585, %select_n3A_589 : vector<16xi32>
      %add3A_637 = arith.addi %select_n3A_593, %select_n3A_597 : vector<16xi32>
      %add3A_638 = arith.addi %select_n3A_601, %select_n3A_605 : vector<16xi32>
      %add3A_639 = arith.addi %select_n3A_609, %select_n3A_613 : vector<16xi32>
      %add3A_640 = arith.addi %select_n3A_617, %select_n3A_621 : vector<16xi32>
      %add3A_641 = arith.addi %select_n3A_625, %select_n3A_629 : vector<16xi32>
      %add3A_642 = arith.addi %add3A_634, %add3A_635 : vector<16xi32>
      %add3A_643 = arith.addi %add3A_636, %add3A_637 : vector<16xi32>
      %add3A_644 = arith.addi %add3A_638, %add3A_639 : vector<16xi32>
      %add3A_645 = arith.addi %add3A_640, %add3A_641 : vector<16xi32>
      %add3A_646 = arith.addi %add3A_642, %add3A_643 : vector<16xi32>
      %add3A_647 = arith.addi %add3A_644, %add3A_645 : vector<16xi32>
      %add3A_648 = arith.addi %add3A_646, %add3A_647 : vector<16xi32>
      %add3A_649 = arith.addi %add3A_648, %select_n3A_633 : vector<16xi32>
      %mul3A_650 = arith.constant 128 : i32
      %mul3A_651 = vector.broadcast %mul3A_650 : i32 to vector<16xi32>
      %mul3A_652 = arith.muli %add3A_649, %mul3A_651 : vector<16xi32>
      %add3A_653 = arith.constant 64 : i32
      %add3A_654 = vector.broadcast %add3A_653 : i32 to vector<16xi32>
      %add3A_655 = arith.addi %iota3A, %add3A_654 : vector<16xi32>
      %add3A_656 = arith.addi %mul3A_652, %add3A_655 : vector<16xi32>
      %add3A_657 = arith.constant 0 : i32
      %add3A_658 = vector.broadcast %add3A_657 : i32 to vector<16xi32>
      %add3A_659 = arith.addi %add3A_656, %add3A_658 : vector<16xi32>
      tpu.vector_store_idx %arg7[%add3A_659], %get3A_46 {add = true} : memref<20736xf32, #tpu.memory_space<vmem>>[vector<16xi32>], vector<16xf32>,
      %add3A_660 = arith.constant 2304 : i32
      %add3A_661 = vector.broadcast %add3A_660 : i32 to vector<16xi32>
      %add3A_662 = arith.addi %add3A_656, %add3A_661 : vector<16xi32>
      tpu.vector_store_idx %arg7[%add3A_662], %get3A_50 {add = true} : memref<20736xf32, #tpu.memory_space<vmem>>[vector<16xi32>], vector<16xf32>,
      %add3A_663 = arith.constant 4608 : i32
      %add3A_664 = vector.broadcast %add3A_663 : i32 to vector<16xi32>
      %add3A_665 = arith.addi %add3A_656, %add3A_664 : vector<16xi32>
      tpu.vector_store_idx %arg7[%add3A_665], %get3A_54 {add = true} : memref<20736xf32, #tpu.memory_space<vmem>>[vector<16xi32>], vector<16xf32>,
      %add3A_666 = arith.constant 6912 : i32
      %add3A_667 = vector.broadcast %add3A_666 : i32 to vector<16xi32>
      %add3A_668 = arith.addi %add3A_656, %add3A_667 : vector<16xi32>
      tpu.vector_store_idx %arg7[%add3A_668], %get3A_58 {add = true} : memref<20736xf32, #tpu.memory_space<vmem>>[vector<16xi32>], vector<16xf32>,
      %add3A_669 = arith.constant 9216 : i32
      %add3A_670 = vector.broadcast %add3A_669 : i32 to vector<16xi32>
      %add3A_671 = arith.addi %add3A_656, %add3A_670 : vector<16xi32>
      tpu.vector_store_idx %arg7[%add3A_671], %get3A_62 {add = true} : memref<20736xf32, #tpu.memory_space<vmem>>[vector<16xi32>], vector<16xf32>,
      %add3A_672 = arith.constant 11520 : i32
      %add3A_673 = vector.broadcast %add3A_672 : i32 to vector<16xi32>
      %add3A_674 = arith.addi %add3A_656, %add3A_673 : vector<16xi32>
      tpu.vector_store_idx %arg7[%add3A_674], %get3A_66 {add = true} : memref<20736xf32, #tpu.memory_space<vmem>>[vector<16xi32>], vector<16xf32>,
      %add3A_675 = arith.constant 13824 : i32
      %add3A_676 = vector.broadcast %add3A_675 : i32 to vector<16xi32>
      %add3A_677 = arith.addi %add3A_656, %add3A_676 : vector<16xi32>
      tpu.vector_store_idx %arg7[%add3A_677], %get3A_70 {add = true} : memref<20736xf32, #tpu.memory_space<vmem>>[vector<16xi32>], vector<16xf32>,
      %add3A_678 = arith.constant 16128 : i32
      %add3A_679 = vector.broadcast %add3A_678 : i32 to vector<16xi32>
      %add3A_680 = arith.addi %add3A_656, %add3A_679 : vector<16xi32>
      tpu.vector_store_idx %arg7[%add3A_680], %get3A_74 {add = true} : memref<20736xf32, #tpu.memory_space<vmem>>[vector<16xi32>], vector<16xf32>,
      %add3A_681 = arith.constant 18432 : i32
      %add3A_682 = vector.broadcast %add3A_681 : i32 to vector<16xi32>
      %add3A_683 = arith.addi %add3A_656, %add3A_682 : vector<16xi32>
      tpu.vector_store_idx %arg7[%add3A_683], %broadcast_in_dim3A_28 {add = true} : memref<20736xf32, #tpu.memory_space<vmem>>[vector<16xi32>], vector<16xf32>,
      %get3A_684 = arith.constant 5 : i32
      %get3A_685 = arith.index_cast %get3A_684 : i32 to index
      %get3A_686 = arith.index_cast %add3A_43 : i32 to index
      %get3A_687 = tpu.vector_load %arg5[%get3A_685, %get3A_686] {strides = array<i32>} : memref<8x1024xf32, #tpu.memory_space<vmem>>, vector<16xf32>,
      %gt3A_688 = arith.constant -2.79252672 : f32
      %gt3A_689 = vector.broadcast %gt3A_688 : f32 to vector<16xf32>
      %gt3A_690 = arith.cmpf ogt, %get3A_687, %gt3A_689 : vector<16xf32>
      %select_n3A_691 = arith.select %gt3A_690, %broadcast_in_dim3A_32, %broadcast_in_dim3A_30 : vector<16xi1>, vector<16xi32>
      %gt3A_692 = arith.constant -2.44346094 : f32
      %gt3A_693 = vector.broadcast %gt3A_692 : f32 to vector<16xf32>
      %gt3A_694 = arith.cmpf ogt, %get3A_687, %gt3A_693 : vector<16xf32>
      %select_n3A_695 = arith.select %gt3A_694, %broadcast_in_dim3A_32, %broadcast_in_dim3A_30 : vector<16xi1>, vector<16xi32>
      %gt3A_696 = arith.constant -2.09439516 : f32
      %gt3A_697 = vector.broadcast %gt3A_696 : f32 to vector<16xf32>
      %gt3A_698 = arith.cmpf ogt, %get3A_687, %gt3A_697 : vector<16xf32>
      %select_n3A_699 = arith.select %gt3A_698, %broadcast_in_dim3A_32, %broadcast_in_dim3A_30 : vector<16xi1>, vector<16xi32>
      %gt3A_700 = arith.constant -1.74532926 : f32
      %gt3A_701 = vector.broadcast %gt3A_700 : f32 to vector<16xf32>
      %gt3A_702 = arith.cmpf ogt, %get3A_687, %gt3A_701 : vector<16xf32>
      %select_n3A_703 = arith.select %gt3A_702, %broadcast_in_dim3A_32, %broadcast_in_dim3A_30 : vector<16xi1>, vector<16xi32>
      %gt3A_704 = arith.constant -1.39626336 : f32
      %gt3A_705 = vector.broadcast %gt3A_704 : f32 to vector<16xf32>
      %gt3A_706 = arith.cmpf ogt, %get3A_687, %gt3A_705 : vector<16xf32>
      %select_n3A_707 = arith.select %gt3A_706, %broadcast_in_dim3A_32, %broadcast_in_dim3A_30 : vector<16xi1>, vector<16xi32>
      %gt3A_708 = arith.constant -1.04719758 : f32
      %gt3A_709 = vector.broadcast %gt3A_708 : f32 to vector<16xf32>
      %gt3A_710 = arith.cmpf ogt, %get3A_687, %gt3A_709 : vector<16xf32>
      %select_n3A_711 = arith.select %gt3A_710, %broadcast_in_dim3A_32, %broadcast_in_dim3A_30 : vector<16xi1>, vector<16xi32>
      %gt3A_712 = arith.constant -0.69813168 : f32
      %gt3A_713 = vector.broadcast %gt3A_712 : f32 to vector<16xf32>
      %gt3A_714 = arith.cmpf ogt, %get3A_687, %gt3A_713 : vector<16xf32>
      %select_n3A_715 = arith.select %gt3A_714, %broadcast_in_dim3A_32, %broadcast_in_dim3A_30 : vector<16xi1>, vector<16xi32>
      %gt3A_716 = arith.constant -0.34906584 : f32
      %gt3A_717 = vector.broadcast %gt3A_716 : f32 to vector<16xf32>
      %gt3A_718 = arith.cmpf ogt, %get3A_687, %gt3A_717 : vector<16xf32>
      %select_n3A_719 = arith.select %gt3A_718, %broadcast_in_dim3A_32, %broadcast_in_dim3A_30 : vector<16xi1>, vector<16xi32>
      %gt3A_720 = arith.constant 0.000000e+00 : f32
      %gt3A_721 = vector.broadcast %gt3A_720 : f32 to vector<16xf32>
      %gt3A_722 = arith.cmpf ogt, %get3A_687, %gt3A_721 : vector<16xf32>
      %select_n3A_723 = arith.select %gt3A_722, %broadcast_in_dim3A_32, %broadcast_in_dim3A_30 : vector<16xi1>, vector<16xi32>
      %gt3A_724 = arith.constant 0.34906584 : f32
      %gt3A_725 = vector.broadcast %gt3A_724 : f32 to vector<16xf32>
      %gt3A_726 = arith.cmpf ogt, %get3A_687, %gt3A_725 : vector<16xf32>
      %select_n3A_727 = arith.select %gt3A_726, %broadcast_in_dim3A_32, %broadcast_in_dim3A_30 : vector<16xi1>, vector<16xi32>
      %gt3A_728 = arith.constant 0.69813168 : f32
      %gt3A_729 = vector.broadcast %gt3A_728 : f32 to vector<16xf32>
      %gt3A_730 = arith.cmpf ogt, %get3A_687, %gt3A_729 : vector<16xf32>
      %select_n3A_731 = arith.select %gt3A_730, %broadcast_in_dim3A_32, %broadcast_in_dim3A_30 : vector<16xi1>, vector<16xi32>
      %gt3A_732 = arith.constant 1.04719758 : f32
      %gt3A_733 = vector.broadcast %gt3A_732 : f32 to vector<16xf32>
      %gt3A_734 = arith.cmpf ogt, %get3A_687, %gt3A_733 : vector<16xf32>
      %select_n3A_735 = arith.select %gt3A_734, %broadcast_in_dim3A_32, %broadcast_in_dim3A_30 : vector<16xi1>, vector<16xi32>
      %gt3A_736 = arith.constant 1.39626336 : f32
      %gt3A_737 = vector.broadcast %gt3A_736 : f32 to vector<16xf32>
      %gt3A_738 = arith.cmpf ogt, %get3A_687, %gt3A_737 : vector<16xf32>
      %select_n3A_739 = arith.select %gt3A_738, %broadcast_in_dim3A_32, %broadcast_in_dim3A_30 : vector<16xi1>, vector<16xi32>
      %gt3A_740 = arith.constant 1.74532926 : f32
      %gt3A_741 = vector.broadcast %gt3A_740 : f32 to vector<16xf32>
      %gt3A_742 = arith.cmpf ogt, %get3A_687, %gt3A_741 : vector<16xf32>
      %select_n3A_743 = arith.select %gt3A_742, %broadcast_in_dim3A_32, %broadcast_in_dim3A_30 : vector<16xi1>, vector<16xi32>
      %gt3A_744 = arith.constant 2.09439516 : f32
      %gt3A_745 = vector.broadcast %gt3A_744 : f32 to vector<16xf32>
      %gt3A_746 = arith.cmpf ogt, %get3A_687, %gt3A_745 : vector<16xf32>
      %select_n3A_747 = arith.select %gt3A_746, %broadcast_in_dim3A_32, %broadcast_in_dim3A_30 : vector<16xi1>, vector<16xi32>
      %gt3A_748 = arith.constant 2.44346094 : f32
      %gt3A_749 = vector.broadcast %gt3A_748 : f32 to vector<16xf32>
      %gt3A_750 = arith.cmpf ogt, %get3A_687, %gt3A_749 : vector<16xf32>
      %select_n3A_751 = arith.select %gt3A_750, %broadcast_in_dim3A_32, %broadcast_in_dim3A_30 : vector<16xi1>, vector<16xi32>
      %gt3A_752 = arith.constant 2.79252672 : f32
      %gt3A_753 = vector.broadcast %gt3A_752 : f32 to vector<16xf32>
      %gt3A_754 = arith.cmpf ogt, %get3A_687, %gt3A_753 : vector<16xf32>
      %select_n3A_755 = arith.select %gt3A_754, %broadcast_in_dim3A_32, %broadcast_in_dim3A_30 : vector<16xi1>, vector<16xi32>
      %add3A_756 = arith.addi %select_n3A_691, %select_n3A_695 : vector<16xi32>
      %add3A_757 = arith.addi %select_n3A_699, %select_n3A_703 : vector<16xi32>
      %add3A_758 = arith.addi %select_n3A_707, %select_n3A_711 : vector<16xi32>
      %add3A_759 = arith.addi %select_n3A_715, %select_n3A_719 : vector<16xi32>
      %add3A_760 = arith.addi %select_n3A_723, %select_n3A_727 : vector<16xi32>
      %add3A_761 = arith.addi %select_n3A_731, %select_n3A_735 : vector<16xi32>
      %add3A_762 = arith.addi %select_n3A_739, %select_n3A_743 : vector<16xi32>
      %add3A_763 = arith.addi %select_n3A_747, %select_n3A_751 : vector<16xi32>
      %add3A_764 = arith.addi %add3A_756, %add3A_757 : vector<16xi32>
      %add3A_765 = arith.addi %add3A_758, %add3A_759 : vector<16xi32>
      %add3A_766 = arith.addi %add3A_760, %add3A_761 : vector<16xi32>
      %add3A_767 = arith.addi %add3A_762, %add3A_763 : vector<16xi32>
      %add3A_768 = arith.addi %add3A_764, %add3A_765 : vector<16xi32>
      %add3A_769 = arith.addi %add3A_766, %add3A_767 : vector<16xi32>
      %add3A_770 = arith.addi %add3A_768, %add3A_769 : vector<16xi32>
      %add3A_771 = arith.addi %add3A_770, %select_n3A_755 : vector<16xi32>
      %mul3A_772 = arith.constant 128 : i32
      %mul3A_773 = vector.broadcast %mul3A_772 : i32 to vector<16xi32>
      %mul3A_774 = arith.muli %add3A_771, %mul3A_773 : vector<16xi32>
      %add3A_775 = arith.constant 80 : i32
      %add3A_776 = vector.broadcast %add3A_775 : i32 to vector<16xi32>
      %add3A_777 = arith.addi %iota3A, %add3A_776 : vector<16xi32>
      %add3A_778 = arith.addi %mul3A_774, %add3A_777 : vector<16xi32>
      %add3A_779 = arith.constant 0 : i32
      %add3A_780 = vector.broadcast %add3A_779 : i32 to vector<16xi32>
      %add3A_781 = arith.addi %add3A_778, %add3A_780 : vector<16xi32>
      tpu.vector_store_idx %arg7[%add3A_781], %get3A_46 {add = true} : memref<20736xf32, #tpu.memory_space<vmem>>[vector<16xi32>], vector<16xf32>,
      %add3A_782 = arith.constant 2304 : i32
      %add3A_783 = vector.broadcast %add3A_782 : i32 to vector<16xi32>
      %add3A_784 = arith.addi %add3A_778, %add3A_783 : vector<16xi32>
      tpu.vector_store_idx %arg7[%add3A_784], %get3A_50 {add = true} : memref<20736xf32, #tpu.memory_space<vmem>>[vector<16xi32>], vector<16xf32>,
      %add3A_785 = arith.constant 4608 : i32
      %add3A_786 = vector.broadcast %add3A_785 : i32 to vector<16xi32>
      %add3A_787 = arith.addi %add3A_778, %add3A_786 : vector<16xi32>
      tpu.vector_store_idx %arg7[%add3A_787], %get3A_54 {add = true} : memref<20736xf32, #tpu.memory_space<vmem>>[vector<16xi32>], vector<16xf32>,
      %add3A_788 = arith.constant 6912 : i32
      %add3A_789 = vector.broadcast %add3A_788 : i32 to vector<16xi32>
      %add3A_790 = arith.addi %add3A_778, %add3A_789 : vector<16xi32>
      tpu.vector_store_idx %arg7[%add3A_790], %get3A_58 {add = true} : memref<20736xf32, #tpu.memory_space<vmem>>[vector<16xi32>], vector<16xf32>,
      %add3A_791 = arith.constant 9216 : i32
      %add3A_792 = vector.broadcast %add3A_791 : i32 to vector<16xi32>
      %add3A_793 = arith.addi %add3A_778, %add3A_792 : vector<16xi32>
      tpu.vector_store_idx %arg7[%add3A_793], %get3A_62 {add = true} : memref<20736xf32, #tpu.memory_space<vmem>>[vector<16xi32>], vector<16xf32>,
      %add3A_794 = arith.constant 11520 : i32
      %add3A_795 = vector.broadcast %add3A_794 : i32 to vector<16xi32>
      %add3A_796 = arith.addi %add3A_778, %add3A_795 : vector<16xi32>
      tpu.vector_store_idx %arg7[%add3A_796], %get3A_66 {add = true} : memref<20736xf32, #tpu.memory_space<vmem>>[vector<16xi32>], vector<16xf32>,
      %add3A_797 = arith.constant 13824 : i32
      %add3A_798 = vector.broadcast %add3A_797 : i32 to vector<16xi32>
      %add3A_799 = arith.addi %add3A_778, %add3A_798 : vector<16xi32>
      tpu.vector_store_idx %arg7[%add3A_799], %get3A_70 {add = true} : memref<20736xf32, #tpu.memory_space<vmem>>[vector<16xi32>], vector<16xf32>,
      %add3A_800 = arith.constant 16128 : i32
      %add3A_801 = vector.broadcast %add3A_800 : i32 to vector<16xi32>
      %add3A_802 = arith.addi %add3A_778, %add3A_801 : vector<16xi32>
      tpu.vector_store_idx %arg7[%add3A_802], %get3A_74 {add = true} : memref<20736xf32, #tpu.memory_space<vmem>>[vector<16xi32>], vector<16xf32>,
      %add3A_803 = arith.constant 18432 : i32
      %add3A_804 = vector.broadcast %add3A_803 : i32 to vector<16xi32>
      %add3A_805 = arith.addi %add3A_778, %add3A_804 : vector<16xi32>
      tpu.vector_store_idx %arg7[%add3A_805], %broadcast_in_dim3A_28 {add = true} : memref<20736xf32, #tpu.memory_space<vmem>>[vector<16xi32>], vector<16xf32>,
      %get3A_806 = arith.constant 6 : i32
      %get3A_807 = arith.index_cast %get3A_806 : i32 to index
      %get3A_808 = arith.index_cast %add3A_43 : i32 to index
      %get3A_809 = tpu.vector_load %arg5[%get3A_807, %get3A_808] {strides = array<i32>} : memref<8x1024xf32, #tpu.memory_space<vmem>>, vector<16xf32>,
      %gt3A_810 = arith.constant -2.79252672 : f32
      %gt3A_811 = vector.broadcast %gt3A_810 : f32 to vector<16xf32>
      %gt3A_812 = arith.cmpf ogt, %get3A_809, %gt3A_811 : vector<16xf32>
      %select_n3A_813 = arith.select %gt3A_812, %broadcast_in_dim3A_32, %broadcast_in_dim3A_30 : vector<16xi1>, vector<16xi32>
      %gt3A_814 = arith.constant -2.44346094 : f32
      %gt3A_815 = vector.broadcast %gt3A_814 : f32 to vector<16xf32>
      %gt3A_816 = arith.cmpf ogt, %get3A_809, %gt3A_815 : vector<16xf32>
      %select_n3A_817 = arith.select %gt3A_816, %broadcast_in_dim3A_32, %broadcast_in_dim3A_30 : vector<16xi1>, vector<16xi32>
      %gt3A_818 = arith.constant -2.09439516 : f32
      %gt3A_819 = vector.broadcast %gt3A_818 : f32 to vector<16xf32>
      %gt3A_820 = arith.cmpf ogt, %get3A_809, %gt3A_819 : vector<16xf32>
      %select_n3A_821 = arith.select %gt3A_820, %broadcast_in_dim3A_32, %broadcast_in_dim3A_30 : vector<16xi1>, vector<16xi32>
      %gt3A_822 = arith.constant -1.74532926 : f32
      %gt3A_823 = vector.broadcast %gt3A_822 : f32 to vector<16xf32>
      %gt3A_824 = arith.cmpf ogt, %get3A_809, %gt3A_823 : vector<16xf32>
      %select_n3A_825 = arith.select %gt3A_824, %broadcast_in_dim3A_32, %broadcast_in_dim3A_30 : vector<16xi1>, vector<16xi32>
      %gt3A_826 = arith.constant -1.39626336 : f32
      %gt3A_827 = vector.broadcast %gt3A_826 : f32 to vector<16xf32>
      %gt3A_828 = arith.cmpf ogt, %get3A_809, %gt3A_827 : vector<16xf32>
      %select_n3A_829 = arith.select %gt3A_828, %broadcast_in_dim3A_32, %broadcast_in_dim3A_30 : vector<16xi1>, vector<16xi32>
      %gt3A_830 = arith.constant -1.04719758 : f32
      %gt3A_831 = vector.broadcast %gt3A_830 : f32 to vector<16xf32>
      %gt3A_832 = arith.cmpf ogt, %get3A_809, %gt3A_831 : vector<16xf32>
      %select_n3A_833 = arith.select %gt3A_832, %broadcast_in_dim3A_32, %broadcast_in_dim3A_30 : vector<16xi1>, vector<16xi32>
      %gt3A_834 = arith.constant -0.69813168 : f32
      %gt3A_835 = vector.broadcast %gt3A_834 : f32 to vector<16xf32>
      %gt3A_836 = arith.cmpf ogt, %get3A_809, %gt3A_835 : vector<16xf32>
      %select_n3A_837 = arith.select %gt3A_836, %broadcast_in_dim3A_32, %broadcast_in_dim3A_30 : vector<16xi1>, vector<16xi32>
      %gt3A_838 = arith.constant -0.34906584 : f32
      %gt3A_839 = vector.broadcast %gt3A_838 : f32 to vector<16xf32>
      %gt3A_840 = arith.cmpf ogt, %get3A_809, %gt3A_839 : vector<16xf32>
      %select_n3A_841 = arith.select %gt3A_840, %broadcast_in_dim3A_32, %broadcast_in_dim3A_30 : vector<16xi1>, vector<16xi32>
      %gt3A_842 = arith.constant 0.000000e+00 : f32
      %gt3A_843 = vector.broadcast %gt3A_842 : f32 to vector<16xf32>
      %gt3A_844 = arith.cmpf ogt, %get3A_809, %gt3A_843 : vector<16xf32>
      %select_n3A_845 = arith.select %gt3A_844, %broadcast_in_dim3A_32, %broadcast_in_dim3A_30 : vector<16xi1>, vector<16xi32>
      %gt3A_846 = arith.constant 0.34906584 : f32
      %gt3A_847 = vector.broadcast %gt3A_846 : f32 to vector<16xf32>
      %gt3A_848 = arith.cmpf ogt, %get3A_809, %gt3A_847 : vector<16xf32>
      %select_n3A_849 = arith.select %gt3A_848, %broadcast_in_dim3A_32, %broadcast_in_dim3A_30 : vector<16xi1>, vector<16xi32>
      %gt3A_850 = arith.constant 0.69813168 : f32
      %gt3A_851 = vector.broadcast %gt3A_850 : f32 to vector<16xf32>
      %gt3A_852 = arith.cmpf ogt, %get3A_809, %gt3A_851 : vector<16xf32>
      %select_n3A_853 = arith.select %gt3A_852, %broadcast_in_dim3A_32, %broadcast_in_dim3A_30 : vector<16xi1>, vector<16xi32>
      %gt3A_854 = arith.constant 1.04719758 : f32
      %gt3A_855 = vector.broadcast %gt3A_854 : f32 to vector<16xf32>
      %gt3A_856 = arith.cmpf ogt, %get3A_809, %gt3A_855 : vector<16xf32>
      %select_n3A_857 = arith.select %gt3A_856, %broadcast_in_dim3A_32, %broadcast_in_dim3A_30 : vector<16xi1>, vector<16xi32>
      %gt3A_858 = arith.constant 1.39626336 : f32
      %gt3A_859 = vector.broadcast %gt3A_858 : f32 to vector<16xf32>
      %gt3A_860 = arith.cmpf ogt, %get3A_809, %gt3A_859 : vector<16xf32>
      %select_n3A_861 = arith.select %gt3A_860, %broadcast_in_dim3A_32, %broadcast_in_dim3A_30 : vector<16xi1>, vector<16xi32>
      %gt3A_862 = arith.constant 1.74532926 : f32
      %gt3A_863 = vector.broadcast %gt3A_862 : f32 to vector<16xf32>
      %gt3A_864 = arith.cmpf ogt, %get3A_809, %gt3A_863 : vector<16xf32>
      %select_n3A_865 = arith.select %gt3A_864, %broadcast_in_dim3A_32, %broadcast_in_dim3A_30 : vector<16xi1>, vector<16xi32>
      %gt3A_866 = arith.constant 2.09439516 : f32
      %gt3A_867 = vector.broadcast %gt3A_866 : f32 to vector<16xf32>
      %gt3A_868 = arith.cmpf ogt, %get3A_809, %gt3A_867 : vector<16xf32>
      %select_n3A_869 = arith.select %gt3A_868, %broadcast_in_dim3A_32, %broadcast_in_dim3A_30 : vector<16xi1>, vector<16xi32>
      %gt3A_870 = arith.constant 2.44346094 : f32
      %gt3A_871 = vector.broadcast %gt3A_870 : f32 to vector<16xf32>
      %gt3A_872 = arith.cmpf ogt, %get3A_809, %gt3A_871 : vector<16xf32>
      %select_n3A_873 = arith.select %gt3A_872, %broadcast_in_dim3A_32, %broadcast_in_dim3A_30 : vector<16xi1>, vector<16xi32>
      %gt3A_874 = arith.constant 2.79252672 : f32
      %gt3A_875 = vector.broadcast %gt3A_874 : f32 to vector<16xf32>
      %gt3A_876 = arith.cmpf ogt, %get3A_809, %gt3A_875 : vector<16xf32>
      %select_n3A_877 = arith.select %gt3A_876, %broadcast_in_dim3A_32, %broadcast_in_dim3A_30 : vector<16xi1>, vector<16xi32>
      %add3A_878 = arith.addi %select_n3A_813, %select_n3A_817 : vector<16xi32>
      %add3A_879 = arith.addi %select_n3A_821, %select_n3A_825 : vector<16xi32>
      %add3A_880 = arith.addi %select_n3A_829, %select_n3A_833 : vector<16xi32>
      %add3A_881 = arith.addi %select_n3A_837, %select_n3A_841 : vector<16xi32>
      %add3A_882 = arith.addi %select_n3A_845, %select_n3A_849 : vector<16xi32>
      %add3A_883 = arith.addi %select_n3A_853, %select_n3A_857 : vector<16xi32>
      %add3A_884 = arith.addi %select_n3A_861, %select_n3A_865 : vector<16xi32>
      %add3A_885 = arith.addi %select_n3A_869, %select_n3A_873 : vector<16xi32>
      %add3A_886 = arith.addi %add3A_878, %add3A_879 : vector<16xi32>
      %add3A_887 = arith.addi %add3A_880, %add3A_881 : vector<16xi32>
      %add3A_888 = arith.addi %add3A_882, %add3A_883 : vector<16xi32>
      %add3A_889 = arith.addi %add3A_884, %add3A_885 : vector<16xi32>
      %add3A_890 = arith.addi %add3A_886, %add3A_887 : vector<16xi32>
      %add3A_891 = arith.addi %add3A_888, %add3A_889 : vector<16xi32>
      %add3A_892 = arith.addi %add3A_890, %add3A_891 : vector<16xi32>
      %add3A_893 = arith.addi %add3A_892, %select_n3A_877 : vector<16xi32>
      %mul3A_894 = arith.constant 128 : i32
      %mul3A_895 = vector.broadcast %mul3A_894 : i32 to vector<16xi32>
      %mul3A_896 = arith.muli %add3A_893, %mul3A_895 : vector<16xi32>
      %add3A_897 = arith.constant 96 : i32
      %add3A_898 = vector.broadcast %add3A_897 : i32 to vector<16xi32>
      %add3A_899 = arith.addi %iota3A, %add3A_898 : vector<16xi32>
      %add3A_900 = arith.addi %mul3A_896, %add3A_899 : vector<16xi32>
      %add3A_901 = arith.constant 0 : i32
      %add3A_902 = vector.broadcast %add3A_901 : i32 to vector<16xi32>
      %add3A_903 = arith.addi %add3A_900, %add3A_902 : vector<16xi32>
      tpu.vector_store_idx %arg7[%add3A_903], %get3A_46 {add = true} : memref<20736xf32, #tpu.memory_space<vmem>>[vector<16xi32>], vector<16xf32>,
      %add3A_904 = arith.constant 2304 : i32
      %add3A_905 = vector.broadcast %add3A_904 : i32 to vector<16xi32>
      %add3A_906 = arith.addi %add3A_900, %add3A_905 : vector<16xi32>
      tpu.vector_store_idx %arg7[%add3A_906], %get3A_50 {add = true} : memref<20736xf32, #tpu.memory_space<vmem>>[vector<16xi32>], vector<16xf32>,
      %add3A_907 = arith.constant 4608 : i32
      %add3A_908 = vector.broadcast %add3A_907 : i32 to vector<16xi32>
      %add3A_909 = arith.addi %add3A_900, %add3A_908 : vector<16xi32>
      tpu.vector_store_idx %arg7[%add3A_909], %get3A_54 {add = true} : memref<20736xf32, #tpu.memory_space<vmem>>[vector<16xi32>], vector<16xf32>,
      %add3A_910 = arith.constant 6912 : i32
      %add3A_911 = vector.broadcast %add3A_910 : i32 to vector<16xi32>
      %add3A_912 = arith.addi %add3A_900, %add3A_911 : vector<16xi32>
      tpu.vector_store_idx %arg7[%add3A_912], %get3A_58 {add = true} : memref<20736xf32, #tpu.memory_space<vmem>>[vector<16xi32>], vector<16xf32>,
      %add3A_913 = arith.constant 9216 : i32
      %add3A_914 = vector.broadcast %add3A_913 : i32 to vector<16xi32>
      %add3A_915 = arith.addi %add3A_900, %add3A_914 : vector<16xi32>
      tpu.vector_store_idx %arg7[%add3A_915], %get3A_62 {add = true} : memref<20736xf32, #tpu.memory_space<vmem>>[vector<16xi32>], vector<16xf32>,
      %add3A_916 = arith.constant 11520 : i32
      %add3A_917 = vector.broadcast %add3A_916 : i32 to vector<16xi32>
      %add3A_918 = arith.addi %add3A_900, %add3A_917 : vector<16xi32>
      tpu.vector_store_idx %arg7[%add3A_918], %get3A_66 {add = true} : memref<20736xf32, #tpu.memory_space<vmem>>[vector<16xi32>], vector<16xf32>,
      %add3A_919 = arith.constant 13824 : i32
      %add3A_920 = vector.broadcast %add3A_919 : i32 to vector<16xi32>
      %add3A_921 = arith.addi %add3A_900, %add3A_920 : vector<16xi32>
      tpu.vector_store_idx %arg7[%add3A_921], %get3A_70 {add = true} : memref<20736xf32, #tpu.memory_space<vmem>>[vector<16xi32>], vector<16xf32>,
      %add3A_922 = arith.constant 16128 : i32
      %add3A_923 = vector.broadcast %add3A_922 : i32 to vector<16xi32>
      %add3A_924 = arith.addi %add3A_900, %add3A_923 : vector<16xi32>
      tpu.vector_store_idx %arg7[%add3A_924], %get3A_74 {add = true} : memref<20736xf32, #tpu.memory_space<vmem>>[vector<16xi32>], vector<16xf32>,
      %add3A_925 = arith.constant 18432 : i32
      %add3A_926 = vector.broadcast %add3A_925 : i32 to vector<16xi32>
      %add3A_927 = arith.addi %add3A_900, %add3A_926 : vector<16xi32>
      tpu.vector_store_idx %arg7[%add3A_927], %broadcast_in_dim3A_28 {add = true} : memref<20736xf32, #tpu.memory_space<vmem>>[vector<16xi32>], vector<16xf32>,
      %get3A_928 = arith.constant 7 : i32
      %get3A_929 = arith.index_cast %get3A_928 : i32 to index
      %get3A_930 = arith.index_cast %add3A_43 : i32 to index
      %get3A_931 = tpu.vector_load %arg5[%get3A_929, %get3A_930] {strides = array<i32>} : memref<8x1024xf32, #tpu.memory_space<vmem>>, vector<16xf32>,
      %gt3A_932 = arith.constant -2.79252672 : f32
      %gt3A_933 = vector.broadcast %gt3A_932 : f32 to vector<16xf32>
      %gt3A_934 = arith.cmpf ogt, %get3A_931, %gt3A_933 : vector<16xf32>
      %select_n3A_935 = arith.select %gt3A_934, %broadcast_in_dim3A_32, %broadcast_in_dim3A_30 : vector<16xi1>, vector<16xi32>
      %gt3A_936 = arith.constant -2.44346094 : f32
      %gt3A_937 = vector.broadcast %gt3A_936 : f32 to vector<16xf32>
      %gt3A_938 = arith.cmpf ogt, %get3A_931, %gt3A_937 : vector<16xf32>
      %select_n3A_939 = arith.select %gt3A_938, %broadcast_in_dim3A_32, %broadcast_in_dim3A_30 : vector<16xi1>, vector<16xi32>
      %gt3A_940 = arith.constant -2.09439516 : f32
      %gt3A_941 = vector.broadcast %gt3A_940 : f32 to vector<16xf32>
      %gt3A_942 = arith.cmpf ogt, %get3A_931, %gt3A_941 : vector<16xf32>
      %select_n3A_943 = arith.select %gt3A_942, %broadcast_in_dim3A_32, %broadcast_in_dim3A_30 : vector<16xi1>, vector<16xi32>
      %gt3A_944 = arith.constant -1.74532926 : f32
      %gt3A_945 = vector.broadcast %gt3A_944 : f32 to vector<16xf32>
      %gt3A_946 = arith.cmpf ogt, %get3A_931, %gt3A_945 : vector<16xf32>
      %select_n3A_947 = arith.select %gt3A_946, %broadcast_in_dim3A_32, %broadcast_in_dim3A_30 : vector<16xi1>, vector<16xi32>
      %gt3A_948 = arith.constant -1.39626336 : f32
      %gt3A_949 = vector.broadcast %gt3A_948 : f32 to vector<16xf32>
      %gt3A_950 = arith.cmpf ogt, %get3A_931, %gt3A_949 : vector<16xf32>
      %select_n3A_951 = arith.select %gt3A_950, %broadcast_in_dim3A_32, %broadcast_in_dim3A_30 : vector<16xi1>, vector<16xi32>
      %gt3A_952 = arith.constant -1.04719758 : f32
      %gt3A_953 = vector.broadcast %gt3A_952 : f32 to vector<16xf32>
      %gt3A_954 = arith.cmpf ogt, %get3A_931, %gt3A_953 : vector<16xf32>
      %select_n3A_955 = arith.select %gt3A_954, %broadcast_in_dim3A_32, %broadcast_in_dim3A_30 : vector<16xi1>, vector<16xi32>
      %gt3A_956 = arith.constant -0.69813168 : f32
      %gt3A_957 = vector.broadcast %gt3A_956 : f32 to vector<16xf32>
      %gt3A_958 = arith.cmpf ogt, %get3A_931, %gt3A_957 : vector<16xf32>
      %select_n3A_959 = arith.select %gt3A_958, %broadcast_in_dim3A_32, %broadcast_in_dim3A_30 : vector<16xi1>, vector<16xi32>
      %gt3A_960 = arith.constant -0.34906584 : f32
      %gt3A_961 = vector.broadcast %gt3A_960 : f32 to vector<16xf32>
      %gt3A_962 = arith.cmpf ogt, %get3A_931, %gt3A_961 : vector<16xf32>
      %select_n3A_963 = arith.select %gt3A_962, %broadcast_in_dim3A_32, %broadcast_in_dim3A_30 : vector<16xi1>, vector<16xi32>
      %gt3A_964 = arith.constant 0.000000e+00 : f32
      %gt3A_965 = vector.broadcast %gt3A_964 : f32 to vector<16xf32>
      %gt3A_966 = arith.cmpf ogt, %get3A_931, %gt3A_965 : vector<16xf32>
      %select_n3A_967 = arith.select %gt3A_966, %broadcast_in_dim3A_32, %broadcast_in_dim3A_30 : vector<16xi1>, vector<16xi32>
      %gt3A_968 = arith.constant 0.34906584 : f32
      %gt3A_969 = vector.broadcast %gt3A_968 : f32 to vector<16xf32>
      %gt3A_970 = arith.cmpf ogt, %get3A_931, %gt3A_969 : vector<16xf32>
      %select_n3A_971 = arith.select %gt3A_970, %broadcast_in_dim3A_32, %broadcast_in_dim3A_30 : vector<16xi1>, vector<16xi32>
      %gt3A_972 = arith.constant 0.69813168 : f32
      %gt3A_973 = vector.broadcast %gt3A_972 : f32 to vector<16xf32>
      %gt3A_974 = arith.cmpf ogt, %get3A_931, %gt3A_973 : vector<16xf32>
      %select_n3A_975 = arith.select %gt3A_974, %broadcast_in_dim3A_32, %broadcast_in_dim3A_30 : vector<16xi1>, vector<16xi32>
      %gt3A_976 = arith.constant 1.04719758 : f32
      %gt3A_977 = vector.broadcast %gt3A_976 : f32 to vector<16xf32>
      %gt3A_978 = arith.cmpf ogt, %get3A_931, %gt3A_977 : vector<16xf32>
      %select_n3A_979 = arith.select %gt3A_978, %broadcast_in_dim3A_32, %broadcast_in_dim3A_30 : vector<16xi1>, vector<16xi32>
      %gt3A_980 = arith.constant 1.39626336 : f32
      %gt3A_981 = vector.broadcast %gt3A_980 : f32 to vector<16xf32>
      %gt3A_982 = arith.cmpf ogt, %get3A_931, %gt3A_981 : vector<16xf32>
      %select_n3A_983 = arith.select %gt3A_982, %broadcast_in_dim3A_32, %broadcast_in_dim3A_30 : vector<16xi1>, vector<16xi32>
      %gt3A_984 = arith.constant 1.74532926 : f32
      %gt3A_985 = vector.broadcast %gt3A_984 : f32 to vector<16xf32>
      %gt3A_986 = arith.cmpf ogt, %get3A_931, %gt3A_985 : vector<16xf32>
      %select_n3A_987 = arith.select %gt3A_986, %broadcast_in_dim3A_32, %broadcast_in_dim3A_30 : vector<16xi1>, vector<16xi32>
      %gt3A_988 = arith.constant 2.09439516 : f32
      %gt3A_989 = vector.broadcast %gt3A_988 : f32 to vector<16xf32>
      %gt3A_990 = arith.cmpf ogt, %get3A_931, %gt3A_989 : vector<16xf32>
      %select_n3A_991 = arith.select %gt3A_990, %broadcast_in_dim3A_32, %broadcast_in_dim3A_30 : vector<16xi1>, vector<16xi32>
      %gt3A_992 = arith.constant 2.44346094 : f32
      %gt3A_993 = vector.broadcast %gt3A_992 : f32 to vector<16xf32>
      %gt3A_994 = arith.cmpf ogt, %get3A_931, %gt3A_993 : vector<16xf32>
      %select_n3A_995 = arith.select %gt3A_994, %broadcast_in_dim3A_32, %broadcast_in_dim3A_30 : vector<16xi1>, vector<16xi32>
      %gt3A_996 = arith.constant 2.79252672 : f32
      %gt3A_997 = vector.broadcast %gt3A_996 : f32 to vector<16xf32>
      %gt3A_998 = arith.cmpf ogt, %get3A_931, %gt3A_997 : vector<16xf32>
      %select_n3A_999 = arith.select %gt3A_998, %broadcast_in_dim3A_32, %broadcast_in_dim3A_30 : vector<16xi1>, vector<16xi32>
      %add3A_1000 = arith.addi %select_n3A_935, %select_n3A_939 : vector<16xi32>
      %add3A_1001 = arith.addi %select_n3A_943, %select_n3A_947 : vector<16xi32>
      %add3A_1002 = arith.addi %select_n3A_951, %select_n3A_955 : vector<16xi32>
      %add3A_1003 = arith.addi %select_n3A_959, %select_n3A_963 : vector<16xi32>
      %add3A_1004 = arith.addi %select_n3A_967, %select_n3A_971 : vector<16xi32>
      %add3A_1005 = arith.addi %select_n3A_975, %select_n3A_979 : vector<16xi32>
      %add3A_1006 = arith.addi %select_n3A_983, %select_n3A_987 : vector<16xi32>
      %add3A_1007 = arith.addi %select_n3A_991, %select_n3A_995 : vector<16xi32>
      %add3A_1008 = arith.addi %add3A_1000, %add3A_1001 : vector<16xi32>
      %add3A_1009 = arith.addi %add3A_1002, %add3A_1003 : vector<16xi32>
      %add3A_1010 = arith.addi %add3A_1004, %add3A_1005 : vector<16xi32>
      %add3A_1011 = arith.addi %add3A_1006, %add3A_1007 : vector<16xi32>
      %add3A_1012 = arith.addi %add3A_1008, %add3A_1009 : vector<16xi32>
      %add3A_1013 = arith.addi %add3A_1010, %add3A_1011 : vector<16xi32>
      %add3A_1014 = arith.addi %add3A_1012, %add3A_1013 : vector<16xi32>
      %add3A_1015 = arith.addi %add3A_1014, %select_n3A_999 : vector<16xi32>
      %mul3A_1016 = arith.constant 128 : i32
      %mul3A_1017 = vector.broadcast %mul3A_1016 : i32 to vector<16xi32>
      %mul3A_1018 = arith.muli %add3A_1015, %mul3A_1017 : vector<16xi32>
      %add3A_1019 = arith.constant 112 : i32
      %add3A_1020 = vector.broadcast %add3A_1019 : i32 to vector<16xi32>
      %add3A_1021 = arith.addi %iota3A, %add3A_1020 : vector<16xi32>
      %add3A_1022 = arith.addi %mul3A_1018, %add3A_1021 : vector<16xi32>
      %add3A_1023 = arith.constant 0 : i32
      %add3A_1024 = vector.broadcast %add3A_1023 : i32 to vector<16xi32>
      %add3A_1025 = arith.addi %add3A_1022, %add3A_1024 : vector<16xi32>
      tpu.vector_store_idx %arg7[%add3A_1025], %get3A_46 {add = true} : memref<20736xf32, #tpu.memory_space<vmem>>[vector<16xi32>], vector<16xf32>,
      %add3A_1026 = arith.constant 2304 : i32
      %add3A_1027 = vector.broadcast %add3A_1026 : i32 to vector<16xi32>
      %add3A_1028 = arith.addi %add3A_1022, %add3A_1027 : vector<16xi32>
      tpu.vector_store_idx %arg7[%add3A_1028], %get3A_50 {add = true} : memref<20736xf32, #tpu.memory_space<vmem>>[vector<16xi32>], vector<16xf32>,
      %add3A_1029 = arith.constant 4608 : i32
      %add3A_1030 = vector.broadcast %add3A_1029 : i32 to vector<16xi32>
      %add3A_1031 = arith.addi %add3A_1022, %add3A_1030 : vector<16xi32>
      tpu.vector_store_idx %arg7[%add3A_1031], %get3A_54 {add = true} : memref<20736xf32, #tpu.memory_space<vmem>>[vector<16xi32>], vector<16xf32>,
      %add3A_1032 = arith.constant 6912 : i32
      %add3A_1033 = vector.broadcast %add3A_1032 : i32 to vector<16xi32>
      %add3A_1034 = arith.addi %add3A_1022, %add3A_1033 : vector<16xi32>
      tpu.vector_store_idx %arg7[%add3A_1034], %get3A_58 {add = true} : memref<20736xf32, #tpu.memory_space<vmem>>[vector<16xi32>], vector<16xf32>,
      %add3A_1035 = arith.constant 9216 : i32
      %add3A_1036 = vector.broadcast %add3A_1035 : i32 to vector<16xi32>
      %add3A_1037 = arith.addi %add3A_1022, %add3A_1036 : vector<16xi32>
      tpu.vector_store_idx %arg7[%add3A_1037], %get3A_62 {add = true} : memref<20736xf32, #tpu.memory_space<vmem>>[vector<16xi32>], vector<16xf32>,
      %add3A_1038 = arith.constant 11520 : i32
      %add3A_1039 = vector.broadcast %add3A_1038 : i32 to vector<16xi32>
      %add3A_1040 = arith.addi %add3A_1022, %add3A_1039 : vector<16xi32>
      tpu.vector_store_idx %arg7[%add3A_1040], %get3A_66 {add = true} : memref<20736xf32, #tpu.memory_space<vmem>>[vector<16xi32>], vector<16xf32>,
      %add3A_1041 = arith.constant 13824 : i32
      %add3A_1042 = vector.broadcast %add3A_1041 : i32 to vector<16xi32>
      %add3A_1043 = arith.addi %add3A_1022, %add3A_1042 : vector<16xi32>
      tpu.vector_store_idx %arg7[%add3A_1043], %get3A_70 {add = true} : memref<20736xf32, #tpu.memory_space<vmem>>[vector<16xi32>], vector<16xf32>,
      %add3A_1044 = arith.constant 16128 : i32
      %add3A_1045 = vector.broadcast %add3A_1044 : i32 to vector<16xi32>
      %add3A_1046 = arith.addi %add3A_1022, %add3A_1045 : vector<16xi32>
      tpu.vector_store_idx %arg7[%add3A_1046], %get3A_74 {add = true} : memref<20736xf32, #tpu.memory_space<vmem>>[vector<16xi32>], vector<16xf32>,
      %add3A_1047 = arith.constant 18432 : i32
      %add3A_1048 = vector.broadcast %add3A_1047 : i32 to vector<16xi32>
      %add3A_1049 = arith.addi %add3A_1022, %add3A_1048 : vector<16xi32>
      tpu.vector_store_idx %arg7[%add3A_1049], %broadcast_in_dim3A_28 {add = true} : memref<20736xf32, #tpu.memory_space<vmem>>[vector<16xi32>], vector<16xf32>,
      %mul3A_1050 = arith.constant 32 : i32
      %mul3A_1051 = arith.muli %scan3A_39, %mul3A_1050 : i32
      %add3A_1052 = arith.constant 16 : i32
      %add3A_1053 = arith.addi %mul3A_1051, %add3A_1052 : i32
      %get3A_1054 = arith.constant 0 : i32
      %get3A_1055 = arith.index_cast %get3A_1054 : i32 to index
      %get3A_1056 = arith.index_cast %add3A_1053 : i32 to index
      %get3A_1057 = tpu.vector_load %arg6[%get3A_1055, %get3A_1056] {strides = array<i32>} : memref<8x1024xf32, #tpu.memory_space<vmem>>, vector<16xf32>,
      %get3A_1058 = arith.constant 1 : i32
      %get3A_1059 = arith.index_cast %get3A_1058 : i32 to index
      %get3A_1060 = arith.index_cast %add3A_1053 : i32 to index
      %get3A_1061 = tpu.vector_load %arg6[%get3A_1059, %get3A_1060] {strides = array<i32>} : memref<8x1024xf32, #tpu.memory_space<vmem>>, vector<16xf32>,
      %get3A_1062 = arith.constant 2 : i32
      %get3A_1063 = arith.index_cast %get3A_1062 : i32 to index
      %get3A_1064 = arith.index_cast %add3A_1053 : i32 to index
      %get3A_1065 = tpu.vector_load %arg6[%get3A_1063, %get3A_1064] {strides = array<i32>} : memref<8x1024xf32, #tpu.memory_space<vmem>>, vector<16xf32>,
      %get3A_1066 = arith.constant 3 : i32
      %get3A_1067 = arith.index_cast %get3A_1066 : i32 to index
      %get3A_1068 = arith.index_cast %add3A_1053 : i32 to index
      %get3A_1069 = tpu.vector_load %arg6[%get3A_1067, %get3A_1068] {strides = array<i32>} : memref<8x1024xf32, #tpu.memory_space<vmem>>, vector<16xf32>,
      %get3A_1070 = arith.constant 4 : i32
      %get3A_1071 = arith.index_cast %get3A_1070 : i32 to index
      %get3A_1072 = arith.index_cast %add3A_1053 : i32 to index
      %get3A_1073 = tpu.vector_load %arg6[%get3A_1071, %get3A_1072] {strides = array<i32>} : memref<8x1024xf32, #tpu.memory_space<vmem>>, vector<16xf32>,
      %get3A_1074 = arith.constant 5 : i32
      %get3A_1075 = arith.index_cast %get3A_1074 : i32 to index
      %get3A_1076 = arith.index_cast %add3A_1053 : i32 to index
      %get3A_1077 = tpu.vector_load %arg6[%get3A_1075, %get3A_1076] {strides = array<i32>} : memref<8x1024xf32, #tpu.memory_space<vmem>>, vector<16xf32>,
      %get3A_1078 = arith.constant 6 : i32
      %get3A_1079 = arith.index_cast %get3A_1078 : i32 to index
      %get3A_1080 = arith.index_cast %add3A_1053 : i32 to index
      %get3A_1081 = tpu.vector_load %arg6[%get3A_1079, %get3A_1080] {strides = array<i32>} : memref<8x1024xf32, #tpu.memory_space<vmem>>, vector<16xf32>,
      %get3A_1082 = arith.constant 7 : i32
      %get3A_1083 = arith.index_cast %get3A_1082 : i32 to index
      %get3A_1084 = arith.index_cast %add3A_1053 : i32 to index
      %get3A_1085 = tpu.vector_load %arg6[%get3A_1083, %get3A_1084] {strides = array<i32>} : memref<8x1024xf32, #tpu.memory_space<vmem>>, vector<16xf32>,
      %get3A_1086 = arith.constant 0 : i32
      %get3A_1087 = arith.index_cast %get3A_1086 : i32 to index
      %get3A_1088 = arith.index_cast %add3A_1053 : i32 to index
      %get3A_1089 = tpu.vector_load %arg5[%get3A_1087, %get3A_1088] {strides = array<i32>} : memref<8x1024xf32, #tpu.memory_space<vmem>>, vector<16xf32>,
      %gt3A_1090 = arith.constant -2.79252672 : f32
      %gt3A_1091 = vector.broadcast %gt3A_1090 : f32 to vector<16xf32>
      %gt3A_1092 = arith.cmpf ogt, %get3A_1089, %gt3A_1091 : vector<16xf32>
      %select_n3A_1093 = arith.select %gt3A_1092, %broadcast_in_dim3A_32, %broadcast_in_dim3A_30 : vector<16xi1>, vector<16xi32>
      %gt3A_1094 = arith.constant -2.44346094 : f32
      %gt3A_1095 = vector.broadcast %gt3A_1094 : f32 to vector<16xf32>
      %gt3A_1096 = arith.cmpf ogt, %get3A_1089, %gt3A_1095 : vector<16xf32>
      %select_n3A_1097 = arith.select %gt3A_1096, %broadcast_in_dim3A_32, %broadcast_in_dim3A_30 : vector<16xi1>, vector<16xi32>
      %gt3A_1098 = arith.constant -2.09439516 : f32
      %gt3A_1099 = vector.broadcast %gt3A_1098 : f32 to vector<16xf32>
      %gt3A_1100 = arith.cmpf ogt, %get3A_1089, %gt3A_1099 : vector<16xf32>
      %select_n3A_1101 = arith.select %gt3A_1100, %broadcast_in_dim3A_32, %broadcast_in_dim3A_30 : vector<16xi1>, vector<16xi32>
      %gt3A_1102 = arith.constant -1.74532926 : f32
      %gt3A_1103 = vector.broadcast %gt3A_1102 : f32 to vector<16xf32>
      %gt3A_1104 = arith.cmpf ogt, %get3A_1089, %gt3A_1103 : vector<16xf32>
      %select_n3A_1105 = arith.select %gt3A_1104, %broadcast_in_dim3A_32, %broadcast_in_dim3A_30 : vector<16xi1>, vector<16xi32>
      %gt3A_1106 = arith.constant -1.39626336 : f32
      %gt3A_1107 = vector.broadcast %gt3A_1106 : f32 to vector<16xf32>
      %gt3A_1108 = arith.cmpf ogt, %get3A_1089, %gt3A_1107 : vector<16xf32>
      %select_n3A_1109 = arith.select %gt3A_1108, %broadcast_in_dim3A_32, %broadcast_in_dim3A_30 : vector<16xi1>, vector<16xi32>
      %gt3A_1110 = arith.constant -1.04719758 : f32
      %gt3A_1111 = vector.broadcast %gt3A_1110 : f32 to vector<16xf32>
      %gt3A_1112 = arith.cmpf ogt, %get3A_1089, %gt3A_1111 : vector<16xf32>
      %select_n3A_1113 = arith.select %gt3A_1112, %broadcast_in_dim3A_32, %broadcast_in_dim3A_30 : vector<16xi1>, vector<16xi32>
      %gt3A_1114 = arith.constant -0.69813168 : f32
      %gt3A_1115 = vector.broadcast %gt3A_1114 : f32 to vector<16xf32>
      %gt3A_1116 = arith.cmpf ogt, %get3A_1089, %gt3A_1115 : vector<16xf32>
      %select_n3A_1117 = arith.select %gt3A_1116, %broadcast_in_dim3A_32, %broadcast_in_dim3A_30 : vector<16xi1>, vector<16xi32>
      %gt3A_1118 = arith.constant -0.34906584 : f32
      %gt3A_1119 = vector.broadcast %gt3A_1118 : f32 to vector<16xf32>
      %gt3A_1120 = arith.cmpf ogt, %get3A_1089, %gt3A_1119 : vector<16xf32>
      %select_n3A_1121 = arith.select %gt3A_1120, %broadcast_in_dim3A_32, %broadcast_in_dim3A_30 : vector<16xi1>, vector<16xi32>
      %gt3A_1122 = arith.constant 0.000000e+00 : f32
      %gt3A_1123 = vector.broadcast %gt3A_1122 : f32 to vector<16xf32>
      %gt3A_1124 = arith.cmpf ogt, %get3A_1089, %gt3A_1123 : vector<16xf32>
      %select_n3A_1125 = arith.select %gt3A_1124, %broadcast_in_dim3A_32, %broadcast_in_dim3A_30 : vector<16xi1>, vector<16xi32>
      %gt3A_1126 = arith.constant 0.34906584 : f32
      %gt3A_1127 = vector.broadcast %gt3A_1126 : f32 to vector<16xf32>
      %gt3A_1128 = arith.cmpf ogt, %get3A_1089, %gt3A_1127 : vector<16xf32>
      %select_n3A_1129 = arith.select %gt3A_1128, %broadcast_in_dim3A_32, %broadcast_in_dim3A_30 : vector<16xi1>, vector<16xi32>
      %gt3A_1130 = arith.constant 0.69813168 : f32
      %gt3A_1131 = vector.broadcast %gt3A_1130 : f32 to vector<16xf32>
      %gt3A_1132 = arith.cmpf ogt, %get3A_1089, %gt3A_1131 : vector<16xf32>
      %select_n3A_1133 = arith.select %gt3A_1132, %broadcast_in_dim3A_32, %broadcast_in_dim3A_30 : vector<16xi1>, vector<16xi32>
      %gt3A_1134 = arith.constant 1.04719758 : f32
      %gt3A_1135 = vector.broadcast %gt3A_1134 : f32 to vector<16xf32>
      %gt3A_1136 = arith.cmpf ogt, %get3A_1089, %gt3A_1135 : vector<16xf32>
      %select_n3A_1137 = arith.select %gt3A_1136, %broadcast_in_dim3A_32, %broadcast_in_dim3A_30 : vector<16xi1>, vector<16xi32>
      %gt3A_1138 = arith.constant 1.39626336 : f32
      %gt3A_1139 = vector.broadcast %gt3A_1138 : f32 to vector<16xf32>
      %gt3A_1140 = arith.cmpf ogt, %get3A_1089, %gt3A_1139 : vector<16xf32>
      %select_n3A_1141 = arith.select %gt3A_1140, %broadcast_in_dim3A_32, %broadcast_in_dim3A_30 : vector<16xi1>, vector<16xi32>
      %gt3A_1142 = arith.constant 1.74532926 : f32
      %gt3A_1143 = vector.broadcast %gt3A_1142 : f32 to vector<16xf32>
      %gt3A_1144 = arith.cmpf ogt, %get3A_1089, %gt3A_1143 : vector<16xf32>
      %select_n3A_1145 = arith.select %gt3A_1144, %broadcast_in_dim3A_32, %broadcast_in_dim3A_30 : vector<16xi1>, vector<16xi32>
      %gt3A_1146 = arith.constant 2.09439516 : f32
      %gt3A_1147 = vector.broadcast %gt3A_1146 : f32 to vector<16xf32>
      %gt3A_1148 = arith.cmpf ogt, %get3A_1089, %gt3A_1147 : vector<16xf32>
      %select_n3A_1149 = arith.select %gt3A_1148, %broadcast_in_dim3A_32, %broadcast_in_dim3A_30 : vector<16xi1>, vector<16xi32>
      %gt3A_1150 = arith.constant 2.44346094 : f32
      %gt3A_1151 = vector.broadcast %gt3A_1150 : f32 to vector<16xf32>
      %gt3A_1152 = arith.cmpf ogt, %get3A_1089, %gt3A_1151 : vector<16xf32>
      %select_n3A_1153 = arith.select %gt3A_1152, %broadcast_in_dim3A_32, %broadcast_in_dim3A_30 : vector<16xi1>, vector<16xi32>
      %gt3A_1154 = arith.constant 2.79252672 : f32
      %gt3A_1155 = vector.broadcast %gt3A_1154 : f32 to vector<16xf32>
      %gt3A_1156 = arith.cmpf ogt, %get3A_1089, %gt3A_1155 : vector<16xf32>
      %select_n3A_1157 = arith.select %gt3A_1156, %broadcast_in_dim3A_32, %broadcast_in_dim3A_30 : vector<16xi1>, vector<16xi32>
      %add3A_1158 = arith.addi %select_n3A_1093, %select_n3A_1097 : vector<16xi32>
      %add3A_1159 = arith.addi %select_n3A_1101, %select_n3A_1105 : vector<16xi32>
      %add3A_1160 = arith.addi %select_n3A_1109, %select_n3A_1113 : vector<16xi32>
      %add3A_1161 = arith.addi %select_n3A_1117, %select_n3A_1121 : vector<16xi32>
      %add3A_1162 = arith.addi %select_n3A_1125, %select_n3A_1129 : vector<16xi32>
      %add3A_1163 = arith.addi %select_n3A_1133, %select_n3A_1137 : vector<16xi32>
      %add3A_1164 = arith.addi %select_n3A_1141, %select_n3A_1145 : vector<16xi32>
      %add3A_1165 = arith.addi %select_n3A_1149, %select_n3A_1153 : vector<16xi32>
      %add3A_1166 = arith.addi %add3A_1158, %add3A_1159 : vector<16xi32>
      %add3A_1167 = arith.addi %add3A_1160, %add3A_1161 : vector<16xi32>
      %add3A_1168 = arith.addi %add3A_1162, %add3A_1163 : vector<16xi32>
      %add3A_1169 = arith.addi %add3A_1164, %add3A_1165 : vector<16xi32>
      %add3A_1170 = arith.addi %add3A_1166, %add3A_1167 : vector<16xi32>
      %add3A_1171 = arith.addi %add3A_1168, %add3A_1169 : vector<16xi32>
      %add3A_1172 = arith.addi %add3A_1170, %add3A_1171 : vector<16xi32>
      %add3A_1173 = arith.addi %add3A_1172, %select_n3A_1157 : vector<16xi32>
      %mul3A_1174 = arith.constant 128 : i32
      %mul3A_1175 = vector.broadcast %mul3A_1174 : i32 to vector<16xi32>
      %mul3A_1176 = arith.muli %add3A_1173, %mul3A_1175 : vector<16xi32>
      %add3A_1177 = arith.constant 0 : i32
      %add3A_1178 = vector.broadcast %add3A_1177 : i32 to vector<16xi32>
      %add3A_1179 = arith.addi %iota3A, %add3A_1178 : vector<16xi32>
      %add3A_1180 = arith.addi %mul3A_1176, %add3A_1179 : vector<16xi32>
      %add3A_1181 = arith.constant 0 : i32
      %add3A_1182 = vector.broadcast %add3A_1181 : i32 to vector<16xi32>
      %add3A_1183 = arith.addi %add3A_1180, %add3A_1182 : vector<16xi32>
      tpu.vector_store_idx %arg7[%add3A_1183], %get3A_1057 {add = true} : memref<20736xf32, #tpu.memory_space<vmem>>[vector<16xi32>], vector<16xf32>,
      %add3A_1184 = arith.constant 2304 : i32
      %add3A_1185 = vector.broadcast %add3A_1184 : i32 to vector<16xi32>
      %add3A_1186 = arith.addi %add3A_1180, %add3A_1185 : vector<16xi32>
      tpu.vector_store_idx %arg7[%add3A_1186], %get3A_1061 {add = true} : memref<20736xf32, #tpu.memory_space<vmem>>[vector<16xi32>], vector<16xf32>,
      %add3A_1187 = arith.constant 4608 : i32
      %add3A_1188 = vector.broadcast %add3A_1187 : i32 to vector<16xi32>
      %add3A_1189 = arith.addi %add3A_1180, %add3A_1188 : vector<16xi32>
      tpu.vector_store_idx %arg7[%add3A_1189], %get3A_1065 {add = true} : memref<20736xf32, #tpu.memory_space<vmem>>[vector<16xi32>], vector<16xf32>,
      %add3A_1190 = arith.constant 6912 : i32
      %add3A_1191 = vector.broadcast %add3A_1190 : i32 to vector<16xi32>
      %add3A_1192 = arith.addi %add3A_1180, %add3A_1191 : vector<16xi32>
      tpu.vector_store_idx %arg7[%add3A_1192], %get3A_1069 {add = true} : memref<20736xf32, #tpu.memory_space<vmem>>[vector<16xi32>], vector<16xf32>,
      %add3A_1193 = arith.constant 9216 : i32
      %add3A_1194 = vector.broadcast %add3A_1193 : i32 to vector<16xi32>
      %add3A_1195 = arith.addi %add3A_1180, %add3A_1194 : vector<16xi32>
      tpu.vector_store_idx %arg7[%add3A_1195], %get3A_1073 {add = true} : memref<20736xf32, #tpu.memory_space<vmem>>[vector<16xi32>], vector<16xf32>,
      %add3A_1196 = arith.constant 11520 : i32
      %add3A_1197 = vector.broadcast %add3A_1196 : i32 to vector<16xi32>
      %add3A_1198 = arith.addi %add3A_1180, %add3A_1197 : vector<16xi32>
      tpu.vector_store_idx %arg7[%add3A_1198], %get3A_1077 {add = true} : memref<20736xf32, #tpu.memory_space<vmem>>[vector<16xi32>], vector<16xf32>,
      %add3A_1199 = arith.constant 13824 : i32
      %add3A_1200 = vector.broadcast %add3A_1199 : i32 to vector<16xi32>
      %add3A_1201 = arith.addi %add3A_1180, %add3A_1200 : vector<16xi32>
      tpu.vector_store_idx %arg7[%add3A_1201], %get3A_1081 {add = true} : memref<20736xf32, #tpu.memory_space<vmem>>[vector<16xi32>], vector<16xf32>,
      %add3A_1202 = arith.constant 16128 : i32
      %add3A_1203 = vector.broadcast %add3A_1202 : i32 to vector<16xi32>
      %add3A_1204 = arith.addi %add3A_1180, %add3A_1203 : vector<16xi32>
      tpu.vector_store_idx %arg7[%add3A_1204], %get3A_1085 {add = true} : memref<20736xf32, #tpu.memory_space<vmem>>[vector<16xi32>], vector<16xf32>,
      %add3A_1205 = arith.constant 18432 : i32
      %add3A_1206 = vector.broadcast %add3A_1205 : i32 to vector<16xi32>
      %add3A_1207 = arith.addi %add3A_1180, %add3A_1206 : vector<16xi32>
      tpu.vector_store_idx %arg7[%add3A_1207], %broadcast_in_dim3A_28 {add = true} : memref<20736xf32, #tpu.memory_space<vmem>>[vector<16xi32>], vector<16xf32>,
      %get3A_1208 = arith.constant 1 : i32
      %get3A_1209 = arith.index_cast %get3A_1208 : i32 to index
      %get3A_1210 = arith.index_cast %add3A_1053 : i32 to index
      %get3A_1211 = tpu.vector_load %arg5[%get3A_1209, %get3A_1210] {strides = array<i32>} : memref<8x1024xf32, #tpu.memory_space<vmem>>, vector<16xf32>,
      %gt3A_1212 = arith.constant -2.79252672 : f32
      %gt3A_1213 = vector.broadcast %gt3A_1212 : f32 to vector<16xf32>
      %gt3A_1214 = arith.cmpf ogt, %get3A_1211, %gt3A_1213 : vector<16xf32>
      %select_n3A_1215 = arith.select %gt3A_1214, %broadcast_in_dim3A_32, %broadcast_in_dim3A_30 : vector<16xi1>, vector<16xi32>
      %gt3A_1216 = arith.constant -2.44346094 : f32
      %gt3A_1217 = vector.broadcast %gt3A_1216 : f32 to vector<16xf32>
      %gt3A_1218 = arith.cmpf ogt, %get3A_1211, %gt3A_1217 : vector<16xf32>
      %select_n3A_1219 = arith.select %gt3A_1218, %broadcast_in_dim3A_32, %broadcast_in_dim3A_30 : vector<16xi1>, vector<16xi32>
      %gt3A_1220 = arith.constant -2.09439516 : f32
      %gt3A_1221 = vector.broadcast %gt3A_1220 : f32 to vector<16xf32>
      %gt3A_1222 = arith.cmpf ogt, %get3A_1211, %gt3A_1221 : vector<16xf32>
      %select_n3A_1223 = arith.select %gt3A_1222, %broadcast_in_dim3A_32, %broadcast_in_dim3A_30 : vector<16xi1>, vector<16xi32>
      %gt3A_1224 = arith.constant -1.74532926 : f32
      %gt3A_1225 = vector.broadcast %gt3A_1224 : f32 to vector<16xf32>
      %gt3A_1226 = arith.cmpf ogt, %get3A_1211, %gt3A_1225 : vector<16xf32>
      %select_n3A_1227 = arith.select %gt3A_1226, %broadcast_in_dim3A_32, %broadcast_in_dim3A_30 : vector<16xi1>, vector<16xi32>
      %gt3A_1228 = arith.constant -1.39626336 : f32
      %gt3A_1229 = vector.broadcast %gt3A_1228 : f32 to vector<16xf32>
      %gt3A_1230 = arith.cmpf ogt, %get3A_1211, %gt3A_1229 : vector<16xf32>
      %select_n3A_1231 = arith.select %gt3A_1230, %broadcast_in_dim3A_32, %broadcast_in_dim3A_30 : vector<16xi1>, vector<16xi32>
      %gt3A_1232 = arith.constant -1.04719758 : f32
      %gt3A_1233 = vector.broadcast %gt3A_1232 : f32 to vector<16xf32>
      %gt3A_1234 = arith.cmpf ogt, %get3A_1211, %gt3A_1233 : vector<16xf32>
      %select_n3A_1235 = arith.select %gt3A_1234, %broadcast_in_dim3A_32, %broadcast_in_dim3A_30 : vector<16xi1>, vector<16xi32>
      %gt3A_1236 = arith.constant -0.69813168 : f32
      %gt3A_1237 = vector.broadcast %gt3A_1236 : f32 to vector<16xf32>
      %gt3A_1238 = arith.cmpf ogt, %get3A_1211, %gt3A_1237 : vector<16xf32>
      %select_n3A_1239 = arith.select %gt3A_1238, %broadcast_in_dim3A_32, %broadcast_in_dim3A_30 : vector<16xi1>, vector<16xi32>
      %gt3A_1240 = arith.constant -0.34906584 : f32
      %gt3A_1241 = vector.broadcast %gt3A_1240 : f32 to vector<16xf32>
      %gt3A_1242 = arith.cmpf ogt, %get3A_1211, %gt3A_1241 : vector<16xf32>
      %select_n3A_1243 = arith.select %gt3A_1242, %broadcast_in_dim3A_32, %broadcast_in_dim3A_30 : vector<16xi1>, vector<16xi32>
      %gt3A_1244 = arith.constant 0.000000e+00 : f32
      %gt3A_1245 = vector.broadcast %gt3A_1244 : f32 to vector<16xf32>
      %gt3A_1246 = arith.cmpf ogt, %get3A_1211, %gt3A_1245 : vector<16xf32>
      %select_n3A_1247 = arith.select %gt3A_1246, %broadcast_in_dim3A_32, %broadcast_in_dim3A_30 : vector<16xi1>, vector<16xi32>
      %gt3A_1248 = arith.constant 0.34906584 : f32
      %gt3A_1249 = vector.broadcast %gt3A_1248 : f32 to vector<16xf32>
      %gt3A_1250 = arith.cmpf ogt, %get3A_1211, %gt3A_1249 : vector<16xf32>
      %select_n3A_1251 = arith.select %gt3A_1250, %broadcast_in_dim3A_32, %broadcast_in_dim3A_30 : vector<16xi1>, vector<16xi32>
      %gt3A_1252 = arith.constant 0.69813168 : f32
      %gt3A_1253 = vector.broadcast %gt3A_1252 : f32 to vector<16xf32>
      %gt3A_1254 = arith.cmpf ogt, %get3A_1211, %gt3A_1253 : vector<16xf32>
      %select_n3A_1255 = arith.select %gt3A_1254, %broadcast_in_dim3A_32, %broadcast_in_dim3A_30 : vector<16xi1>, vector<16xi32>
      %gt3A_1256 = arith.constant 1.04719758 : f32
      %gt3A_1257 = vector.broadcast %gt3A_1256 : f32 to vector<16xf32>
      %gt3A_1258 = arith.cmpf ogt, %get3A_1211, %gt3A_1257 : vector<16xf32>
      %select_n3A_1259 = arith.select %gt3A_1258, %broadcast_in_dim3A_32, %broadcast_in_dim3A_30 : vector<16xi1>, vector<16xi32>
      %gt3A_1260 = arith.constant 1.39626336 : f32
      %gt3A_1261 = vector.broadcast %gt3A_1260 : f32 to vector<16xf32>
      %gt3A_1262 = arith.cmpf ogt, %get3A_1211, %gt3A_1261 : vector<16xf32>
      %select_n3A_1263 = arith.select %gt3A_1262, %broadcast_in_dim3A_32, %broadcast_in_dim3A_30 : vector<16xi1>, vector<16xi32>
      %gt3A_1264 = arith.constant 1.74532926 : f32
      %gt3A_1265 = vector.broadcast %gt3A_1264 : f32 to vector<16xf32>
      %gt3A_1266 = arith.cmpf ogt, %get3A_1211, %gt3A_1265 : vector<16xf32>
      %select_n3A_1267 = arith.select %gt3A_1266, %broadcast_in_dim3A_32, %broadcast_in_dim3A_30 : vector<16xi1>, vector<16xi32>
      %gt3A_1268 = arith.constant 2.09439516 : f32
      %gt3A_1269 = vector.broadcast %gt3A_1268 : f32 to vector<16xf32>
      %gt3A_1270 = arith.cmpf ogt, %get3A_1211, %gt3A_1269 : vector<16xf32>
      %select_n3A_1271 = arith.select %gt3A_1270, %broadcast_in_dim3A_32, %broadcast_in_dim3A_30 : vector<16xi1>, vector<16xi32>
      %gt3A_1272 = arith.constant 2.44346094 : f32
      %gt3A_1273 = vector.broadcast %gt3A_1272 : f32 to vector<16xf32>
      %gt3A_1274 = arith.cmpf ogt, %get3A_1211, %gt3A_1273 : vector<16xf32>
      %select_n3A_1275 = arith.select %gt3A_1274, %broadcast_in_dim3A_32, %broadcast_in_dim3A_30 : vector<16xi1>, vector<16xi32>
      %gt3A_1276 = arith.constant 2.79252672 : f32
      %gt3A_1277 = vector.broadcast %gt3A_1276 : f32 to vector<16xf32>
      %gt3A_1278 = arith.cmpf ogt, %get3A_1211, %gt3A_1277 : vector<16xf32>
      %select_n3A_1279 = arith.select %gt3A_1278, %broadcast_in_dim3A_32, %broadcast_in_dim3A_30 : vector<16xi1>, vector<16xi32>
      %add3A_1280 = arith.addi %select_n3A_1215, %select_n3A_1219 : vector<16xi32>
      %add3A_1281 = arith.addi %select_n3A_1223, %select_n3A_1227 : vector<16xi32>
      %add3A_1282 = arith.addi %select_n3A_1231, %select_n3A_1235 : vector<16xi32>
      %add3A_1283 = arith.addi %select_n3A_1239, %select_n3A_1243 : vector<16xi32>
      %add3A_1284 = arith.addi %select_n3A_1247, %select_n3A_1251 : vector<16xi32>
      %add3A_1285 = arith.addi %select_n3A_1255, %select_n3A_1259 : vector<16xi32>
      %add3A_1286 = arith.addi %select_n3A_1263, %select_n3A_1267 : vector<16xi32>
      %add3A_1287 = arith.addi %select_n3A_1271, %select_n3A_1275 : vector<16xi32>
      %add3A_1288 = arith.addi %add3A_1280, %add3A_1281 : vector<16xi32>
      %add3A_1289 = arith.addi %add3A_1282, %add3A_1283 : vector<16xi32>
      %add3A_1290 = arith.addi %add3A_1284, %add3A_1285 : vector<16xi32>
      %add3A_1291 = arith.addi %add3A_1286, %add3A_1287 : vector<16xi32>
      %add3A_1292 = arith.addi %add3A_1288, %add3A_1289 : vector<16xi32>
      %add3A_1293 = arith.addi %add3A_1290, %add3A_1291 : vector<16xi32>
      %add3A_1294 = arith.addi %add3A_1292, %add3A_1293 : vector<16xi32>
      %add3A_1295 = arith.addi %add3A_1294, %select_n3A_1279 : vector<16xi32>
      %mul3A_1296 = arith.constant 128 : i32
      %mul3A_1297 = vector.broadcast %mul3A_1296 : i32 to vector<16xi32>
      %mul3A_1298 = arith.muli %add3A_1295, %mul3A_1297 : vector<16xi32>
      %add3A_1299 = arith.constant 16 : i32
      %add3A_1300 = vector.broadcast %add3A_1299 : i32 to vector<16xi32>
      %add3A_1301 = arith.addi %iota3A, %add3A_1300 : vector<16xi32>
      %add3A_1302 = arith.addi %mul3A_1298, %add3A_1301 : vector<16xi32>
      %add3A_1303 = arith.constant 0 : i32
      %add3A_1304 = vector.broadcast %add3A_1303 : i32 to vector<16xi32>
      %add3A_1305 = arith.addi %add3A_1302, %add3A_1304 : vector<16xi32>
      tpu.vector_store_idx %arg7[%add3A_1305], %get3A_1057 {add = true} : memref<20736xf32, #tpu.memory_space<vmem>>[vector<16xi32>], vector<16xf32>,
      %add3A_1306 = arith.constant 2304 : i32
      %add3A_1307 = vector.broadcast %add3A_1306 : i32 to vector<16xi32>
      %add3A_1308 = arith.addi %add3A_1302, %add3A_1307 : vector<16xi32>
      tpu.vector_store_idx %arg7[%add3A_1308], %get3A_1061 {add = true} : memref<20736xf32, #tpu.memory_space<vmem>>[vector<16xi32>], vector<16xf32>,
      %add3A_1309 = arith.constant 4608 : i32
      %add3A_1310 = vector.broadcast %add3A_1309 : i32 to vector<16xi32>
      %add3A_1311 = arith.addi %add3A_1302, %add3A_1310 : vector<16xi32>
      tpu.vector_store_idx %arg7[%add3A_1311], %get3A_1065 {add = true} : memref<20736xf32, #tpu.memory_space<vmem>>[vector<16xi32>], vector<16xf32>,
      %add3A_1312 = arith.constant 6912 : i32
      %add3A_1313 = vector.broadcast %add3A_1312 : i32 to vector<16xi32>
      %add3A_1314 = arith.addi %add3A_1302, %add3A_1313 : vector<16xi32>
      tpu.vector_store_idx %arg7[%add3A_1314], %get3A_1069 {add = true} : memref<20736xf32, #tpu.memory_space<vmem>>[vector<16xi32>], vector<16xf32>,
      %add3A_1315 = arith.constant 9216 : i32
      %add3A_1316 = vector.broadcast %add3A_1315 : i32 to vector<16xi32>
      %add3A_1317 = arith.addi %add3A_1302, %add3A_1316 : vector<16xi32>
      tpu.vector_store_idx %arg7[%add3A_1317], %get3A_1073 {add = true} : memref<20736xf32, #tpu.memory_space<vmem>>[vector<16xi32>], vector<16xf32>,
      %add3A_1318 = arith.constant 11520 : i32
      %add3A_1319 = vector.broadcast %add3A_1318 : i32 to vector<16xi32>
      %add3A_1320 = arith.addi %add3A_1302, %add3A_1319 : vector<16xi32>
      tpu.vector_store_idx %arg7[%add3A_1320], %get3A_1077 {add = true} : memref<20736xf32, #tpu.memory_space<vmem>>[vector<16xi32>], vector<16xf32>,
      %add3A_1321 = arith.constant 13824 : i32
      %add3A_1322 = vector.broadcast %add3A_1321 : i32 to vector<16xi32>
      %add3A_1323 = arith.addi %add3A_1302, %add3A_1322 : vector<16xi32>
      tpu.vector_store_idx %arg7[%add3A_1323], %get3A_1081 {add = true} : memref<20736xf32, #tpu.memory_space<vmem>>[vector<16xi32>], vector<16xf32>,
      %add3A_1324 = arith.constant 16128 : i32
      %add3A_1325 = vector.broadcast %add3A_1324 : i32 to vector<16xi32>
      %add3A_1326 = arith.addi %add3A_1302, %add3A_1325 : vector<16xi32>
      tpu.vector_store_idx %arg7[%add3A_1326], %get3A_1085 {add = true} : memref<20736xf32, #tpu.memory_space<vmem>>[vector<16xi32>], vector<16xf32>,
      %add3A_1327 = arith.constant 18432 : i32
      %add3A_1328 = vector.broadcast %add3A_1327 : i32 to vector<16xi32>
      %add3A_1329 = arith.addi %add3A_1302, %add3A_1328 : vector<16xi32>
      tpu.vector_store_idx %arg7[%add3A_1329], %broadcast_in_dim3A_28 {add = true} : memref<20736xf32, #tpu.memory_space<vmem>>[vector<16xi32>], vector<16xf32>,
      %get3A_1330 = arith.constant 2 : i32
      %get3A_1331 = arith.index_cast %get3A_1330 : i32 to index
      %get3A_1332 = arith.index_cast %add3A_1053 : i32 to index
      %get3A_1333 = tpu.vector_load %arg5[%get3A_1331, %get3A_1332] {strides = array<i32>} : memref<8x1024xf32, #tpu.memory_space<vmem>>, vector<16xf32>,
      %gt3A_1334 = arith.constant -2.79252672 : f32
      %gt3A_1335 = vector.broadcast %gt3A_1334 : f32 to vector<16xf32>
      %gt3A_1336 = arith.cmpf ogt, %get3A_1333, %gt3A_1335 : vector<16xf32>
      %select_n3A_1337 = arith.select %gt3A_1336, %broadcast_in_dim3A_32, %broadcast_in_dim3A_30 : vector<16xi1>, vector<16xi32>
      %gt3A_1338 = arith.constant -2.44346094 : f32
      %gt3A_1339 = vector.broadcast %gt3A_1338 : f32 to vector<16xf32>
      %gt3A_1340 = arith.cmpf ogt, %get3A_1333, %gt3A_1339 : vector<16xf32>
      %select_n3A_1341 = arith.select %gt3A_1340, %broadcast_in_dim3A_32, %broadcast_in_dim3A_30 : vector<16xi1>, vector<16xi32>
      %gt3A_1342 = arith.constant -2.09439516 : f32
      %gt3A_1343 = vector.broadcast %gt3A_1342 : f32 to vector<16xf32>
      %gt3A_1344 = arith.cmpf ogt, %get3A_1333, %gt3A_1343 : vector<16xf32>
      %select_n3A_1345 = arith.select %gt3A_1344, %broadcast_in_dim3A_32, %broadcast_in_dim3A_30 : vector<16xi1>, vector<16xi32>
      %gt3A_1346 = arith.constant -1.74532926 : f32
      %gt3A_1347 = vector.broadcast %gt3A_1346 : f32 to vector<16xf32>
      %gt3A_1348 = arith.cmpf ogt, %get3A_1333, %gt3A_1347 : vector<16xf32>
      %select_n3A_1349 = arith.select %gt3A_1348, %broadcast_in_dim3A_32, %broadcast_in_dim3A_30 : vector<16xi1>, vector<16xi32>
      %gt3A_1350 = arith.constant -1.39626336 : f32
      %gt3A_1351 = vector.broadcast %gt3A_1350 : f32 to vector<16xf32>
      %gt3A_1352 = arith.cmpf ogt, %get3A_1333, %gt3A_1351 : vector<16xf32>
      %select_n3A_1353 = arith.select %gt3A_1352, %broadcast_in_dim3A_32, %broadcast_in_dim3A_30 : vector<16xi1>, vector<16xi32>
      %gt3A_1354 = arith.constant -1.04719758 : f32
      %gt3A_1355 = vector.broadcast %gt3A_1354 : f32 to vector<16xf32>
      %gt3A_1356 = arith.cmpf ogt, %get3A_1333, %gt3A_1355 : vector<16xf32>
      %select_n3A_1357 = arith.select %gt3A_1356, %broadcast_in_dim3A_32, %broadcast_in_dim3A_30 : vector<16xi1>, vector<16xi32>
      %gt3A_1358 = arith.constant -0.69813168 : f32
      %gt3A_1359 = vector.broadcast %gt3A_1358 : f32 to vector<16xf32>
      %gt3A_1360 = arith.cmpf ogt, %get3A_1333, %gt3A_1359 : vector<16xf32>
      %select_n3A_1361 = arith.select %gt3A_1360, %broadcast_in_dim3A_32, %broadcast_in_dim3A_30 : vector<16xi1>, vector<16xi32>
      %gt3A_1362 = arith.constant -0.34906584 : f32
      %gt3A_1363 = vector.broadcast %gt3A_1362 : f32 to vector<16xf32>
      %gt3A_1364 = arith.cmpf ogt, %get3A_1333, %gt3A_1363 : vector<16xf32>
      %select_n3A_1365 = arith.select %gt3A_1364, %broadcast_in_dim3A_32, %broadcast_in_dim3A_30 : vector<16xi1>, vector<16xi32>
      %gt3A_1366 = arith.constant 0.000000e+00 : f32
      %gt3A_1367 = vector.broadcast %gt3A_1366 : f32 to vector<16xf32>
      %gt3A_1368 = arith.cmpf ogt, %get3A_1333, %gt3A_1367 : vector<16xf32>
      %select_n3A_1369 = arith.select %gt3A_1368, %broadcast_in_dim3A_32, %broadcast_in_dim3A_30 : vector<16xi1>, vector<16xi32>
      %gt3A_1370 = arith.constant 0.34906584 : f32
      %gt3A_1371 = vector.broadcast %gt3A_1370 : f32 to vector<16xf32>
      %gt3A_1372 = arith.cmpf ogt, %get3A_1333, %gt3A_1371 : vector<16xf32>
      %select_n3A_1373 = arith.select %gt3A_1372, %broadcast_in_dim3A_32, %broadcast_in_dim3A_30 : vector<16xi1>, vector<16xi32>
      %gt3A_1374 = arith.constant 0.69813168 : f32
      %gt3A_1375 = vector.broadcast %gt3A_1374 : f32 to vector<16xf32>
      %gt3A_1376 = arith.cmpf ogt, %get3A_1333, %gt3A_1375 : vector<16xf32>
      %select_n3A_1377 = arith.select %gt3A_1376, %broadcast_in_dim3A_32, %broadcast_in_dim3A_30 : vector<16xi1>, vector<16xi32>
      %gt3A_1378 = arith.constant 1.04719758 : f32
      %gt3A_1379 = vector.broadcast %gt3A_1378 : f32 to vector<16xf32>
      %gt3A_1380 = arith.cmpf ogt, %get3A_1333, %gt3A_1379 : vector<16xf32>
      %select_n3A_1381 = arith.select %gt3A_1380, %broadcast_in_dim3A_32, %broadcast_in_dim3A_30 : vector<16xi1>, vector<16xi32>
      %gt3A_1382 = arith.constant 1.39626336 : f32
      %gt3A_1383 = vector.broadcast %gt3A_1382 : f32 to vector<16xf32>
      %gt3A_1384 = arith.cmpf ogt, %get3A_1333, %gt3A_1383 : vector<16xf32>
      %select_n3A_1385 = arith.select %gt3A_1384, %broadcast_in_dim3A_32, %broadcast_in_dim3A_30 : vector<16xi1>, vector<16xi32>
      %gt3A_1386 = arith.constant 1.74532926 : f32
      %gt3A_1387 = vector.broadcast %gt3A_1386 : f32 to vector<16xf32>
      %gt3A_1388 = arith.cmpf ogt, %get3A_1333, %gt3A_1387 : vector<16xf32>
      %select_n3A_1389 = arith.select %gt3A_1388, %broadcast_in_dim3A_32, %broadcast_in_dim3A_30 : vector<16xi1>, vector<16xi32>
      %gt3A_1390 = arith.constant 2.09439516 : f32
      %gt3A_1391 = vector.broadcast %gt3A_1390 : f32 to vector<16xf32>
      %gt3A_1392 = arith.cmpf ogt, %get3A_1333, %gt3A_1391 : vector<16xf32>
      %select_n3A_1393 = arith.select %gt3A_1392, %broadcast_in_dim3A_32, %broadcast_in_dim3A_30 : vector<16xi1>, vector<16xi32>
      %gt3A_1394 = arith.constant 2.44346094 : f32
      %gt3A_1395 = vector.broadcast %gt3A_1394 : f32 to vector<16xf32>
      %gt3A_1396 = arith.cmpf ogt, %get3A_1333, %gt3A_1395 : vector<16xf32>
      %select_n3A_1397 = arith.select %gt3A_1396, %broadcast_in_dim3A_32, %broadcast_in_dim3A_30 : vector<16xi1>, vector<16xi32>
      %gt3A_1398 = arith.constant 2.79252672 : f32
      %gt3A_1399 = vector.broadcast %gt3A_1398 : f32 to vector<16xf32>
      %gt3A_1400 = arith.cmpf ogt, %get3A_1333, %gt3A_1399 : vector<16xf32>
      %select_n3A_1401 = arith.select %gt3A_1400, %broadcast_in_dim3A_32, %broadcast_in_dim3A_30 : vector<16xi1>, vector<16xi32>
      %add3A_1402 = arith.addi %select_n3A_1337, %select_n3A_1341 : vector<16xi32>
      %add3A_1403 = arith.addi %select_n3A_1345, %select_n3A_1349 : vector<16xi32>
      %add3A_1404 = arith.addi %select_n3A_1353, %select_n3A_1357 : vector<16xi32>
      %add3A_1405 = arith.addi %select_n3A_1361, %select_n3A_1365 : vector<16xi32>
      %add3A_1406 = arith.addi %select_n3A_1369, %select_n3A_1373 : vector<16xi32>
      %add3A_1407 = arith.addi %select_n3A_1377, %select_n3A_1381 : vector<16xi32>
      %add3A_1408 = arith.addi %select_n3A_1385, %select_n3A_1389 : vector<16xi32>
      %add3A_1409 = arith.addi %select_n3A_1393, %select_n3A_1397 : vector<16xi32>
      %add3A_1410 = arith.addi %add3A_1402, %add3A_1403 : vector<16xi32>
      %add3A_1411 = arith.addi %add3A_1404, %add3A_1405 : vector<16xi32>
      %add3A_1412 = arith.addi %add3A_1406, %add3A_1407 : vector<16xi32>
      %add3A_1413 = arith.addi %add3A_1408, %add3A_1409 : vector<16xi32>
      %add3A_1414 = arith.addi %add3A_1410, %add3A_1411 : vector<16xi32>
      %add3A_1415 = arith.addi %add3A_1412, %add3A_1413 : vector<16xi32>
      %add3A_1416 = arith.addi %add3A_1414, %add3A_1415 : vector<16xi32>
      %add3A_1417 = arith.addi %add3A_1416, %select_n3A_1401 : vector<16xi32>
      %mul3A_1418 = arith.constant 128 : i32
      %mul3A_1419 = vector.broadcast %mul3A_1418 : i32 to vector<16xi32>
      %mul3A_1420 = arith.muli %add3A_1417, %mul3A_1419 : vector<16xi32>
      %add3A_1421 = arith.constant 32 : i32
      %add3A_1422 = vector.broadcast %add3A_1421 : i32 to vector<16xi32>
      %add3A_1423 = arith.addi %iota3A, %add3A_1422 : vector<16xi32>
      %add3A_1424 = arith.addi %mul3A_1420, %add3A_1423 : vector<16xi32>
      %add3A_1425 = arith.constant 0 : i32
      %add3A_1426 = vector.broadcast %add3A_1425 : i32 to vector<16xi32>
      %add3A_1427 = arith.addi %add3A_1424, %add3A_1426 : vector<16xi32>
      tpu.vector_store_idx %arg7[%add3A_1427], %get3A_1057 {add = true} : memref<20736xf32, #tpu.memory_space<vmem>>[vector<16xi32>], vector<16xf32>,
      %add3A_1428 = arith.constant 2304 : i32
      %add3A_1429 = vector.broadcast %add3A_1428 : i32 to vector<16xi32>
      %add3A_1430 = arith.addi %add3A_1424, %add3A_1429 : vector<16xi32>
      tpu.vector_store_idx %arg7[%add3A_1430], %get3A_1061 {add = true} : memref<20736xf32, #tpu.memory_space<vmem>>[vector<16xi32>], vector<16xf32>,
      %add3A_1431 = arith.constant 4608 : i32
      %add3A_1432 = vector.broadcast %add3A_1431 : i32 to vector<16xi32>
      %add3A_1433 = arith.addi %add3A_1424, %add3A_1432 : vector<16xi32>
      tpu.vector_store_idx %arg7[%add3A_1433], %get3A_1065 {add = true} : memref<20736xf32, #tpu.memory_space<vmem>>[vector<16xi32>], vector<16xf32>,
      %add3A_1434 = arith.constant 6912 : i32
      %add3A_1435 = vector.broadcast %add3A_1434 : i32 to vector<16xi32>
      %add3A_1436 = arith.addi %add3A_1424, %add3A_1435 : vector<16xi32>
      tpu.vector_store_idx %arg7[%add3A_1436], %get3A_1069 {add = true} : memref<20736xf32, #tpu.memory_space<vmem>>[vector<16xi32>], vector<16xf32>,
      %add3A_1437 = arith.constant 9216 : i32
      %add3A_1438 = vector.broadcast %add3A_1437 : i32 to vector<16xi32>
      %add3A_1439 = arith.addi %add3A_1424, %add3A_1438 : vector<16xi32>
      tpu.vector_store_idx %arg7[%add3A_1439], %get3A_1073 {add = true} : memref<20736xf32, #tpu.memory_space<vmem>>[vector<16xi32>], vector<16xf32>,
      %add3A_1440 = arith.constant 11520 : i32
      %add3A_1441 = vector.broadcast %add3A_1440 : i32 to vector<16xi32>
      %add3A_1442 = arith.addi %add3A_1424, %add3A_1441 : vector<16xi32>
      tpu.vector_store_idx %arg7[%add3A_1442], %get3A_1077 {add = true} : memref<20736xf32, #tpu.memory_space<vmem>>[vector<16xi32>], vector<16xf32>,
      %add3A_1443 = arith.constant 13824 : i32
      %add3A_1444 = vector.broadcast %add3A_1443 : i32 to vector<16xi32>
      %add3A_1445 = arith.addi %add3A_1424, %add3A_1444 : vector<16xi32>
      tpu.vector_store_idx %arg7[%add3A_1445], %get3A_1081 {add = true} : memref<20736xf32, #tpu.memory_space<vmem>>[vector<16xi32>], vector<16xf32>,
      %add3A_1446 = arith.constant 16128 : i32
      %add3A_1447 = vector.broadcast %add3A_1446 : i32 to vector<16xi32>
      %add3A_1448 = arith.addi %add3A_1424, %add3A_1447 : vector<16xi32>
      tpu.vector_store_idx %arg7[%add3A_1448], %get3A_1085 {add = true} : memref<20736xf32, #tpu.memory_space<vmem>>[vector<16xi32>], vector<16xf32>,
      %add3A_1449 = arith.constant 18432 : i32
      %add3A_1450 = vector.broadcast %add3A_1449 : i32 to vector<16xi32>
      %add3A_1451 = arith.addi %add3A_1424, %add3A_1450 : vector<16xi32>
      tpu.vector_store_idx %arg7[%add3A_1451], %broadcast_in_dim3A_28 {add = true} : memref<20736xf32, #tpu.memory_space<vmem>>[vector<16xi32>], vector<16xf32>,
      %get3A_1452 = arith.constant 3 : i32
      %get3A_1453 = arith.index_cast %get3A_1452 : i32 to index
      %get3A_1454 = arith.index_cast %add3A_1053 : i32 to index
      %get3A_1455 = tpu.vector_load %arg5[%get3A_1453, %get3A_1454] {strides = array<i32>} : memref<8x1024xf32, #tpu.memory_space<vmem>>, vector<16xf32>,
      %gt3A_1456 = arith.constant -2.79252672 : f32
      %gt3A_1457 = vector.broadcast %gt3A_1456 : f32 to vector<16xf32>
      %gt3A_1458 = arith.cmpf ogt, %get3A_1455, %gt3A_1457 : vector<16xf32>
      %select_n3A_1459 = arith.select %gt3A_1458, %broadcast_in_dim3A_32, %broadcast_in_dim3A_30 : vector<16xi1>, vector<16xi32>
      %gt3A_1460 = arith.constant -2.44346094 : f32
      %gt3A_1461 = vector.broadcast %gt3A_1460 : f32 to vector<16xf32>
      %gt3A_1462 = arith.cmpf ogt, %get3A_1455, %gt3A_1461 : vector<16xf32>
      %select_n3A_1463 = arith.select %gt3A_1462, %broadcast_in_dim3A_32, %broadcast_in_dim3A_30 : vector<16xi1>, vector<16xi32>
      %gt3A_1464 = arith.constant -2.09439516 : f32
      %gt3A_1465 = vector.broadcast %gt3A_1464 : f32 to vector<16xf32>
      %gt3A_1466 = arith.cmpf ogt, %get3A_1455, %gt3A_1465 : vector<16xf32>
      %select_n3A_1467 = arith.select %gt3A_1466, %broadcast_in_dim3A_32, %broadcast_in_dim3A_30 : vector<16xi1>, vector<16xi32>
      %gt3A_1468 = arith.constant -1.74532926 : f32
      %gt3A_1469 = vector.broadcast %gt3A_1468 : f32 to vector<16xf32>
      %gt3A_1470 = arith.cmpf ogt, %get3A_1455, %gt3A_1469 : vector<16xf32>
      %select_n3A_1471 = arith.select %gt3A_1470, %broadcast_in_dim3A_32, %broadcast_in_dim3A_30 : vector<16xi1>, vector<16xi32>
      %gt3A_1472 = arith.constant -1.39626336 : f32
      %gt3A_1473 = vector.broadcast %gt3A_1472 : f32 to vector<16xf32>
      %gt3A_1474 = arith.cmpf ogt, %get3A_1455, %gt3A_1473 : vector<16xf32>
      %select_n3A_1475 = arith.select %gt3A_1474, %broadcast_in_dim3A_32, %broadcast_in_dim3A_30 : vector<16xi1>, vector<16xi32>
      %gt3A_1476 = arith.constant -1.04719758 : f32
      %gt3A_1477 = vector.broadcast %gt3A_1476 : f32 to vector<16xf32>
      %gt3A_1478 = arith.cmpf ogt, %get3A_1455, %gt3A_1477 : vector<16xf32>
      %select_n3A_1479 = arith.select %gt3A_1478, %broadcast_in_dim3A_32, %broadcast_in_dim3A_30 : vector<16xi1>, vector<16xi32>
      %gt3A_1480 = arith.constant -0.69813168 : f32
      %gt3A_1481 = vector.broadcast %gt3A_1480 : f32 to vector<16xf32>
      %gt3A_1482 = arith.cmpf ogt, %get3A_1455, %gt3A_1481 : vector<16xf32>
      %select_n3A_1483 = arith.select %gt3A_1482, %broadcast_in_dim3A_32, %broadcast_in_dim3A_30 : vector<16xi1>, vector<16xi32>
      %gt3A_1484 = arith.constant -0.34906584 : f32
      %gt3A_1485 = vector.broadcast %gt3A_1484 : f32 to vector<16xf32>
      %gt3A_1486 = arith.cmpf ogt, %get3A_1455, %gt3A_1485 : vector<16xf32>
      %select_n3A_1487 = arith.select %gt3A_1486, %broadcast_in_dim3A_32, %broadcast_in_dim3A_30 : vector<16xi1>, vector<16xi32>
      %gt3A_1488 = arith.constant 0.000000e+00 : f32
      %gt3A_1489 = vector.broadcast %gt3A_1488 : f32 to vector<16xf32>
      %gt3A_1490 = arith.cmpf ogt, %get3A_1455, %gt3A_1489 : vector<16xf32>
      %select_n3A_1491 = arith.select %gt3A_1490, %broadcast_in_dim3A_32, %broadcast_in_dim3A_30 : vector<16xi1>, vector<16xi32>
      %gt3A_1492 = arith.constant 0.34906584 : f32
      %gt3A_1493 = vector.broadcast %gt3A_1492 : f32 to vector<16xf32>
      %gt3A_1494 = arith.cmpf ogt, %get3A_1455, %gt3A_1493 : vector<16xf32>
      %select_n3A_1495 = arith.select %gt3A_1494, %broadcast_in_dim3A_32, %broadcast_in_dim3A_30 : vector<16xi1>, vector<16xi32>
      %gt3A_1496 = arith.constant 0.69813168 : f32
      %gt3A_1497 = vector.broadcast %gt3A_1496 : f32 to vector<16xf32>
      %gt3A_1498 = arith.cmpf ogt, %get3A_1455, %gt3A_1497 : vector<16xf32>
      %select_n3A_1499 = arith.select %gt3A_1498, %broadcast_in_dim3A_32, %broadcast_in_dim3A_30 : vector<16xi1>, vector<16xi32>
      %gt3A_1500 = arith.constant 1.04719758 : f32
      %gt3A_1501 = vector.broadcast %gt3A_1500 : f32 to vector<16xf32>
      %gt3A_1502 = arith.cmpf ogt, %get3A_1455, %gt3A_1501 : vector<16xf32>
      %select_n3A_1503 = arith.select %gt3A_1502, %broadcast_in_dim3A_32, %broadcast_in_dim3A_30 : vector<16xi1>, vector<16xi32>
      %gt3A_1504 = arith.constant 1.39626336 : f32
      %gt3A_1505 = vector.broadcast %gt3A_1504 : f32 to vector<16xf32>
      %gt3A_1506 = arith.cmpf ogt, %get3A_1455, %gt3A_1505 : vector<16xf32>
      %select_n3A_1507 = arith.select %gt3A_1506, %broadcast_in_dim3A_32, %broadcast_in_dim3A_30 : vector<16xi1>, vector<16xi32>
      %gt3A_1508 = arith.constant 1.74532926 : f32
      %gt3A_1509 = vector.broadcast %gt3A_1508 : f32 to vector<16xf32>
      %gt3A_1510 = arith.cmpf ogt, %get3A_1455, %gt3A_1509 : vector<16xf32>
      %select_n3A_1511 = arith.select %gt3A_1510, %broadcast_in_dim3A_32, %broadcast_in_dim3A_30 : vector<16xi1>, vector<16xi32>
      %gt3A_1512 = arith.constant 2.09439516 : f32
      %gt3A_1513 = vector.broadcast %gt3A_1512 : f32 to vector<16xf32>
      %gt3A_1514 = arith.cmpf ogt, %get3A_1455, %gt3A_1513 : vector<16xf32>
      %select_n3A_1515 = arith.select %gt3A_1514, %broadcast_in_dim3A_32, %broadcast_in_dim3A_30 : vector<16xi1>, vector<16xi32>
      %gt3A_1516 = arith.constant 2.44346094 : f32
      %gt3A_1517 = vector.broadcast %gt3A_1516 : f32 to vector<16xf32>
      %gt3A_1518 = arith.cmpf ogt, %get3A_1455, %gt3A_1517 : vector<16xf32>
      %select_n3A_1519 = arith.select %gt3A_1518, %broadcast_in_dim3A_32, %broadcast_in_dim3A_30 : vector<16xi1>, vector<16xi32>
      %gt3A_1520 = arith.constant 2.79252672 : f32
      %gt3A_1521 = vector.broadcast %gt3A_1520 : f32 to vector<16xf32>
      %gt3A_1522 = arith.cmpf ogt, %get3A_1455, %gt3A_1521 : vector<16xf32>
      %select_n3A_1523 = arith.select %gt3A_1522, %broadcast_in_dim3A_32, %broadcast_in_dim3A_30 : vector<16xi1>, vector<16xi32>
      %add3A_1524 = arith.addi %select_n3A_1459, %select_n3A_1463 : vector<16xi32>
      %add3A_1525 = arith.addi %select_n3A_1467, %select_n3A_1471 : vector<16xi32>
      %add3A_1526 = arith.addi %select_n3A_1475, %select_n3A_1479 : vector<16xi32>
      %add3A_1527 = arith.addi %select_n3A_1483, %select_n3A_1487 : vector<16xi32>
      %add3A_1528 = arith.addi %select_n3A_1491, %select_n3A_1495 : vector<16xi32>
      %add3A_1529 = arith.addi %select_n3A_1499, %select_n3A_1503 : vector<16xi32>
      %add3A_1530 = arith.addi %select_n3A_1507, %select_n3A_1511 : vector<16xi32>
      %add3A_1531 = arith.addi %select_n3A_1515, %select_n3A_1519 : vector<16xi32>
      %add3A_1532 = arith.addi %add3A_1524, %add3A_1525 : vector<16xi32>
      %add3A_1533 = arith.addi %add3A_1526, %add3A_1527 : vector<16xi32>
      %add3A_1534 = arith.addi %add3A_1528, %add3A_1529 : vector<16xi32>
      %add3A_1535 = arith.addi %add3A_1530, %add3A_1531 : vector<16xi32>
      %add3A_1536 = arith.addi %add3A_1532, %add3A_1533 : vector<16xi32>
      %add3A_1537 = arith.addi %add3A_1534, %add3A_1535 : vector<16xi32>
      %add3A_1538 = arith.addi %add3A_1536, %add3A_1537 : vector<16xi32>
      %add3A_1539 = arith.addi %add3A_1538, %select_n3A_1523 : vector<16xi32>
      %mul3A_1540 = arith.constant 128 : i32
      %mul3A_1541 = vector.broadcast %mul3A_1540 : i32 to vector<16xi32>
      %mul3A_1542 = arith.muli %add3A_1539, %mul3A_1541 : vector<16xi32>
      %add3A_1543 = arith.constant 48 : i32
      %add3A_1544 = vector.broadcast %add3A_1543 : i32 to vector<16xi32>
      %add3A_1545 = arith.addi %iota3A, %add3A_1544 : vector<16xi32>
      %add3A_1546 = arith.addi %mul3A_1542, %add3A_1545 : vector<16xi32>
      %add3A_1547 = arith.constant 0 : i32
      %add3A_1548 = vector.broadcast %add3A_1547 : i32 to vector<16xi32>
      %add3A_1549 = arith.addi %add3A_1546, %add3A_1548 : vector<16xi32>
      tpu.vector_store_idx %arg7[%add3A_1549], %get3A_1057 {add = true} : memref<20736xf32, #tpu.memory_space<vmem>>[vector<16xi32>], vector<16xf32>,
      %add3A_1550 = arith.constant 2304 : i32
      %add3A_1551 = vector.broadcast %add3A_1550 : i32 to vector<16xi32>
      %add3A_1552 = arith.addi %add3A_1546, %add3A_1551 : vector<16xi32>
      tpu.vector_store_idx %arg7[%add3A_1552], %get3A_1061 {add = true} : memref<20736xf32, #tpu.memory_space<vmem>>[vector<16xi32>], vector<16xf32>,
      %add3A_1553 = arith.constant 4608 : i32
      %add3A_1554 = vector.broadcast %add3A_1553 : i32 to vector<16xi32>
      %add3A_1555 = arith.addi %add3A_1546, %add3A_1554 : vector<16xi32>
      tpu.vector_store_idx %arg7[%add3A_1555], %get3A_1065 {add = true} : memref<20736xf32, #tpu.memory_space<vmem>>[vector<16xi32>], vector<16xf32>,
      %add3A_1556 = arith.constant 6912 : i32
      %add3A_1557 = vector.broadcast %add3A_1556 : i32 to vector<16xi32>
      %add3A_1558 = arith.addi %add3A_1546, %add3A_1557 : vector<16xi32>
      tpu.vector_store_idx %arg7[%add3A_1558], %get3A_1069 {add = true} : memref<20736xf32, #tpu.memory_space<vmem>>[vector<16xi32>], vector<16xf32>,
      %add3A_1559 = arith.constant 9216 : i32
      %add3A_1560 = vector.broadcast %add3A_1559 : i32 to vector<16xi32>
      %add3A_1561 = arith.addi %add3A_1546, %add3A_1560 : vector<16xi32>
      tpu.vector_store_idx %arg7[%add3A_1561], %get3A_1073 {add = true} : memref<20736xf32, #tpu.memory_space<vmem>>[vector<16xi32>], vector<16xf32>,
      %add3A_1562 = arith.constant 11520 : i32
      %add3A_1563 = vector.broadcast %add3A_1562 : i32 to vector<16xi32>
      %add3A_1564 = arith.addi %add3A_1546, %add3A_1563 : vector<16xi32>
      tpu.vector_store_idx %arg7[%add3A_1564], %get3A_1077 {add = true} : memref<20736xf32, #tpu.memory_space<vmem>>[vector<16xi32>], vector<16xf32>,
      %add3A_1565 = arith.constant 13824 : i32
      %add3A_1566 = vector.broadcast %add3A_1565 : i32 to vector<16xi32>
      %add3A_1567 = arith.addi %add3A_1546, %add3A_1566 : vector<16xi32>
      tpu.vector_store_idx %arg7[%add3A_1567], %get3A_1081 {add = true} : memref<20736xf32, #tpu.memory_space<vmem>>[vector<16xi32>], vector<16xf32>,
      %add3A_1568 = arith.constant 16128 : i32
      %add3A_1569 = vector.broadcast %add3A_1568 : i32 to vector<16xi32>
      %add3A_1570 = arith.addi %add3A_1546, %add3A_1569 : vector<16xi32>
      tpu.vector_store_idx %arg7[%add3A_1570], %get3A_1085 {add = true} : memref<20736xf32, #tpu.memory_space<vmem>>[vector<16xi32>], vector<16xf32>,
      %add3A_1571 = arith.constant 18432 : i32
      %add3A_1572 = vector.broadcast %add3A_1571 : i32 to vector<16xi32>
      %add3A_1573 = arith.addi %add3A_1546, %add3A_1572 : vector<16xi32>
      tpu.vector_store_idx %arg7[%add3A_1573], %broadcast_in_dim3A_28 {add = true} : memref<20736xf32, #tpu.memory_space<vmem>>[vector<16xi32>], vector<16xf32>,
      %get3A_1574 = arith.constant 4 : i32
      %get3A_1575 = arith.index_cast %get3A_1574 : i32 to index
      %get3A_1576 = arith.index_cast %add3A_1053 : i32 to index
      %get3A_1577 = tpu.vector_load %arg5[%get3A_1575, %get3A_1576] {strides = array<i32>} : memref<8x1024xf32, #tpu.memory_space<vmem>>, vector<16xf32>,
      %gt3A_1578 = arith.constant -2.79252672 : f32
      %gt3A_1579 = vector.broadcast %gt3A_1578 : f32 to vector<16xf32>
      %gt3A_1580 = arith.cmpf ogt, %get3A_1577, %gt3A_1579 : vector<16xf32>
      %select_n3A_1581 = arith.select %gt3A_1580, %broadcast_in_dim3A_32, %broadcast_in_dim3A_30 : vector<16xi1>, vector<16xi32>
      %gt3A_1582 = arith.constant -2.44346094 : f32
      %gt3A_1583 = vector.broadcast %gt3A_1582 : f32 to vector<16xf32>
      %gt3A_1584 = arith.cmpf ogt, %get3A_1577, %gt3A_1583 : vector<16xf32>
      %select_n3A_1585 = arith.select %gt3A_1584, %broadcast_in_dim3A_32, %broadcast_in_dim3A_30 : vector<16xi1>, vector<16xi32>
      %gt3A_1586 = arith.constant -2.09439516 : f32
      %gt3A_1587 = vector.broadcast %gt3A_1586 : f32 to vector<16xf32>
      %gt3A_1588 = arith.cmpf ogt, %get3A_1577, %gt3A_1587 : vector<16xf32>
      %select_n3A_1589 = arith.select %gt3A_1588, %broadcast_in_dim3A_32, %broadcast_in_dim3A_30 : vector<16xi1>, vector<16xi32>
      %gt3A_1590 = arith.constant -1.74532926 : f32
      %gt3A_1591 = vector.broadcast %gt3A_1590 : f32 to vector<16xf32>
      %gt3A_1592 = arith.cmpf ogt, %get3A_1577, %gt3A_1591 : vector<16xf32>
      %select_n3A_1593 = arith.select %gt3A_1592, %broadcast_in_dim3A_32, %broadcast_in_dim3A_30 : vector<16xi1>, vector<16xi32>
      %gt3A_1594 = arith.constant -1.39626336 : f32
      %gt3A_1595 = vector.broadcast %gt3A_1594 : f32 to vector<16xf32>
      %gt3A_1596 = arith.cmpf ogt, %get3A_1577, %gt3A_1595 : vector<16xf32>
      %select_n3A_1597 = arith.select %gt3A_1596, %broadcast_in_dim3A_32, %broadcast_in_dim3A_30 : vector<16xi1>, vector<16xi32>
      %gt3A_1598 = arith.constant -1.04719758 : f32
      %gt3A_1599 = vector.broadcast %gt3A_1598 : f32 to vector<16xf32>
      %gt3A_1600 = arith.cmpf ogt, %get3A_1577, %gt3A_1599 : vector<16xf32>
      %select_n3A_1601 = arith.select %gt3A_1600, %broadcast_in_dim3A_32, %broadcast_in_dim3A_30 : vector<16xi1>, vector<16xi32>
      %gt3A_1602 = arith.constant -0.69813168 : f32
      %gt3A_1603 = vector.broadcast %gt3A_1602 : f32 to vector<16xf32>
      %gt3A_1604 = arith.cmpf ogt, %get3A_1577, %gt3A_1603 : vector<16xf32>
      %select_n3A_1605 = arith.select %gt3A_1604, %broadcast_in_dim3A_32, %broadcast_in_dim3A_30 : vector<16xi1>, vector<16xi32>
      %gt3A_1606 = arith.constant -0.34906584 : f32
      %gt3A_1607 = vector.broadcast %gt3A_1606 : f32 to vector<16xf32>
      %gt3A_1608 = arith.cmpf ogt, %get3A_1577, %gt3A_1607 : vector<16xf32>
      %select_n3A_1609 = arith.select %gt3A_1608, %broadcast_in_dim3A_32, %broadcast_in_dim3A_30 : vector<16xi1>, vector<16xi32>
      %gt3A_1610 = arith.constant 0.000000e+00 : f32
      %gt3A_1611 = vector.broadcast %gt3A_1610 : f32 to vector<16xf32>
      %gt3A_1612 = arith.cmpf ogt, %get3A_1577, %gt3A_1611 : vector<16xf32>
      %select_n3A_1613 = arith.select %gt3A_1612, %broadcast_in_dim3A_32, %broadcast_in_dim3A_30 : vector<16xi1>, vector<16xi32>
      %gt3A_1614 = arith.constant 0.34906584 : f32
      %gt3A_1615 = vector.broadcast %gt3A_1614 : f32 to vector<16xf32>
      %gt3A_1616 = arith.cmpf ogt, %get3A_1577, %gt3A_1615 : vector<16xf32>
      %select_n3A_1617 = arith.select %gt3A_1616, %broadcast_in_dim3A_32, %broadcast_in_dim3A_30 : vector<16xi1>, vector<16xi32>
      %gt3A_1618 = arith.constant 0.69813168 : f32
      %gt3A_1619 = vector.broadcast %gt3A_1618 : f32 to vector<16xf32>
      %gt3A_1620 = arith.cmpf ogt, %get3A_1577, %gt3A_1619 : vector<16xf32>
      %select_n3A_1621 = arith.select %gt3A_1620, %broadcast_in_dim3A_32, %broadcast_in_dim3A_30 : vector<16xi1>, vector<16xi32>
      %gt3A_1622 = arith.constant 1.04719758 : f32
      %gt3A_1623 = vector.broadcast %gt3A_1622 : f32 to vector<16xf32>
      %gt3A_1624 = arith.cmpf ogt, %get3A_1577, %gt3A_1623 : vector<16xf32>
      %select_n3A_1625 = arith.select %gt3A_1624, %broadcast_in_dim3A_32, %broadcast_in_dim3A_30 : vector<16xi1>, vector<16xi32>
      %gt3A_1626 = arith.constant 1.39626336 : f32
      %gt3A_1627 = vector.broadcast %gt3A_1626 : f32 to vector<16xf32>
      %gt3A_1628 = arith.cmpf ogt, %get3A_1577, %gt3A_1627 : vector<16xf32>
      %select_n3A_1629 = arith.select %gt3A_1628, %broadcast_in_dim3A_32, %broadcast_in_dim3A_30 : vector<16xi1>, vector<16xi32>
      %gt3A_1630 = arith.constant 1.74532926 : f32
      %gt3A_1631 = vector.broadcast %gt3A_1630 : f32 to vector<16xf32>
      %gt3A_1632 = arith.cmpf ogt, %get3A_1577, %gt3A_1631 : vector<16xf32>
      %select_n3A_1633 = arith.select %gt3A_1632, %broadcast_in_dim3A_32, %broadcast_in_dim3A_30 : vector<16xi1>, vector<16xi32>
      %gt3A_1634 = arith.constant 2.09439516 : f32
      %gt3A_1635 = vector.broadcast %gt3A_1634 : f32 to vector<16xf32>
      %gt3A_1636 = arith.cmpf ogt, %get3A_1577, %gt3A_1635 : vector<16xf32>
      %select_n3A_1637 = arith.select %gt3A_1636, %broadcast_in_dim3A_32, %broadcast_in_dim3A_30 : vector<16xi1>, vector<16xi32>
      %gt3A_1638 = arith.constant 2.44346094 : f32
      %gt3A_1639 = vector.broadcast %gt3A_1638 : f32 to vector<16xf32>
      %gt3A_1640 = arith.cmpf ogt, %get3A_1577, %gt3A_1639 : vector<16xf32>
      %select_n3A_1641 = arith.select %gt3A_1640, %broadcast_in_dim3A_32, %broadcast_in_dim3A_30 : vector<16xi1>, vector<16xi32>
      %gt3A_1642 = arith.constant 2.79252672 : f32
      %gt3A_1643 = vector.broadcast %gt3A_1642 : f32 to vector<16xf32>
      %gt3A_1644 = arith.cmpf ogt, %get3A_1577, %gt3A_1643 : vector<16xf32>
      %select_n3A_1645 = arith.select %gt3A_1644, %broadcast_in_dim3A_32, %broadcast_in_dim3A_30 : vector<16xi1>, vector<16xi32>
      %add3A_1646 = arith.addi %select_n3A_1581, %select_n3A_1585 : vector<16xi32>
      %add3A_1647 = arith.addi %select_n3A_1589, %select_n3A_1593 : vector<16xi32>
      %add3A_1648 = arith.addi %select_n3A_1597, %select_n3A_1601 : vector<16xi32>
      %add3A_1649 = arith.addi %select_n3A_1605, %select_n3A_1609 : vector<16xi32>
      %add3A_1650 = arith.addi %select_n3A_1613, %select_n3A_1617 : vector<16xi32>
      %add3A_1651 = arith.addi %select_n3A_1621, %select_n3A_1625 : vector<16xi32>
      %add3A_1652 = arith.addi %select_n3A_1629, %select_n3A_1633 : vector<16xi32>
      %add3A_1653 = arith.addi %select_n3A_1637, %select_n3A_1641 : vector<16xi32>
      %add3A_1654 = arith.addi %add3A_1646, %add3A_1647 : vector<16xi32>
      %add3A_1655 = arith.addi %add3A_1648, %add3A_1649 : vector<16xi32>
      %add3A_1656 = arith.addi %add3A_1650, %add3A_1651 : vector<16xi32>
      %add3A_1657 = arith.addi %add3A_1652, %add3A_1653 : vector<16xi32>
      %add3A_1658 = arith.addi %add3A_1654, %add3A_1655 : vector<16xi32>
      %add3A_1659 = arith.addi %add3A_1656, %add3A_1657 : vector<16xi32>
      %add3A_1660 = arith.addi %add3A_1658, %add3A_1659 : vector<16xi32>
      %add3A_1661 = arith.addi %add3A_1660, %select_n3A_1645 : vector<16xi32>
      %mul3A_1662 = arith.constant 128 : i32
      %mul3A_1663 = vector.broadcast %mul3A_1662 : i32 to vector<16xi32>
      %mul3A_1664 = arith.muli %add3A_1661, %mul3A_1663 : vector<16xi32>
      %add3A_1665 = arith.constant 64 : i32
      %add3A_1666 = vector.broadcast %add3A_1665 : i32 to vector<16xi32>
      %add3A_1667 = arith.addi %iota3A, %add3A_1666 : vector<16xi32>
      %add3A_1668 = arith.addi %mul3A_1664, %add3A_1667 : vector<16xi32>
      %add3A_1669 = arith.constant 0 : i32
      %add3A_1670 = vector.broadcast %add3A_1669 : i32 to vector<16xi32>
      %add3A_1671 = arith.addi %add3A_1668, %add3A_1670 : vector<16xi32>
      tpu.vector_store_idx %arg7[%add3A_1671], %get3A_1057 {add = true} : memref<20736xf32, #tpu.memory_space<vmem>>[vector<16xi32>], vector<16xf32>,
      %add3A_1672 = arith.constant 2304 : i32
      %add3A_1673 = vector.broadcast %add3A_1672 : i32 to vector<16xi32>
      %add3A_1674 = arith.addi %add3A_1668, %add3A_1673 : vector<16xi32>
      tpu.vector_store_idx %arg7[%add3A_1674], %get3A_1061 {add = true} : memref<20736xf32, #tpu.memory_space<vmem>>[vector<16xi32>], vector<16xf32>,
      %add3A_1675 = arith.constant 4608 : i32
      %add3A_1676 = vector.broadcast %add3A_1675 : i32 to vector<16xi32>
      %add3A_1677 = arith.addi %add3A_1668, %add3A_1676 : vector<16xi32>
      tpu.vector_store_idx %arg7[%add3A_1677], %get3A_1065 {add = true} : memref<20736xf32, #tpu.memory_space<vmem>>[vector<16xi32>], vector<16xf32>,
      %add3A_1678 = arith.constant 6912 : i32
      %add3A_1679 = vector.broadcast %add3A_1678 : i32 to vector<16xi32>
      %add3A_1680 = arith.addi %add3A_1668, %add3A_1679 : vector<16xi32>
      tpu.vector_store_idx %arg7[%add3A_1680], %get3A_1069 {add = true} : memref<20736xf32, #tpu.memory_space<vmem>>[vector<16xi32>], vector<16xf32>,
      %add3A_1681 = arith.constant 9216 : i32
      %add3A_1682 = vector.broadcast %add3A_1681 : i32 to vector<16xi32>
      %add3A_1683 = arith.addi %add3A_1668, %add3A_1682 : vector<16xi32>
      tpu.vector_store_idx %arg7[%add3A_1683], %get3A_1073 {add = true} : memref<20736xf32, #tpu.memory_space<vmem>>[vector<16xi32>], vector<16xf32>,
      %add3A_1684 = arith.constant 11520 : i32
      %add3A_1685 = vector.broadcast %add3A_1684 : i32 to vector<16xi32>
      %add3A_1686 = arith.addi %add3A_1668, %add3A_1685 : vector<16xi32>
      tpu.vector_store_idx %arg7[%add3A_1686], %get3A_1077 {add = true} : memref<20736xf32, #tpu.memory_space<vmem>>[vector<16xi32>], vector<16xf32>,
      %add3A_1687 = arith.constant 13824 : i32
      %add3A_1688 = vector.broadcast %add3A_1687 : i32 to vector<16xi32>
      %add3A_1689 = arith.addi %add3A_1668, %add3A_1688 : vector<16xi32>
      tpu.vector_store_idx %arg7[%add3A_1689], %get3A_1081 {add = true} : memref<20736xf32, #tpu.memory_space<vmem>>[vector<16xi32>], vector<16xf32>,
      %add3A_1690 = arith.constant 16128 : i32
      %add3A_1691 = vector.broadcast %add3A_1690 : i32 to vector<16xi32>
      %add3A_1692 = arith.addi %add3A_1668, %add3A_1691 : vector<16xi32>
      tpu.vector_store_idx %arg7[%add3A_1692], %get3A_1085 {add = true} : memref<20736xf32, #tpu.memory_space<vmem>>[vector<16xi32>], vector<16xf32>,
      %add3A_1693 = arith.constant 18432 : i32
      %add3A_1694 = vector.broadcast %add3A_1693 : i32 to vector<16xi32>
      %add3A_1695 = arith.addi %add3A_1668, %add3A_1694 : vector<16xi32>
      tpu.vector_store_idx %arg7[%add3A_1695], %broadcast_in_dim3A_28 {add = true} : memref<20736xf32, #tpu.memory_space<vmem>>[vector<16xi32>], vector<16xf32>,
      %get3A_1696 = arith.constant 5 : i32
      %get3A_1697 = arith.index_cast %get3A_1696 : i32 to index
      %get3A_1698 = arith.index_cast %add3A_1053 : i32 to index
      %get3A_1699 = tpu.vector_load %arg5[%get3A_1697, %get3A_1698] {strides = array<i32>} : memref<8x1024xf32, #tpu.memory_space<vmem>>, vector<16xf32>,
      %gt3A_1700 = arith.constant -2.79252672 : f32
      %gt3A_1701 = vector.broadcast %gt3A_1700 : f32 to vector<16xf32>
      %gt3A_1702 = arith.cmpf ogt, %get3A_1699, %gt3A_1701 : vector<16xf32>
      %select_n3A_1703 = arith.select %gt3A_1702, %broadcast_in_dim3A_32, %broadcast_in_dim3A_30 : vector<16xi1>, vector<16xi32>
      %gt3A_1704 = arith.constant -2.44346094 : f32
      %gt3A_1705 = vector.broadcast %gt3A_1704 : f32 to vector<16xf32>
      %gt3A_1706 = arith.cmpf ogt, %get3A_1699, %gt3A_1705 : vector<16xf32>
      %select_n3A_1707 = arith.select %gt3A_1706, %broadcast_in_dim3A_32, %broadcast_in_dim3A_30 : vector<16xi1>, vector<16xi32>
      %gt3A_1708 = arith.constant -2.09439516 : f32
      %gt3A_1709 = vector.broadcast %gt3A_1708 : f32 to vector<16xf32>
      %gt3A_1710 = arith.cmpf ogt, %get3A_1699, %gt3A_1709 : vector<16xf32>
      %select_n3A_1711 = arith.select %gt3A_1710, %broadcast_in_dim3A_32, %broadcast_in_dim3A_30 : vector<16xi1>, vector<16xi32>
      %gt3A_1712 = arith.constant -1.74532926 : f32
      %gt3A_1713 = vector.broadcast %gt3A_1712 : f32 to vector<16xf32>
      %gt3A_1714 = arith.cmpf ogt, %get3A_1699, %gt3A_1713 : vector<16xf32>
      %select_n3A_1715 = arith.select %gt3A_1714, %broadcast_in_dim3A_32, %broadcast_in_dim3A_30 : vector<16xi1>, vector<16xi32>
      %gt3A_1716 = arith.constant -1.39626336 : f32
      %gt3A_1717 = vector.broadcast %gt3A_1716 : f32 to vector<16xf32>
      %gt3A_1718 = arith.cmpf ogt, %get3A_1699, %gt3A_1717 : vector<16xf32>
      %select_n3A_1719 = arith.select %gt3A_1718, %broadcast_in_dim3A_32, %broadcast_in_dim3A_30 : vector<16xi1>, vector<16xi32>
      %gt3A_1720 = arith.constant -1.04719758 : f32
      %gt3A_1721 = vector.broadcast %gt3A_1720 : f32 to vector<16xf32>
      %gt3A_1722 = arith.cmpf ogt, %get3A_1699, %gt3A_1721 : vector<16xf32>
      %select_n3A_1723 = arith.select %gt3A_1722, %broadcast_in_dim3A_32, %broadcast_in_dim3A_30 : vector<16xi1>, vector<16xi32>
      %gt3A_1724 = arith.constant -0.69813168 : f32
      %gt3A_1725 = vector.broadcast %gt3A_1724 : f32 to vector<16xf32>
      %gt3A_1726 = arith.cmpf ogt, %get3A_1699, %gt3A_1725 : vector<16xf32>
      %select_n3A_1727 = arith.select %gt3A_1726, %broadcast_in_dim3A_32, %broadcast_in_dim3A_30 : vector<16xi1>, vector<16xi32>
      %gt3A_1728 = arith.constant -0.34906584 : f32
      %gt3A_1729 = vector.broadcast %gt3A_1728 : f32 to vector<16xf32>
      %gt3A_1730 = arith.cmpf ogt, %get3A_1699, %gt3A_1729 : vector<16xf32>
      %select_n3A_1731 = arith.select %gt3A_1730, %broadcast_in_dim3A_32, %broadcast_in_dim3A_30 : vector<16xi1>, vector<16xi32>
      %gt3A_1732 = arith.constant 0.000000e+00 : f32
      %gt3A_1733 = vector.broadcast %gt3A_1732 : f32 to vector<16xf32>
      %gt3A_1734 = arith.cmpf ogt, %get3A_1699, %gt3A_1733 : vector<16xf32>
      %select_n3A_1735 = arith.select %gt3A_1734, %broadcast_in_dim3A_32, %broadcast_in_dim3A_30 : vector<16xi1>, vector<16xi32>
      %gt3A_1736 = arith.constant 0.34906584 : f32
      %gt3A_1737 = vector.broadcast %gt3A_1736 : f32 to vector<16xf32>
      %gt3A_1738 = arith.cmpf ogt, %get3A_1699, %gt3A_1737 : vector<16xf32>
      %select_n3A_1739 = arith.select %gt3A_1738, %broadcast_in_dim3A_32, %broadcast_in_dim3A_30 : vector<16xi1>, vector<16xi32>
      %gt3A_1740 = arith.constant 0.69813168 : f32
      %gt3A_1741 = vector.broadcast %gt3A_1740 : f32 to vector<16xf32>
      %gt3A_1742 = arith.cmpf ogt, %get3A_1699, %gt3A_1741 : vector<16xf32>
      %select_n3A_1743 = arith.select %gt3A_1742, %broadcast_in_dim3A_32, %broadcast_in_dim3A_30 : vector<16xi1>, vector<16xi32>
      %gt3A_1744 = arith.constant 1.04719758 : f32
      %gt3A_1745 = vector.broadcast %gt3A_1744 : f32 to vector<16xf32>
      %gt3A_1746 = arith.cmpf ogt, %get3A_1699, %gt3A_1745 : vector<16xf32>
      %select_n3A_1747 = arith.select %gt3A_1746, %broadcast_in_dim3A_32, %broadcast_in_dim3A_30 : vector<16xi1>, vector<16xi32>
      %gt3A_1748 = arith.constant 1.39626336 : f32
      %gt3A_1749 = vector.broadcast %gt3A_1748 : f32 to vector<16xf32>
      %gt3A_1750 = arith.cmpf ogt, %get3A_1699, %gt3A_1749 : vector<16xf32>
      %select_n3A_1751 = arith.select %gt3A_1750, %broadcast_in_dim3A_32, %broadcast_in_dim3A_30 : vector<16xi1>, vector<16xi32>
      %gt3A_1752 = arith.constant 1.74532926 : f32
      %gt3A_1753 = vector.broadcast %gt3A_1752 : f32 to vector<16xf32>
      %gt3A_1754 = arith.cmpf ogt, %get3A_1699, %gt3A_1753 : vector<16xf32>
      %select_n3A_1755 = arith.select %gt3A_1754, %broadcast_in_dim3A_32, %broadcast_in_dim3A_30 : vector<16xi1>, vector<16xi32>
      %gt3A_1756 = arith.constant 2.09439516 : f32
      %gt3A_1757 = vector.broadcast %gt3A_1756 : f32 to vector<16xf32>
      %gt3A_1758 = arith.cmpf ogt, %get3A_1699, %gt3A_1757 : vector<16xf32>
      %select_n3A_1759 = arith.select %gt3A_1758, %broadcast_in_dim3A_32, %broadcast_in_dim3A_30 : vector<16xi1>, vector<16xi32>
      %gt3A_1760 = arith.constant 2.44346094 : f32
      %gt3A_1761 = vector.broadcast %gt3A_1760 : f32 to vector<16xf32>
      %gt3A_1762 = arith.cmpf ogt, %get3A_1699, %gt3A_1761 : vector<16xf32>
      %select_n3A_1763 = arith.select %gt3A_1762, %broadcast_in_dim3A_32, %broadcast_in_dim3A_30 : vector<16xi1>, vector<16xi32>
      %gt3A_1764 = arith.constant 2.79252672 : f32
      %gt3A_1765 = vector.broadcast %gt3A_1764 : f32 to vector<16xf32>
      %gt3A_1766 = arith.cmpf ogt, %get3A_1699, %gt3A_1765 : vector<16xf32>
      %select_n3A_1767 = arith.select %gt3A_1766, %broadcast_in_dim3A_32, %broadcast_in_dim3A_30 : vector<16xi1>, vector<16xi32>
      %add3A_1768 = arith.addi %select_n3A_1703, %select_n3A_1707 : vector<16xi32>
      %add3A_1769 = arith.addi %select_n3A_1711, %select_n3A_1715 : vector<16xi32>
      %add3A_1770 = arith.addi %select_n3A_1719, %select_n3A_1723 : vector<16xi32>
      %add3A_1771 = arith.addi %select_n3A_1727, %select_n3A_1731 : vector<16xi32>
      %add3A_1772 = arith.addi %select_n3A_1735, %select_n3A_1739 : vector<16xi32>
      %add3A_1773 = arith.addi %select_n3A_1743, %select_n3A_1747 : vector<16xi32>
      %add3A_1774 = arith.addi %select_n3A_1751, %select_n3A_1755 : vector<16xi32>
      %add3A_1775 = arith.addi %select_n3A_1759, %select_n3A_1763 : vector<16xi32>
      %add3A_1776 = arith.addi %add3A_1768, %add3A_1769 : vector<16xi32>
      %add3A_1777 = arith.addi %add3A_1770, %add3A_1771 : vector<16xi32>
      %add3A_1778 = arith.addi %add3A_1772, %add3A_1773 : vector<16xi32>
      %add3A_1779 = arith.addi %add3A_1774, %add3A_1775 : vector<16xi32>
      %add3A_1780 = arith.addi %add3A_1776, %add3A_1777 : vector<16xi32>
      %add3A_1781 = arith.addi %add3A_1778, %add3A_1779 : vector<16xi32>
      %add3A_1782 = arith.addi %add3A_1780, %add3A_1781 : vector<16xi32>
      %add3A_1783 = arith.addi %add3A_1782, %select_n3A_1767 : vector<16xi32>
      %mul3A_1784 = arith.constant 128 : i32
      %mul3A_1785 = vector.broadcast %mul3A_1784 : i32 to vector<16xi32>
      %mul3A_1786 = arith.muli %add3A_1783, %mul3A_1785 : vector<16xi32>
      %add3A_1787 = arith.constant 80 : i32
      %add3A_1788 = vector.broadcast %add3A_1787 : i32 to vector<16xi32>
      %add3A_1789 = arith.addi %iota3A, %add3A_1788 : vector<16xi32>
      %add3A_1790 = arith.addi %mul3A_1786, %add3A_1789 : vector<16xi32>
      %add3A_1791 = arith.constant 0 : i32
      %add3A_1792 = vector.broadcast %add3A_1791 : i32 to vector<16xi32>
      %add3A_1793 = arith.addi %add3A_1790, %add3A_1792 : vector<16xi32>
      tpu.vector_store_idx %arg7[%add3A_1793], %get3A_1057 {add = true} : memref<20736xf32, #tpu.memory_space<vmem>>[vector<16xi32>], vector<16xf32>,
      %add3A_1794 = arith.constant 2304 : i32
      %add3A_1795 = vector.broadcast %add3A_1794 : i32 to vector<16xi32>
      %add3A_1796 = arith.addi %add3A_1790, %add3A_1795 : vector<16xi32>
      tpu.vector_store_idx %arg7[%add3A_1796], %get3A_1061 {add = true} : memref<20736xf32, #tpu.memory_space<vmem>>[vector<16xi32>], vector<16xf32>,
      %add3A_1797 = arith.constant 4608 : i32
      %add3A_1798 = vector.broadcast %add3A_1797 : i32 to vector<16xi32>
      %add3A_1799 = arith.addi %add3A_1790, %add3A_1798 : vector<16xi32>
      tpu.vector_store_idx %arg7[%add3A_1799], %get3A_1065 {add = true} : memref<20736xf32, #tpu.memory_space<vmem>>[vector<16xi32>], vector<16xf32>,
      %add3A_1800 = arith.constant 6912 : i32
      %add3A_1801 = vector.broadcast %add3A_1800 : i32 to vector<16xi32>
      %add3A_1802 = arith.addi %add3A_1790, %add3A_1801 : vector<16xi32>
      tpu.vector_store_idx %arg7[%add3A_1802], %get3A_1069 {add = true} : memref<20736xf32, #tpu.memory_space<vmem>>[vector<16xi32>], vector<16xf32>,
      %add3A_1803 = arith.constant 9216 : i32
      %add3A_1804 = vector.broadcast %add3A_1803 : i32 to vector<16xi32>
      %add3A_1805 = arith.addi %add3A_1790, %add3A_1804 : vector<16xi32>
      tpu.vector_store_idx %arg7[%add3A_1805], %get3A_1073 {add = true} : memref<20736xf32, #tpu.memory_space<vmem>>[vector<16xi32>], vector<16xf32>,
      %add3A_1806 = arith.constant 11520 : i32
      %add3A_1807 = vector.broadcast %add3A_1806 : i32 to vector<16xi32>
      %add3A_1808 = arith.addi %add3A_1790, %add3A_1807 : vector<16xi32>
      tpu.vector_store_idx %arg7[%add3A_1808], %get3A_1077 {add = true} : memref<20736xf32, #tpu.memory_space<vmem>>[vector<16xi32>], vector<16xf32>,
      %add3A_1809 = arith.constant 13824 : i32
      %add3A_1810 = vector.broadcast %add3A_1809 : i32 to vector<16xi32>
      %add3A_1811 = arith.addi %add3A_1790, %add3A_1810 : vector<16xi32>
      tpu.vector_store_idx %arg7[%add3A_1811], %get3A_1081 {add = true} : memref<20736xf32, #tpu.memory_space<vmem>>[vector<16xi32>], vector<16xf32>,
      %add3A_1812 = arith.constant 16128 : i32
      %add3A_1813 = vector.broadcast %add3A_1812 : i32 to vector<16xi32>
      %add3A_1814 = arith.addi %add3A_1790, %add3A_1813 : vector<16xi32>
      tpu.vector_store_idx %arg7[%add3A_1814], %get3A_1085 {add = true} : memref<20736xf32, #tpu.memory_space<vmem>>[vector<16xi32>], vector<16xf32>,
      %add3A_1815 = arith.constant 18432 : i32
      %add3A_1816 = vector.broadcast %add3A_1815 : i32 to vector<16xi32>
      %add3A_1817 = arith.addi %add3A_1790, %add3A_1816 : vector<16xi32>
      tpu.vector_store_idx %arg7[%add3A_1817], %broadcast_in_dim3A_28 {add = true} : memref<20736xf32, #tpu.memory_space<vmem>>[vector<16xi32>], vector<16xf32>,
      %get3A_1818 = arith.constant 6 : i32
      %get3A_1819 = arith.index_cast %get3A_1818 : i32 to index
      %get3A_1820 = arith.index_cast %add3A_1053 : i32 to index
      %get3A_1821 = tpu.vector_load %arg5[%get3A_1819, %get3A_1820] {strides = array<i32>} : memref<8x1024xf32, #tpu.memory_space<vmem>>, vector<16xf32>,
      %gt3A_1822 = arith.constant -2.79252672 : f32
      %gt3A_1823 = vector.broadcast %gt3A_1822 : f32 to vector<16xf32>
      %gt3A_1824 = arith.cmpf ogt, %get3A_1821, %gt3A_1823 : vector<16xf32>
      %select_n3A_1825 = arith.select %gt3A_1824, %broadcast_in_dim3A_32, %broadcast_in_dim3A_30 : vector<16xi1>, vector<16xi32>
      %gt3A_1826 = arith.constant -2.44346094 : f32
      %gt3A_1827 = vector.broadcast %gt3A_1826 : f32 to vector<16xf32>
      %gt3A_1828 = arith.cmpf ogt, %get3A_1821, %gt3A_1827 : vector<16xf32>
      %select_n3A_1829 = arith.select %gt3A_1828, %broadcast_in_dim3A_32, %broadcast_in_dim3A_30 : vector<16xi1>, vector<16xi32>
      %gt3A_1830 = arith.constant -2.09439516 : f32
      %gt3A_1831 = vector.broadcast %gt3A_1830 : f32 to vector<16xf32>
      %gt3A_1832 = arith.cmpf ogt, %get3A_1821, %gt3A_1831 : vector<16xf32>
      %select_n3A_1833 = arith.select %gt3A_1832, %broadcast_in_dim3A_32, %broadcast_in_dim3A_30 : vector<16xi1>, vector<16xi32>
      %gt3A_1834 = arith.constant -1.74532926 : f32
      %gt3A_1835 = vector.broadcast %gt3A_1834 : f32 to vector<16xf32>
      %gt3A_1836 = arith.cmpf ogt, %get3A_1821, %gt3A_1835 : vector<16xf32>
      %select_n3A_1837 = arith.select %gt3A_1836, %broadcast_in_dim3A_32, %broadcast_in_dim3A_30 : vector<16xi1>, vector<16xi32>
      %gt3A_1838 = arith.constant -1.39626336 : f32
      %gt3A_1839 = vector.broadcast %gt3A_1838 : f32 to vector<16xf32>
      %gt3A_1840 = arith.cmpf ogt, %get3A_1821, %gt3A_1839 : vector<16xf32>
      %select_n3A_1841 = arith.select %gt3A_1840, %broadcast_in_dim3A_32, %broadcast_in_dim3A_30 : vector<16xi1>, vector<16xi32>
      %gt3A_1842 = arith.constant -1.04719758 : f32
      %gt3A_1843 = vector.broadcast %gt3A_1842 : f32 to vector<16xf32>
      %gt3A_1844 = arith.cmpf ogt, %get3A_1821, %gt3A_1843 : vector<16xf32>
      %select_n3A_1845 = arith.select %gt3A_1844, %broadcast_in_dim3A_32, %broadcast_in_dim3A_30 : vector<16xi1>, vector<16xi32>
      %gt3A_1846 = arith.constant -0.69813168 : f32
      %gt3A_1847 = vector.broadcast %gt3A_1846 : f32 to vector<16xf32>
      %gt3A_1848 = arith.cmpf ogt, %get3A_1821, %gt3A_1847 : vector<16xf32>
      %select_n3A_1849 = arith.select %gt3A_1848, %broadcast_in_dim3A_32, %broadcast_in_dim3A_30 : vector<16xi1>, vector<16xi32>
      %gt3A_1850 = arith.constant -0.34906584 : f32
      %gt3A_1851 = vector.broadcast %gt3A_1850 : f32 to vector<16xf32>
      %gt3A_1852 = arith.cmpf ogt, %get3A_1821, %gt3A_1851 : vector<16xf32>
      %select_n3A_1853 = arith.select %gt3A_1852, %broadcast_in_dim3A_32, %broadcast_in_dim3A_30 : vector<16xi1>, vector<16xi32>
      %gt3A_1854 = arith.constant 0.000000e+00 : f32
      %gt3A_1855 = vector.broadcast %gt3A_1854 : f32 to vector<16xf32>
      %gt3A_1856 = arith.cmpf ogt, %get3A_1821, %gt3A_1855 : vector<16xf32>
      %select_n3A_1857 = arith.select %gt3A_1856, %broadcast_in_dim3A_32, %broadcast_in_dim3A_30 : vector<16xi1>, vector<16xi32>
      %gt3A_1858 = arith.constant 0.34906584 : f32
      %gt3A_1859 = vector.broadcast %gt3A_1858 : f32 to vector<16xf32>
      %gt3A_1860 = arith.cmpf ogt, %get3A_1821, %gt3A_1859 : vector<16xf32>
      %select_n3A_1861 = arith.select %gt3A_1860, %broadcast_in_dim3A_32, %broadcast_in_dim3A_30 : vector<16xi1>, vector<16xi32>
      %gt3A_1862 = arith.constant 0.69813168 : f32
      %gt3A_1863 = vector.broadcast %gt3A_1862 : f32 to vector<16xf32>
      %gt3A_1864 = arith.cmpf ogt, %get3A_1821, %gt3A_1863 : vector<16xf32>
      %select_n3A_1865 = arith.select %gt3A_1864, %broadcast_in_dim3A_32, %broadcast_in_dim3A_30 : vector<16xi1>, vector<16xi32>
      %gt3A_1866 = arith.constant 1.04719758 : f32
      %gt3A_1867 = vector.broadcast %gt3A_1866 : f32 to vector<16xf32>
      %gt3A_1868 = arith.cmpf ogt, %get3A_1821, %gt3A_1867 : vector<16xf32>
      %select_n3A_1869 = arith.select %gt3A_1868, %broadcast_in_dim3A_32, %broadcast_in_dim3A_30 : vector<16xi1>, vector<16xi32>
      %gt3A_1870 = arith.constant 1.39626336 : f32
      %gt3A_1871 = vector.broadcast %gt3A_1870 : f32 to vector<16xf32>
      %gt3A_1872 = arith.cmpf ogt, %get3A_1821, %gt3A_1871 : vector<16xf32>
      %select_n3A_1873 = arith.select %gt3A_1872, %broadcast_in_dim3A_32, %broadcast_in_dim3A_30 : vector<16xi1>, vector<16xi32>
      %gt3A_1874 = arith.constant 1.74532926 : f32
      %gt3A_1875 = vector.broadcast %gt3A_1874 : f32 to vector<16xf32>
      %gt3A_1876 = arith.cmpf ogt, %get3A_1821, %gt3A_1875 : vector<16xf32>
      %select_n3A_1877 = arith.select %gt3A_1876, %broadcast_in_dim3A_32, %broadcast_in_dim3A_30 : vector<16xi1>, vector<16xi32>
      %gt3A_1878 = arith.constant 2.09439516 : f32
      %gt3A_1879 = vector.broadcast %gt3A_1878 : f32 to vector<16xf32>
      %gt3A_1880 = arith.cmpf ogt, %get3A_1821, %gt3A_1879 : vector<16xf32>
      %select_n3A_1881 = arith.select %gt3A_1880, %broadcast_in_dim3A_32, %broadcast_in_dim3A_30 : vector<16xi1>, vector<16xi32>
      %gt3A_1882 = arith.constant 2.44346094 : f32
      %gt3A_1883 = vector.broadcast %gt3A_1882 : f32 to vector<16xf32>
      %gt3A_1884 = arith.cmpf ogt, %get3A_1821, %gt3A_1883 : vector<16xf32>
      %select_n3A_1885 = arith.select %gt3A_1884, %broadcast_in_dim3A_32, %broadcast_in_dim3A_30 : vector<16xi1>, vector<16xi32>
      %gt3A_1886 = arith.constant 2.79252672 : f32
      %gt3A_1887 = vector.broadcast %gt3A_1886 : f32 to vector<16xf32>
      %gt3A_1888 = arith.cmpf ogt, %get3A_1821, %gt3A_1887 : vector<16xf32>
      %select_n3A_1889 = arith.select %gt3A_1888, %broadcast_in_dim3A_32, %broadcast_in_dim3A_30 : vector<16xi1>, vector<16xi32>
      %add3A_1890 = arith.addi %select_n3A_1825, %select_n3A_1829 : vector<16xi32>
      %add3A_1891 = arith.addi %select_n3A_1833, %select_n3A_1837 : vector<16xi32>
      %add3A_1892 = arith.addi %select_n3A_1841, %select_n3A_1845 : vector<16xi32>
      %add3A_1893 = arith.addi %select_n3A_1849, %select_n3A_1853 : vector<16xi32>
      %add3A_1894 = arith.addi %select_n3A_1857, %select_n3A_1861 : vector<16xi32>
      %add3A_1895 = arith.addi %select_n3A_1865, %select_n3A_1869 : vector<16xi32>
      %add3A_1896 = arith.addi %select_n3A_1873, %select_n3A_1877 : vector<16xi32>
      %add3A_1897 = arith.addi %select_n3A_1881, %select_n3A_1885 : vector<16xi32>
      %add3A_1898 = arith.addi %add3A_1890, %add3A_1891 : vector<16xi32>
      %add3A_1899 = arith.addi %add3A_1892, %add3A_1893 : vector<16xi32>
      %add3A_1900 = arith.addi %add3A_1894, %add3A_1895 : vector<16xi32>
      %add3A_1901 = arith.addi %add3A_1896, %add3A_1897 : vector<16xi32>
      %add3A_1902 = arith.addi %add3A_1898, %add3A_1899 : vector<16xi32>
      %add3A_1903 = arith.addi %add3A_1900, %add3A_1901 : vector<16xi32>
      %add3A_1904 = arith.addi %add3A_1902, %add3A_1903 : vector<16xi32>
      %add3A_1905 = arith.addi %add3A_1904, %select_n3A_1889 : vector<16xi32>
      %mul3A_1906 = arith.constant 128 : i32
      %mul3A_1907 = vector.broadcast %mul3A_1906 : i32 to vector<16xi32>
      %mul3A_1908 = arith.muli %add3A_1905, %mul3A_1907 : vector<16xi32>
      %add3A_1909 = arith.constant 96 : i32
      %add3A_1910 = vector.broadcast %add3A_1909 : i32 to vector<16xi32>
      %add3A_1911 = arith.addi %iota3A, %add3A_1910 : vector<16xi32>
      %add3A_1912 = arith.addi %mul3A_1908, %add3A_1911 : vector<16xi32>
      %add3A_1913 = arith.constant 0 : i32
      %add3A_1914 = vector.broadcast %add3A_1913 : i32 to vector<16xi32>
      %add3A_1915 = arith.addi %add3A_1912, %add3A_1914 : vector<16xi32>
      tpu.vector_store_idx %arg7[%add3A_1915], %get3A_1057 {add = true} : memref<20736xf32, #tpu.memory_space<vmem>>[vector<16xi32>], vector<16xf32>,
      %add3A_1916 = arith.constant 2304 : i32
      %add3A_1917 = vector.broadcast %add3A_1916 : i32 to vector<16xi32>
      %add3A_1918 = arith.addi %add3A_1912, %add3A_1917 : vector<16xi32>
      tpu.vector_store_idx %arg7[%add3A_1918], %get3A_1061 {add = true} : memref<20736xf32, #tpu.memory_space<vmem>>[vector<16xi32>], vector<16xf32>,
      %add3A_1919 = arith.constant 4608 : i32
      %add3A_1920 = vector.broadcast %add3A_1919 : i32 to vector<16xi32>
      %add3A_1921 = arith.addi %add3A_1912, %add3A_1920 : vector<16xi32>
      tpu.vector_store_idx %arg7[%add3A_1921], %get3A_1065 {add = true} : memref<20736xf32, #tpu.memory_space<vmem>>[vector<16xi32>], vector<16xf32>,
      %add3A_1922 = arith.constant 6912 : i32
      %add3A_1923 = vector.broadcast %add3A_1922 : i32 to vector<16xi32>
      %add3A_1924 = arith.addi %add3A_1912, %add3A_1923 : vector<16xi32>
      tpu.vector_store_idx %arg7[%add3A_1924], %get3A_1069 {add = true} : memref<20736xf32, #tpu.memory_space<vmem>>[vector<16xi32>], vector<16xf32>,
      %add3A_1925 = arith.constant 9216 : i32
      %add3A_1926 = vector.broadcast %add3A_1925 : i32 to vector<16xi32>
      %add3A_1927 = arith.addi %add3A_1912, %add3A_1926 : vector<16xi32>
      tpu.vector_store_idx %arg7[%add3A_1927], %get3A_1073 {add = true} : memref<20736xf32, #tpu.memory_space<vmem>>[vector<16xi32>], vector<16xf32>,
      %add3A_1928 = arith.constant 11520 : i32
      %add3A_1929 = vector.broadcast %add3A_1928 : i32 to vector<16xi32>
      %add3A_1930 = arith.addi %add3A_1912, %add3A_1929 : vector<16xi32>
      tpu.vector_store_idx %arg7[%add3A_1930], %get3A_1077 {add = true} : memref<20736xf32, #tpu.memory_space<vmem>>[vector<16xi32>], vector<16xf32>,
      %add3A_1931 = arith.constant 13824 : i32
      %add3A_1932 = vector.broadcast %add3A_1931 : i32 to vector<16xi32>
      %add3A_1933 = arith.addi %add3A_1912, %add3A_1932 : vector<16xi32>
      tpu.vector_store_idx %arg7[%add3A_1933], %get3A_1081 {add = true} : memref<20736xf32, #tpu.memory_space<vmem>>[vector<16xi32>], vector<16xf32>,
      %add3A_1934 = arith.constant 16128 : i32
      %add3A_1935 = vector.broadcast %add3A_1934 : i32 to vector<16xi32>
      %add3A_1936 = arith.addi %add3A_1912, %add3A_1935 : vector<16xi32>
      tpu.vector_store_idx %arg7[%add3A_1936], %get3A_1085 {add = true} : memref<20736xf32, #tpu.memory_space<vmem>>[vector<16xi32>], vector<16xf32>,
      %add3A_1937 = arith.constant 18432 : i32
      %add3A_1938 = vector.broadcast %add3A_1937 : i32 to vector<16xi32>
      %add3A_1939 = arith.addi %add3A_1912, %add3A_1938 : vector<16xi32>
      tpu.vector_store_idx %arg7[%add3A_1939], %broadcast_in_dim3A_28 {add = true} : memref<20736xf32, #tpu.memory_space<vmem>>[vector<16xi32>], vector<16xf32>,
      %get3A_1940 = arith.constant 7 : i32
      %get3A_1941 = arith.index_cast %get3A_1940 : i32 to index
      %get3A_1942 = arith.index_cast %add3A_1053 : i32 to index
      %get3A_1943 = tpu.vector_load %arg5[%get3A_1941, %get3A_1942] {strides = array<i32>} : memref<8x1024xf32, #tpu.memory_space<vmem>>, vector<16xf32>,
      %gt3A_1944 = arith.constant -2.79252672 : f32
      %gt3A_1945 = vector.broadcast %gt3A_1944 : f32 to vector<16xf32>
      %gt3A_1946 = arith.cmpf ogt, %get3A_1943, %gt3A_1945 : vector<16xf32>
      %select_n3A_1947 = arith.select %gt3A_1946, %broadcast_in_dim3A_32, %broadcast_in_dim3A_30 : vector<16xi1>, vector<16xi32>
      %gt3A_1948 = arith.constant -2.44346094 : f32
      %gt3A_1949 = vector.broadcast %gt3A_1948 : f32 to vector<16xf32>
      %gt3A_1950 = arith.cmpf ogt, %get3A_1943, %gt3A_1949 : vector<16xf32>
      %select_n3A_1951 = arith.select %gt3A_1950, %broadcast_in_dim3A_32, %broadcast_in_dim3A_30 : vector<16xi1>, vector<16xi32>
      %gt3A_1952 = arith.constant -2.09439516 : f32
      %gt3A_1953 = vector.broadcast %gt3A_1952 : f32 to vector<16xf32>
      %gt3A_1954 = arith.cmpf ogt, %get3A_1943, %gt3A_1953 : vector<16xf32>
      %select_n3A_1955 = arith.select %gt3A_1954, %broadcast_in_dim3A_32, %broadcast_in_dim3A_30 : vector<16xi1>, vector<16xi32>
      %gt3A_1956 = arith.constant -1.74532926 : f32
      %gt3A_1957 = vector.broadcast %gt3A_1956 : f32 to vector<16xf32>
      %gt3A_1958 = arith.cmpf ogt, %get3A_1943, %gt3A_1957 : vector<16xf32>
      %select_n3A_1959 = arith.select %gt3A_1958, %broadcast_in_dim3A_32, %broadcast_in_dim3A_30 : vector<16xi1>, vector<16xi32>
      %gt3A_1960 = arith.constant -1.39626336 : f32
      %gt3A_1961 = vector.broadcast %gt3A_1960 : f32 to vector<16xf32>
      %gt3A_1962 = arith.cmpf ogt, %get3A_1943, %gt3A_1961 : vector<16xf32>
      %select_n3A_1963 = arith.select %gt3A_1962, %broadcast_in_dim3A_32, %broadcast_in_dim3A_30 : vector<16xi1>, vector<16xi32>
      %gt3A_1964 = arith.constant -1.04719758 : f32
      %gt3A_1965 = vector.broadcast %gt3A_1964 : f32 to vector<16xf32>
      %gt3A_1966 = arith.cmpf ogt, %get3A_1943, %gt3A_1965 : vector<16xf32>
      %select_n3A_1967 = arith.select %gt3A_1966, %broadcast_in_dim3A_32, %broadcast_in_dim3A_30 : vector<16xi1>, vector<16xi32>
      %gt3A_1968 = arith.constant -0.69813168 : f32
      %gt3A_1969 = vector.broadcast %gt3A_1968 : f32 to vector<16xf32>
      %gt3A_1970 = arith.cmpf ogt, %get3A_1943, %gt3A_1969 : vector<16xf32>
      %select_n3A_1971 = arith.select %gt3A_1970, %broadcast_in_dim3A_32, %broadcast_in_dim3A_30 : vector<16xi1>, vector<16xi32>
      %gt3A_1972 = arith.constant -0.34906584 : f32
      %gt3A_1973 = vector.broadcast %gt3A_1972 : f32 to vector<16xf32>
      %gt3A_1974 = arith.cmpf ogt, %get3A_1943, %gt3A_1973 : vector<16xf32>
      %select_n3A_1975 = arith.select %gt3A_1974, %broadcast_in_dim3A_32, %broadcast_in_dim3A_30 : vector<16xi1>, vector<16xi32>
      %gt3A_1976 = arith.constant 0.000000e+00 : f32
      %gt3A_1977 = vector.broadcast %gt3A_1976 : f32 to vector<16xf32>
      %gt3A_1978 = arith.cmpf ogt, %get3A_1943, %gt3A_1977 : vector<16xf32>
      %select_n3A_1979 = arith.select %gt3A_1978, %broadcast_in_dim3A_32, %broadcast_in_dim3A_30 : vector<16xi1>, vector<16xi32>
      %gt3A_1980 = arith.constant 0.34906584 : f32
      %gt3A_1981 = vector.broadcast %gt3A_1980 : f32 to vector<16xf32>
      %gt3A_1982 = arith.cmpf ogt, %get3A_1943, %gt3A_1981 : vector<16xf32>
      %select_n3A_1983 = arith.select %gt3A_1982, %broadcast_in_dim3A_32, %broadcast_in_dim3A_30 : vector<16xi1>, vector<16xi32>
      %gt3A_1984 = arith.constant 0.69813168 : f32
      %gt3A_1985 = vector.broadcast %gt3A_1984 : f32 to vector<16xf32>
      %gt3A_1986 = arith.cmpf ogt, %get3A_1943, %gt3A_1985 : vector<16xf32>
      %select_n3A_1987 = arith.select %gt3A_1986, %broadcast_in_dim3A_32, %broadcast_in_dim3A_30 : vector<16xi1>, vector<16xi32>
      %gt3A_1988 = arith.constant 1.04719758 : f32
      %gt3A_1989 = vector.broadcast %gt3A_1988 : f32 to vector<16xf32>
      %gt3A_1990 = arith.cmpf ogt, %get3A_1943, %gt3A_1989 : vector<16xf32>
      %select_n3A_1991 = arith.select %gt3A_1990, %broadcast_in_dim3A_32, %broadcast_in_dim3A_30 : vector<16xi1>, vector<16xi32>
      %gt3A_1992 = arith.constant 1.39626336 : f32
      %gt3A_1993 = vector.broadcast %gt3A_1992 : f32 to vector<16xf32>
      %gt3A_1994 = arith.cmpf ogt, %get3A_1943, %gt3A_1993 : vector<16xf32>
      %select_n3A_1995 = arith.select %gt3A_1994, %broadcast_in_dim3A_32, %broadcast_in_dim3A_30 : vector<16xi1>, vector<16xi32>
      %gt3A_1996 = arith.constant 1.74532926 : f32
      %gt3A_1997 = vector.broadcast %gt3A_1996 : f32 to vector<16xf32>
      %gt3A_1998 = arith.cmpf ogt, %get3A_1943, %gt3A_1997 : vector<16xf32>
      %select_n3A_1999 = arith.select %gt3A_1998, %broadcast_in_dim3A_32, %broadcast_in_dim3A_30 : vector<16xi1>, vector<16xi32>
      %gt3A_2000 = arith.constant 2.09439516 : f32
      %gt3A_2001 = vector.broadcast %gt3A_2000 : f32 to vector<16xf32>
      %gt3A_2002 = arith.cmpf ogt, %get3A_1943, %gt3A_2001 : vector<16xf32>
      %select_n3A_2003 = arith.select %gt3A_2002, %broadcast_in_dim3A_32, %broadcast_in_dim3A_30 : vector<16xi1>, vector<16xi32>
      %gt3A_2004 = arith.constant 2.44346094 : f32
      %gt3A_2005 = vector.broadcast %gt3A_2004 : f32 to vector<16xf32>
      %gt3A_2006 = arith.cmpf ogt, %get3A_1943, %gt3A_2005 : vector<16xf32>
      %select_n3A_2007 = arith.select %gt3A_2006, %broadcast_in_dim3A_32, %broadcast_in_dim3A_30 : vector<16xi1>, vector<16xi32>
      %gt3A_2008 = arith.constant 2.79252672 : f32
      %gt3A_2009 = vector.broadcast %gt3A_2008 : f32 to vector<16xf32>
      %gt3A_2010 = arith.cmpf ogt, %get3A_1943, %gt3A_2009 : vector<16xf32>
      %select_n3A_2011 = arith.select %gt3A_2010, %broadcast_in_dim3A_32, %broadcast_in_dim3A_30 : vector<16xi1>, vector<16xi32>
      %add3A_2012 = arith.addi %select_n3A_1947, %select_n3A_1951 : vector<16xi32>
      %add3A_2013 = arith.addi %select_n3A_1955, %select_n3A_1959 : vector<16xi32>
      %add3A_2014 = arith.addi %select_n3A_1963, %select_n3A_1967 : vector<16xi32>
      %add3A_2015 = arith.addi %select_n3A_1971, %select_n3A_1975 : vector<16xi32>
      %add3A_2016 = arith.addi %select_n3A_1979, %select_n3A_1983 : vector<16xi32>
      %add3A_2017 = arith.addi %select_n3A_1987, %select_n3A_1991 : vector<16xi32>
      %add3A_2018 = arith.addi %select_n3A_1995, %select_n3A_1999 : vector<16xi32>
      %add3A_2019 = arith.addi %select_n3A_2003, %select_n3A_2007 : vector<16xi32>
      %add3A_2020 = arith.addi %add3A_2012, %add3A_2013 : vector<16xi32>
      %add3A_2021 = arith.addi %add3A_2014, %add3A_2015 : vector<16xi32>
      %add3A_2022 = arith.addi %add3A_2016, %add3A_2017 : vector<16xi32>
      %add3A_2023 = arith.addi %add3A_2018, %add3A_2019 : vector<16xi32>
      %add3A_2024 = arith.addi %add3A_2020, %add3A_2021 : vector<16xi32>
      %add3A_2025 = arith.addi %add3A_2022, %add3A_2023 : vector<16xi32>
      %add3A_2026 = arith.addi %add3A_2024, %add3A_2025 : vector<16xi32>
      %add3A_2027 = arith.addi %add3A_2026, %select_n3A_2011 : vector<16xi32>
      %mul3A_2028 = arith.constant 128 : i32
      %mul3A_2029 = vector.broadcast %mul3A_2028 : i32 to vector<16xi32>
      %mul3A_2030 = arith.muli %add3A_2027, %mul3A_2029 : vector<16xi32>
      %add3A_2031 = arith.constant 112 : i32
      %add3A_2032 = vector.broadcast %add3A_2031 : i32 to vector<16xi32>
      %add3A_2033 = arith.addi %iota3A, %add3A_2032 : vector<16xi32>
      %add3A_2034 = arith.addi %mul3A_2030, %add3A_2033 : vector<16xi32>
      %add3A_2035 = arith.constant 0 : i32
      %add3A_2036 = vector.broadcast %add3A_2035 : i32 to vector<16xi32>
      %add3A_2037 = arith.addi %add3A_2034, %add3A_2036 : vector<16xi32>
      tpu.vector_store_idx %arg7[%add3A_2037], %get3A_1057 {add = true} : memref<20736xf32, #tpu.memory_space<vmem>>[vector<16xi32>], vector<16xf32>,
      %add3A_2038 = arith.constant 2304 : i32
      %add3A_2039 = vector.broadcast %add3A_2038 : i32 to vector<16xi32>
      %add3A_2040 = arith.addi %add3A_2034, %add3A_2039 : vector<16xi32>
      tpu.vector_store_idx %arg7[%add3A_2040], %get3A_1061 {add = true} : memref<20736xf32, #tpu.memory_space<vmem>>[vector<16xi32>], vector<16xf32>,
      %add3A_2041 = arith.constant 4608 : i32
      %add3A_2042 = vector.broadcast %add3A_2041 : i32 to vector<16xi32>
      %add3A_2043 = arith.addi %add3A_2034, %add3A_2042 : vector<16xi32>
      tpu.vector_store_idx %arg7[%add3A_2043], %get3A_1065 {add = true} : memref<20736xf32, #tpu.memory_space<vmem>>[vector<16xi32>], vector<16xf32>,
      %add3A_2044 = arith.constant 6912 : i32
      %add3A_2045 = vector.broadcast %add3A_2044 : i32 to vector<16xi32>
      %add3A_2046 = arith.addi %add3A_2034, %add3A_2045 : vector<16xi32>
      tpu.vector_store_idx %arg7[%add3A_2046], %get3A_1069 {add = true} : memref<20736xf32, #tpu.memory_space<vmem>>[vector<16xi32>], vector<16xf32>,
      %add3A_2047 = arith.constant 9216 : i32
      %add3A_2048 = vector.broadcast %add3A_2047 : i32 to vector<16xi32>
      %add3A_2049 = arith.addi %add3A_2034, %add3A_2048 : vector<16xi32>
      tpu.vector_store_idx %arg7[%add3A_2049], %get3A_1073 {add = true} : memref<20736xf32, #tpu.memory_space<vmem>>[vector<16xi32>], vector<16xf32>,
      %add3A_2050 = arith.constant 11520 : i32
      %add3A_2051 = vector.broadcast %add3A_2050 : i32 to vector<16xi32>
      %add3A_2052 = arith.addi %add3A_2034, %add3A_2051 : vector<16xi32>
      tpu.vector_store_idx %arg7[%add3A_2052], %get3A_1077 {add = true} : memref<20736xf32, #tpu.memory_space<vmem>>[vector<16xi32>], vector<16xf32>,
      %add3A_2053 = arith.constant 13824 : i32
      %add3A_2054 = vector.broadcast %add3A_2053 : i32 to vector<16xi32>
      %add3A_2055 = arith.addi %add3A_2034, %add3A_2054 : vector<16xi32>
      tpu.vector_store_idx %arg7[%add3A_2055], %get3A_1081 {add = true} : memref<20736xf32, #tpu.memory_space<vmem>>[vector<16xi32>], vector<16xf32>,
      %add3A_2056 = arith.constant 16128 : i32
      %add3A_2057 = vector.broadcast %add3A_2056 : i32 to vector<16xi32>
      %add3A_2058 = arith.addi %add3A_2034, %add3A_2057 : vector<16xi32>
      tpu.vector_store_idx %arg7[%add3A_2058], %get3A_1085 {add = true} : memref<20736xf32, #tpu.memory_space<vmem>>[vector<16xi32>], vector<16xf32>,
      %add3A_2059 = arith.constant 18432 : i32
      %add3A_2060 = vector.broadcast %add3A_2059 : i32 to vector<16xi32>
      %add3A_2061 = arith.addi %add3A_2034, %add3A_2060 : vector<16xi32>
      tpu.vector_store_idx %arg7[%add3A_2061], %broadcast_in_dim3A_28 {add = true} : memref<20736xf32, #tpu.memory_space<vmem>>[vector<16xi32>], vector<16xf32>,
    }
    %scan3A_38 = arith.constant 32 : i32
    "tpu.region"() ({
      %run_scoped3A_39 = tpu.sem_alloc : memref<!tpu.dma_semaphore, #tpu.memory_space<semaphore_mem>>
      %dma_start3A = arith.constant 0 : i32
      %dma_start3A_40 = tpu.memref_slice %arg4[%add3A, %dma_start3A] : memref<32x20736xf32, #tpu.memory_space<hbm>> -> memref<1x20736xf32, #tpu.memory_space<hbm>>
      %dma_start3A_41 = tpu.memref_squeeze %dma_start3A_40 : memref<1x20736xf32, #tpu.memory_space<hbm>> -> memref<20736xf32, #tpu.memory_space<hbm>>
      %dma_start3A_42 = arith.constant 0 : i32
      %dma_start3A_43 = tpu.memref_slice %arg4[%add3A, %dma_start3A_42] : memref<32x20736xf32, #tpu.memory_space<hbm>> -> memref<1x20736xf32, #tpu.memory_space<hbm>>
      %dma_start3A_44 = tpu.memref_squeeze %dma_start3A_43 : memref<1x20736xf32, #tpu.memory_space<hbm>> -> memref<20736xf32, #tpu.memory_space<hbm>>
      tpu.enqueue_dma source(%arg7 : memref<20736xf32, #tpu.memory_space<vmem>>) target(%dma_start3A_44 : memref<20736xf32, #tpu.memory_space<hbm>>) target_semaphore(%run_scoped3A_39 : memref<!tpu.dma_semaphore, #tpu.memory_space<semaphore_mem>>)
      %dma_wait3A = arith.constant 0 : i32
      %dma_wait3A_45 = tpu.memref_slice %arg4[%add3A, %dma_wait3A] : memref<32x20736xf32, #tpu.memory_space<hbm>> -> memref<1x20736xf32, #tpu.memory_space<hbm>>
      %dma_wait3A_46 = tpu.memref_squeeze %dma_wait3A_45 : memref<1x20736xf32, #tpu.memory_space<hbm>> -> memref<20736xf32, #tpu.memory_space<hbm>>
      %dma_wait3A_47 = arith.constant 0 : i32
      %dma_wait3A_48 = tpu.memref_slice %arg4[%add3A, %dma_wait3A_47] : memref<32x20736xf32, #tpu.memory_space<hbm>> -> memref<1x20736xf32, #tpu.memory_space<hbm>>
      %dma_wait3A_49 = tpu.memref_squeeze %dma_wait3A_48 : memref<1x20736xf32, #tpu.memory_space<hbm>> -> memref<20736xf32, #tpu.memory_space<hbm>>
      tpu.wait_dma2 semaphore(%run_scoped3A_39 : memref<!tpu.dma_semaphore, #tpu.memory_space<semaphore_mem>>) src(%arg7 : memref<20736xf32, #tpu.memory_space<vmem>>) dst(%dma_wait3A_49 : memref<20736xf32, #tpu.memory_space<hbm>>)
      tpu.yield
    }) : () -> ()
    return
  }
}

module attributes {stable_mosaic.version = 14 : i64} {
  func.func @_mi_body(%arg0: memref<32x20736xf32, #tpu.memory_space<vmem>>, %arg1: memref<8x8x8xf32, #tpu.memory_space<vmem>>) attributes {dimension_semantics = [], scalar_prefetch = 0 : i64, scratch_operands = 0 : i64, tpu.core_type = #tpu.core_type<tc>} {
    %get3A = arith.constant 0 : index
    %get3A_0 = arith.constant 0 : index
    %get3A_1 = vector.load %arg0[%get3A, %get3A_0] : memref<32x20736xf32, #tpu.memory_space<vmem>>, vector<32x20736xf32>
    %reshape3A = vector.shape_cast %get3A_1 : vector<32x20736xf32> to vector<5184x128xf32>
    %iota3A = tpu.iota {dimensions = array<i32: 0>} : vector<128x8xi32>
    %iota3A_2 = tpu.iota {dimensions = array<i32: 1>} : vector<128x8xi32>
    %jit3A = arith.constant 16 : i32
    %div3A = vector.broadcast %jit3A : i32 to vector<128x8xi32>
    %div3A_3 = arith.divsi %iota3A, %div3A : vector<128x8xi32>
    %sign3A = arith.constant 0 : i32
    %sign3A_4 = vector.broadcast %sign3A : i32 to vector<128x8xi32>
    %sign3A_5 = arith.cmpi sgt, %iota3A, %sign3A_4 : vector<128x8xi32>
    %sign3A_6 = arith.extui %sign3A_5 : vector<128x8xi1> to vector<128x8xi32>
    %sign3A_7 = arith.constant 0 : i32
    %sign3A_8 = vector.broadcast %sign3A_7 : i32 to vector<128x8xi32>
    %sign3A_9 = arith.cmpi slt, %iota3A, %sign3A_8 : vector<128x8xi32>
    %sign3A_10 = arith.extui %sign3A_9 : vector<128x8xi1> to vector<128x8xi32>
    %sign3A_11 = arith.subi %sign3A_6, %sign3A_10 : vector<128x8xi32>
    %sign3A_12 = arith.constant 0 : i32
    %sign3A_13 = arith.cmpi sgt, %jit3A, %sign3A_12 : i32
    %sign3A_14 = arith.extui %sign3A_13 : i1 to i32
    %sign3A_15 = arith.constant 0 : i32
    %sign3A_16 = arith.cmpi slt, %jit3A, %sign3A_15 : i32
    %sign3A_17 = arith.extui %sign3A_16 : i1 to i32
    %sign3A_18 = arith.subi %sign3A_14, %sign3A_17 : i32
    %ne3A = vector.broadcast %sign3A_18 : i32 to vector<128x8xi32>
    %ne3A_19 = arith.cmpi ne, %sign3A_11, %ne3A : vector<128x8xi32>
    %rem3A = vector.broadcast %jit3A : i32 to vector<128x8xi32>
    %rem3A_20 = arith.remsi %iota3A, %rem3A : vector<128x8xi32>
    %ne3A_21 = arith.constant 0 : i32
    %ne3A_22 = vector.broadcast %ne3A_21 : i32 to vector<128x8xi32>
    %ne3A_23 = arith.cmpi ne, %rem3A_20, %ne3A_22 : vector<128x8xi32>
    %and3A = arith.andi %ne3A_19, %ne3A_23 : vector<128x8xi1>
    %sub3A = arith.constant 1 : i32
    %sub3A_24 = vector.broadcast %sub3A : i32 to vector<128x8xi32>
    %sub3A_25 = arith.subi %div3A_3, %sub3A_24 : vector<128x8xi32>
    %select_n3A = arith.select %and3A, %sub3A_25, %div3A_3 : vector<128x8xi1>, vector<128x8xi32>
    %eq3A = arith.cmpi eq, %select_n3A, %iota3A_2 : vector<128x8xi32>
    %convert_element_type3A = arith.extui %eq3A : vector<128x8xi1> to vector<128x8xi32>
    %convert_element_type3A_26 = arith.sitofp %convert_element_type3A : vector<128x8xi32> to vector<128x8xf32>
    %dot_general3A = arith.constant dense<0.000000e+00> : vector<5184x8xf32>
    %dot_general3A_27 = tpu.matmul %reshape3A, %convert_element_type3A_26, %dot_general3A {dimension_numbers = #tpu.dot_dimension_numbers<[1], [0], [0], [1], [0, 0, 1, 1], [], []>, precision = #tpu.contract_precision<fp32>, transpose_lhs_hint = false} : vector<5184x128xf32>, vector<128x8xf32>, vector<5184x8xf32> -> vector<5184x8xf32>
    %reshape3A_28 = vector.shape_cast %dot_general3A_27 : vector<5184x8xf32> to vector<32x162x8xf32>
    %slice3A = vector.extract_strided_slice %reshape3A_28 {offsets = [0, 144, 0], sizes = [32, 18, 8], strides = [1, 1, 1]} : vector<32x162x8xf32> to vector<32x18x8xf32>
    %iota3A_29 = tpu.iota {dimensions = array<i32: 1>} : vector<8x32xi32>
    %iota3A_30 = tpu.iota {dimensions = array<i32: 0>} : vector<8x32xi32>
    %jit3A_31 = arith.constant 4 : i32
    %div3A_32 = vector.broadcast %jit3A_31 : i32 to vector<8x32xi32>
    %div3A_33 = arith.divsi %iota3A_29, %div3A_32 : vector<8x32xi32>
    %sign3A_34 = arith.constant 0 : i32
    %sign3A_35 = vector.broadcast %sign3A_34 : i32 to vector<8x32xi32>
    %sign3A_36 = arith.cmpi sgt, %iota3A_29, %sign3A_35 : vector<8x32xi32>
    %sign3A_37 = arith.extui %sign3A_36 : vector<8x32xi1> to vector<8x32xi32>
    %sign3A_38 = arith.constant 0 : i32
    %sign3A_39 = vector.broadcast %sign3A_38 : i32 to vector<8x32xi32>
    %sign3A_40 = arith.cmpi slt, %iota3A_29, %sign3A_39 : vector<8x32xi32>
    %sign3A_41 = arith.extui %sign3A_40 : vector<8x32xi1> to vector<8x32xi32>
    %sign3A_42 = arith.subi %sign3A_37, %sign3A_41 : vector<8x32xi32>
    %sign3A_43 = arith.constant 0 : i32
    %sign3A_44 = arith.cmpi sgt, %jit3A_31, %sign3A_43 : i32
    %sign3A_45 = arith.extui %sign3A_44 : i1 to i32
    %sign3A_46 = arith.constant 0 : i32
    %sign3A_47 = arith.cmpi slt, %jit3A_31, %sign3A_46 : i32
    %sign3A_48 = arith.extui %sign3A_47 : i1 to i32
    %sign3A_49 = arith.subi %sign3A_45, %sign3A_48 : i32
    %ne3A_50 = vector.broadcast %sign3A_49 : i32 to vector<8x32xi32>
    %ne3A_51 = arith.cmpi ne, %sign3A_42, %ne3A_50 : vector<8x32xi32>
    %rem3A_52 = vector.broadcast %jit3A_31 : i32 to vector<8x32xi32>
    %rem3A_53 = arith.remsi %iota3A_29, %rem3A_52 : vector<8x32xi32>
    %ne3A_54 = arith.constant 0 : i32
    %ne3A_55 = vector.broadcast %ne3A_54 : i32 to vector<8x32xi32>
    %ne3A_56 = arith.cmpi ne, %rem3A_53, %ne3A_55 : vector<8x32xi32>
    %and3A_57 = arith.andi %ne3A_51, %ne3A_56 : vector<8x32xi1>
    %sub3A_58 = arith.constant 1 : i32
    %sub3A_59 = vector.broadcast %sub3A_58 : i32 to vector<8x32xi32>
    %sub3A_60 = arith.subi %div3A_33, %sub3A_59 : vector<8x32xi32>
    %select_n3A_61 = arith.select %and3A_57, %sub3A_60, %div3A_33 : vector<8x32xi1>, vector<8x32xi32>
    %eq3A_62 = arith.cmpi eq, %select_n3A_61, %iota3A_30 : vector<8x32xi32>
    %jit3A_63 = arith.constant 2.500000e-01 : f32
    %jit3A_64 = arith.constant 0.000000e+00 : f32
    %broadcast_in_dim3A = vector.broadcast %jit3A_63 : f32 to vector<8x32xf32>
    %broadcast_in_dim3A_65 = vector.broadcast %jit3A_64 : f32 to vector<8x32xf32>
    %select_n3A_66 = arith.select %eq3A_62, %broadcast_in_dim3A, %broadcast_in_dim3A_65 : vector<8x32xi1>, vector<8x32xf32>
    %slice3A_67 = vector.extract_strided_slice %reshape3A_28 {offsets = [0, 0, 0], sizes = [32, 18, 8], strides = [1, 1, 1]} : vector<32x162x8xf32> to vector<32x18x8xf32>
    %add3A = arith.constant 9.99999971E-10 : f32
    %add3A_68 = vector.broadcast %add3A : f32 to vector<32x18x8xf32>
    %add3A_69 = arith.addf %slice3A, %add3A_68 : vector<32x18x8xf32>
    %div3A_70 = arith.divf %slice3A_67, %add3A_69 : vector<32x18x8xf32>
    %reduce_sum3A = arith.constant dense<0.000000e+00> : vector<32x8xf32>
    %reduce_sum3A_71 = vector.multi_reduction <add>, %div3A_70, %reduce_sum3A [1] : vector<32x18x8xf32> to vector<32x8xf32>
    %broadcast_in_dim3A_72 = vector.shape_cast %reduce_sum3A_71 : vector<32x8xf32> to vector<32x1x8xf32>
    %add3A_73 = arith.constant 9.99999971E-10 : f32
    %add3A_74 = vector.broadcast %add3A_73 : f32 to vector<32x1x8xf32>
    %add3A_75 = arith.addf %broadcast_in_dim3A_72, %add3A_74 : vector<32x1x8xf32>
    %div3A_76 = vector.broadcast %add3A_75 : vector<32x1x8xf32> to vector<32x18x8xf32>
    %div3A_77 = arith.divf %div3A_70, %div3A_76 : vector<32x18x8xf32>
    %add3A_78 = arith.constant 9.99999971E-10 : f32
    %add3A_79 = vector.broadcast %add3A_78 : f32 to vector<32x18x8xf32>
    %add3A_80 = arith.addf %div3A_77, %add3A_79 : vector<32x18x8xf32>
    %log3A = math.log %add3A_80 : vector<32x18x8xf32>
    %mul3A = arith.mulf %div3A_77, %log3A : vector<32x18x8xf32>
    %reduce_sum3A_81 = arith.constant dense<0.000000e+00> : vector<32x8xf32>
    %reduce_sum3A_82 = vector.multi_reduction <add>, %mul3A, %reduce_sum3A_81 [1] : vector<32x18x8xf32> to vector<32x8xf32>
    %add3A_83 = arith.constant 1.800000e+01 : f32
    %add3A_84 = arith.constant 9.99999971E-10 : f32
    %add3A_85 = arith.addf %add3A_83, %add3A_84 : f32
    %log3A_86 = math.log %add3A_85 : f32
    %add3A_87 = vector.broadcast %log3A_86 : f32 to vector<32x8xf32>
    %add3A_88 = arith.addf %add3A_87, %reduce_sum3A_82 : vector<32x8xf32>
    %log3A_89 = arith.constant 1.800000e+01 : f32
    %log3A_90 = math.log %log3A_89 : f32
    %div3A_91 = vector.broadcast %log3A_90 : f32 to vector<32x8xf32>
    %div3A_92 = arith.divf %add3A_88, %div3A_91 : vector<32x8xf32>
    %dot_general3A_93 = arith.constant dense<0.000000e+00> : vector<8x8xf32>
    %dot_general3A_94 = tpu.matmul %select_n3A_66, %div3A_92, %dot_general3A_93 {dimension_numbers = #tpu.dot_dimension_numbers<[1], [0], [0], [1], [0, 0, 1, 1], [], []>, precision = #tpu.contract_precision<fp32>, transpose_lhs_hint = false} : vector<8x32xf32>, vector<32x8xf32>, vector<8x8xf32> -> vector<8x8xf32>
    %slice3A_95 = vector.extract_strided_slice %reshape3A_28 {offsets = [0, 18, 0], sizes = [32, 18, 8], strides = [1, 1, 1]} : vector<32x162x8xf32> to vector<32x18x8xf32>
    %add3A_96 = arith.constant 9.99999971E-10 : f32
    %add3A_97 = vector.broadcast %add3A_96 : f32 to vector<32x18x8xf32>
    %add3A_98 = arith.addf %slice3A, %add3A_97 : vector<32x18x8xf32>
    %div3A_99 = arith.divf %slice3A_95, %add3A_98 : vector<32x18x8xf32>
    %reduce_sum3A_100 = arith.constant dense<0.000000e+00> : vector<32x8xf32>
    %reduce_sum3A_101 = vector.multi_reduction <add>, %div3A_99, %reduce_sum3A_100 [1] : vector<32x18x8xf32> to vector<32x8xf32>
    %broadcast_in_dim3A_102 = vector.shape_cast %reduce_sum3A_101 : vector<32x8xf32> to vector<32x1x8xf32>
    %add3A_103 = arith.constant 9.99999971E-10 : f32
    %add3A_104 = vector.broadcast %add3A_103 : f32 to vector<32x1x8xf32>
    %add3A_105 = arith.addf %broadcast_in_dim3A_102, %add3A_104 : vector<32x1x8xf32>
    %div3A_106 = vector.broadcast %add3A_105 : vector<32x1x8xf32> to vector<32x18x8xf32>
    %div3A_107 = arith.divf %div3A_99, %div3A_106 : vector<32x18x8xf32>
    %add3A_108 = arith.constant 9.99999971E-10 : f32
    %add3A_109 = vector.broadcast %add3A_108 : f32 to vector<32x18x8xf32>
    %add3A_110 = arith.addf %div3A_107, %add3A_109 : vector<32x18x8xf32>
    %log3A_111 = math.log %add3A_110 : vector<32x18x8xf32>
    %mul3A_112 = arith.mulf %div3A_107, %log3A_111 : vector<32x18x8xf32>
    %reduce_sum3A_113 = arith.constant dense<0.000000e+00> : vector<32x8xf32>
    %reduce_sum3A_114 = vector.multi_reduction <add>, %mul3A_112, %reduce_sum3A_113 [1] : vector<32x18x8xf32> to vector<32x8xf32>
    %add3A_115 = arith.constant 1.800000e+01 : f32
    %add3A_116 = arith.constant 9.99999971E-10 : f32
    %add3A_117 = arith.addf %add3A_115, %add3A_116 : f32
    %log3A_118 = math.log %add3A_117 : f32
    %add3A_119 = vector.broadcast %log3A_118 : f32 to vector<32x8xf32>
    %add3A_120 = arith.addf %add3A_119, %reduce_sum3A_114 : vector<32x8xf32>
    %log3A_121 = arith.constant 1.800000e+01 : f32
    %log3A_122 = math.log %log3A_121 : f32
    %div3A_123 = vector.broadcast %log3A_122 : f32 to vector<32x8xf32>
    %div3A_124 = arith.divf %add3A_120, %div3A_123 : vector<32x8xf32>
    %dot_general3A_125 = arith.constant dense<0.000000e+00> : vector<8x8xf32>
    %dot_general3A_126 = tpu.matmul %select_n3A_66, %div3A_124, %dot_general3A_125 {dimension_numbers = #tpu.dot_dimension_numbers<[1], [0], [0], [1], [0, 0, 1, 1], [], []>, precision = #tpu.contract_precision<fp32>, transpose_lhs_hint = false} : vector<8x32xf32>, vector<32x8xf32>, vector<8x8xf32> -> vector<8x8xf32>
    %slice3A_127 = vector.extract_strided_slice %reshape3A_28 {offsets = [0, 36, 0], sizes = [32, 18, 8], strides = [1, 1, 1]} : vector<32x162x8xf32> to vector<32x18x8xf32>
    %add3A_128 = arith.constant 9.99999971E-10 : f32
    %add3A_129 = vector.broadcast %add3A_128 : f32 to vector<32x18x8xf32>
    %add3A_130 = arith.addf %slice3A, %add3A_129 : vector<32x18x8xf32>
    %div3A_131 = arith.divf %slice3A_127, %add3A_130 : vector<32x18x8xf32>
    %reduce_sum3A_132 = arith.constant dense<0.000000e+00> : vector<32x8xf32>
    %reduce_sum3A_133 = vector.multi_reduction <add>, %div3A_131, %reduce_sum3A_132 [1] : vector<32x18x8xf32> to vector<32x8xf32>
    %broadcast_in_dim3A_134 = vector.shape_cast %reduce_sum3A_133 : vector<32x8xf32> to vector<32x1x8xf32>
    %add3A_135 = arith.constant 9.99999971E-10 : f32
    %add3A_136 = vector.broadcast %add3A_135 : f32 to vector<32x1x8xf32>
    %add3A_137 = arith.addf %broadcast_in_dim3A_134, %add3A_136 : vector<32x1x8xf32>
    %div3A_138 = vector.broadcast %add3A_137 : vector<32x1x8xf32> to vector<32x18x8xf32>
    %div3A_139 = arith.divf %div3A_131, %div3A_138 : vector<32x18x8xf32>
    %add3A_140 = arith.constant 9.99999971E-10 : f32
    %add3A_141 = vector.broadcast %add3A_140 : f32 to vector<32x18x8xf32>
    %add3A_142 = arith.addf %div3A_139, %add3A_141 : vector<32x18x8xf32>
    %log3A_143 = math.log %add3A_142 : vector<32x18x8xf32>
    %mul3A_144 = arith.mulf %div3A_139, %log3A_143 : vector<32x18x8xf32>
    %reduce_sum3A_145 = arith.constant dense<0.000000e+00> : vector<32x8xf32>
    %reduce_sum3A_146 = vector.multi_reduction <add>, %mul3A_144, %reduce_sum3A_145 [1] : vector<32x18x8xf32> to vector<32x8xf32>
    %add3A_147 = arith.constant 1.800000e+01 : f32
    %add3A_148 = arith.constant 9.99999971E-10 : f32
    %add3A_149 = arith.addf %add3A_147, %add3A_148 : f32
    %log3A_150 = math.log %add3A_149 : f32
    %add3A_151 = vector.broadcast %log3A_150 : f32 to vector<32x8xf32>
    %add3A_152 = arith.addf %add3A_151, %reduce_sum3A_146 : vector<32x8xf32>
    %log3A_153 = arith.constant 1.800000e+01 : f32
    %log3A_154 = math.log %log3A_153 : f32
    %div3A_155 = vector.broadcast %log3A_154 : f32 to vector<32x8xf32>
    %div3A_156 = arith.divf %add3A_152, %div3A_155 : vector<32x8xf32>
    %dot_general3A_157 = arith.constant dense<0.000000e+00> : vector<8x8xf32>
    %dot_general3A_158 = tpu.matmul %select_n3A_66, %div3A_156, %dot_general3A_157 {dimension_numbers = #tpu.dot_dimension_numbers<[1], [0], [0], [1], [0, 0, 1, 1], [], []>, precision = #tpu.contract_precision<fp32>, transpose_lhs_hint = false} : vector<8x32xf32>, vector<32x8xf32>, vector<8x8xf32> -> vector<8x8xf32>
    %slice3A_159 = vector.extract_strided_slice %reshape3A_28 {offsets = [0, 54, 0], sizes = [32, 18, 8], strides = [1, 1, 1]} : vector<32x162x8xf32> to vector<32x18x8xf32>
    %add3A_160 = arith.constant 9.99999971E-10 : f32
    %add3A_161 = vector.broadcast %add3A_160 : f32 to vector<32x18x8xf32>
    %add3A_162 = arith.addf %slice3A, %add3A_161 : vector<32x18x8xf32>
    %div3A_163 = arith.divf %slice3A_159, %add3A_162 : vector<32x18x8xf32>
    %reduce_sum3A_164 = arith.constant dense<0.000000e+00> : vector<32x8xf32>
    %reduce_sum3A_165 = vector.multi_reduction <add>, %div3A_163, %reduce_sum3A_164 [1] : vector<32x18x8xf32> to vector<32x8xf32>
    %broadcast_in_dim3A_166 = vector.shape_cast %reduce_sum3A_165 : vector<32x8xf32> to vector<32x1x8xf32>
    %add3A_167 = arith.constant 9.99999971E-10 : f32
    %add3A_168 = vector.broadcast %add3A_167 : f32 to vector<32x1x8xf32>
    %add3A_169 = arith.addf %broadcast_in_dim3A_166, %add3A_168 : vector<32x1x8xf32>
    %div3A_170 = vector.broadcast %add3A_169 : vector<32x1x8xf32> to vector<32x18x8xf32>
    %div3A_171 = arith.divf %div3A_163, %div3A_170 : vector<32x18x8xf32>
    %add3A_172 = arith.constant 9.99999971E-10 : f32
    %add3A_173 = vector.broadcast %add3A_172 : f32 to vector<32x18x8xf32>
    %add3A_174 = arith.addf %div3A_171, %add3A_173 : vector<32x18x8xf32>
    %log3A_175 = math.log %add3A_174 : vector<32x18x8xf32>
    %mul3A_176 = arith.mulf %div3A_171, %log3A_175 : vector<32x18x8xf32>
    %reduce_sum3A_177 = arith.constant dense<0.000000e+00> : vector<32x8xf32>
    %reduce_sum3A_178 = vector.multi_reduction <add>, %mul3A_176, %reduce_sum3A_177 [1] : vector<32x18x8xf32> to vector<32x8xf32>
    %add3A_179 = arith.constant 1.800000e+01 : f32
    %add3A_180 = arith.constant 9.99999971E-10 : f32
    %add3A_181 = arith.addf %add3A_179, %add3A_180 : f32
    %log3A_182 = math.log %add3A_181 : f32
    %add3A_183 = vector.broadcast %log3A_182 : f32 to vector<32x8xf32>
    %add3A_184 = arith.addf %add3A_183, %reduce_sum3A_178 : vector<32x8xf32>
    %log3A_185 = arith.constant 1.800000e+01 : f32
    %log3A_186 = math.log %log3A_185 : f32
    %div3A_187 = vector.broadcast %log3A_186 : f32 to vector<32x8xf32>
    %div3A_188 = arith.divf %add3A_184, %div3A_187 : vector<32x8xf32>
    %dot_general3A_189 = arith.constant dense<0.000000e+00> : vector<8x8xf32>
    %dot_general3A_190 = tpu.matmul %select_n3A_66, %div3A_188, %dot_general3A_189 {dimension_numbers = #tpu.dot_dimension_numbers<[1], [0], [0], [1], [0, 0, 1, 1], [], []>, precision = #tpu.contract_precision<fp32>, transpose_lhs_hint = false} : vector<8x32xf32>, vector<32x8xf32>, vector<8x8xf32> -> vector<8x8xf32>
    %slice3A_191 = vector.extract_strided_slice %reshape3A_28 {offsets = [0, 72, 0], sizes = [32, 18, 8], strides = [1, 1, 1]} : vector<32x162x8xf32> to vector<32x18x8xf32>
    %add3A_192 = arith.constant 9.99999971E-10 : f32
    %add3A_193 = vector.broadcast %add3A_192 : f32 to vector<32x18x8xf32>
    %add3A_194 = arith.addf %slice3A, %add3A_193 : vector<32x18x8xf32>
    %div3A_195 = arith.divf %slice3A_191, %add3A_194 : vector<32x18x8xf32>
    %reduce_sum3A_196 = arith.constant dense<0.000000e+00> : vector<32x8xf32>
    %reduce_sum3A_197 = vector.multi_reduction <add>, %div3A_195, %reduce_sum3A_196 [1] : vector<32x18x8xf32> to vector<32x8xf32>
    %broadcast_in_dim3A_198 = vector.shape_cast %reduce_sum3A_197 : vector<32x8xf32> to vector<32x1x8xf32>
    %add3A_199 = arith.constant 9.99999971E-10 : f32
    %add3A_200 = vector.broadcast %add3A_199 : f32 to vector<32x1x8xf32>
    %add3A_201 = arith.addf %broadcast_in_dim3A_198, %add3A_200 : vector<32x1x8xf32>
    %div3A_202 = vector.broadcast %add3A_201 : vector<32x1x8xf32> to vector<32x18x8xf32>
    %div3A_203 = arith.divf %div3A_195, %div3A_202 : vector<32x18x8xf32>
    %add3A_204 = arith.constant 9.99999971E-10 : f32
    %add3A_205 = vector.broadcast %add3A_204 : f32 to vector<32x18x8xf32>
    %add3A_206 = arith.addf %div3A_203, %add3A_205 : vector<32x18x8xf32>
    %log3A_207 = math.log %add3A_206 : vector<32x18x8xf32>
    %mul3A_208 = arith.mulf %div3A_203, %log3A_207 : vector<32x18x8xf32>
    %reduce_sum3A_209 = arith.constant dense<0.000000e+00> : vector<32x8xf32>
    %reduce_sum3A_210 = vector.multi_reduction <add>, %mul3A_208, %reduce_sum3A_209 [1] : vector<32x18x8xf32> to vector<32x8xf32>
    %add3A_211 = arith.constant 1.800000e+01 : f32
    %add3A_212 = arith.constant 9.99999971E-10 : f32
    %add3A_213 = arith.addf %add3A_211, %add3A_212 : f32
    %log3A_214 = math.log %add3A_213 : f32
    %add3A_215 = vector.broadcast %log3A_214 : f32 to vector<32x8xf32>
    %add3A_216 = arith.addf %add3A_215, %reduce_sum3A_210 : vector<32x8xf32>
    %log3A_217 = arith.constant 1.800000e+01 : f32
    %log3A_218 = math.log %log3A_217 : f32
    %div3A_219 = vector.broadcast %log3A_218 : f32 to vector<32x8xf32>
    %div3A_220 = arith.divf %add3A_216, %div3A_219 : vector<32x8xf32>
    %dot_general3A_221 = arith.constant dense<0.000000e+00> : vector<8x8xf32>
    %dot_general3A_222 = tpu.matmul %select_n3A_66, %div3A_220, %dot_general3A_221 {dimension_numbers = #tpu.dot_dimension_numbers<[1], [0], [0], [1], [0, 0, 1, 1], [], []>, precision = #tpu.contract_precision<fp32>, transpose_lhs_hint = false} : vector<8x32xf32>, vector<32x8xf32>, vector<8x8xf32> -> vector<8x8xf32>
    %slice3A_223 = vector.extract_strided_slice %reshape3A_28 {offsets = [0, 90, 0], sizes = [32, 18, 8], strides = [1, 1, 1]} : vector<32x162x8xf32> to vector<32x18x8xf32>
    %add3A_224 = arith.constant 9.99999971E-10 : f32
    %add3A_225 = vector.broadcast %add3A_224 : f32 to vector<32x18x8xf32>
    %add3A_226 = arith.addf %slice3A, %add3A_225 : vector<32x18x8xf32>
    %div3A_227 = arith.divf %slice3A_223, %add3A_226 : vector<32x18x8xf32>
    %reduce_sum3A_228 = arith.constant dense<0.000000e+00> : vector<32x8xf32>
    %reduce_sum3A_229 = vector.multi_reduction <add>, %div3A_227, %reduce_sum3A_228 [1] : vector<32x18x8xf32> to vector<32x8xf32>
    %broadcast_in_dim3A_230 = vector.shape_cast %reduce_sum3A_229 : vector<32x8xf32> to vector<32x1x8xf32>
    %add3A_231 = arith.constant 9.99999971E-10 : f32
    %add3A_232 = vector.broadcast %add3A_231 : f32 to vector<32x1x8xf32>
    %add3A_233 = arith.addf %broadcast_in_dim3A_230, %add3A_232 : vector<32x1x8xf32>
    %div3A_234 = vector.broadcast %add3A_233 : vector<32x1x8xf32> to vector<32x18x8xf32>
    %div3A_235 = arith.divf %div3A_227, %div3A_234 : vector<32x18x8xf32>
    %add3A_236 = arith.constant 9.99999971E-10 : f32
    %add3A_237 = vector.broadcast %add3A_236 : f32 to vector<32x18x8xf32>
    %add3A_238 = arith.addf %div3A_235, %add3A_237 : vector<32x18x8xf32>
    %log3A_239 = math.log %add3A_238 : vector<32x18x8xf32>
    %mul3A_240 = arith.mulf %div3A_235, %log3A_239 : vector<32x18x8xf32>
    %reduce_sum3A_241 = arith.constant dense<0.000000e+00> : vector<32x8xf32>
    %reduce_sum3A_242 = vector.multi_reduction <add>, %mul3A_240, %reduce_sum3A_241 [1] : vector<32x18x8xf32> to vector<32x8xf32>
    %add3A_243 = arith.constant 1.800000e+01 : f32
    %add3A_244 = arith.constant 9.99999971E-10 : f32
    %add3A_245 = arith.addf %add3A_243, %add3A_244 : f32
    %log3A_246 = math.log %add3A_245 : f32
    %add3A_247 = vector.broadcast %log3A_246 : f32 to vector<32x8xf32>
    %add3A_248 = arith.addf %add3A_247, %reduce_sum3A_242 : vector<32x8xf32>
    %log3A_249 = arith.constant 1.800000e+01 : f32
    %log3A_250 = math.log %log3A_249 : f32
    %div3A_251 = vector.broadcast %log3A_250 : f32 to vector<32x8xf32>
    %div3A_252 = arith.divf %add3A_248, %div3A_251 : vector<32x8xf32>
    %dot_general3A_253 = arith.constant dense<0.000000e+00> : vector<8x8xf32>
    %dot_general3A_254 = tpu.matmul %select_n3A_66, %div3A_252, %dot_general3A_253 {dimension_numbers = #tpu.dot_dimension_numbers<[1], [0], [0], [1], [0, 0, 1, 1], [], []>, precision = #tpu.contract_precision<fp32>, transpose_lhs_hint = false} : vector<8x32xf32>, vector<32x8xf32>, vector<8x8xf32> -> vector<8x8xf32>
    %slice3A_255 = vector.extract_strided_slice %reshape3A_28 {offsets = [0, 108, 0], sizes = [32, 18, 8], strides = [1, 1, 1]} : vector<32x162x8xf32> to vector<32x18x8xf32>
    %add3A_256 = arith.constant 9.99999971E-10 : f32
    %add3A_257 = vector.broadcast %add3A_256 : f32 to vector<32x18x8xf32>
    %add3A_258 = arith.addf %slice3A, %add3A_257 : vector<32x18x8xf32>
    %div3A_259 = arith.divf %slice3A_255, %add3A_258 : vector<32x18x8xf32>
    %reduce_sum3A_260 = arith.constant dense<0.000000e+00> : vector<32x8xf32>
    %reduce_sum3A_261 = vector.multi_reduction <add>, %div3A_259, %reduce_sum3A_260 [1] : vector<32x18x8xf32> to vector<32x8xf32>
    %broadcast_in_dim3A_262 = vector.shape_cast %reduce_sum3A_261 : vector<32x8xf32> to vector<32x1x8xf32>
    %add3A_263 = arith.constant 9.99999971E-10 : f32
    %add3A_264 = vector.broadcast %add3A_263 : f32 to vector<32x1x8xf32>
    %add3A_265 = arith.addf %broadcast_in_dim3A_262, %add3A_264 : vector<32x1x8xf32>
    %div3A_266 = vector.broadcast %add3A_265 : vector<32x1x8xf32> to vector<32x18x8xf32>
    %div3A_267 = arith.divf %div3A_259, %div3A_266 : vector<32x18x8xf32>
    %add3A_268 = arith.constant 9.99999971E-10 : f32
    %add3A_269 = vector.broadcast %add3A_268 : f32 to vector<32x18x8xf32>
    %add3A_270 = arith.addf %div3A_267, %add3A_269 : vector<32x18x8xf32>
    %log3A_271 = math.log %add3A_270 : vector<32x18x8xf32>
    %mul3A_272 = arith.mulf %div3A_267, %log3A_271 : vector<32x18x8xf32>
    %reduce_sum3A_273 = arith.constant dense<0.000000e+00> : vector<32x8xf32>
    %reduce_sum3A_274 = vector.multi_reduction <add>, %mul3A_272, %reduce_sum3A_273 [1] : vector<32x18x8xf32> to vector<32x8xf32>
    %add3A_275 = arith.constant 1.800000e+01 : f32
    %add3A_276 = arith.constant 9.99999971E-10 : f32
    %add3A_277 = arith.addf %add3A_275, %add3A_276 : f32
    %log3A_278 = math.log %add3A_277 : f32
    %add3A_279 = vector.broadcast %log3A_278 : f32 to vector<32x8xf32>
    %add3A_280 = arith.addf %add3A_279, %reduce_sum3A_274 : vector<32x8xf32>
    %log3A_281 = arith.constant 1.800000e+01 : f32
    %log3A_282 = math.log %log3A_281 : f32
    %div3A_283 = vector.broadcast %log3A_282 : f32 to vector<32x8xf32>
    %div3A_284 = arith.divf %add3A_280, %div3A_283 : vector<32x8xf32>
    %dot_general3A_285 = arith.constant dense<0.000000e+00> : vector<8x8xf32>
    %dot_general3A_286 = tpu.matmul %select_n3A_66, %div3A_284, %dot_general3A_285 {dimension_numbers = #tpu.dot_dimension_numbers<[1], [0], [0], [1], [0, 0, 1, 1], [], []>, precision = #tpu.contract_precision<fp32>, transpose_lhs_hint = false} : vector<8x32xf32>, vector<32x8xf32>, vector<8x8xf32> -> vector<8x8xf32>
    %slice3A_287 = vector.extract_strided_slice %reshape3A_28 {offsets = [0, 126, 0], sizes = [32, 18, 8], strides = [1, 1, 1]} : vector<32x162x8xf32> to vector<32x18x8xf32>
    %add3A_288 = arith.constant 9.99999971E-10 : f32
    %add3A_289 = vector.broadcast %add3A_288 : f32 to vector<32x18x8xf32>
    %add3A_290 = arith.addf %slice3A, %add3A_289 : vector<32x18x8xf32>
    %div3A_291 = arith.divf %slice3A_287, %add3A_290 : vector<32x18x8xf32>
    %reduce_sum3A_292 = arith.constant dense<0.000000e+00> : vector<32x8xf32>
    %reduce_sum3A_293 = vector.multi_reduction <add>, %div3A_291, %reduce_sum3A_292 [1] : vector<32x18x8xf32> to vector<32x8xf32>
    %broadcast_in_dim3A_294 = vector.shape_cast %reduce_sum3A_293 : vector<32x8xf32> to vector<32x1x8xf32>
    %add3A_295 = arith.constant 9.99999971E-10 : f32
    %add3A_296 = vector.broadcast %add3A_295 : f32 to vector<32x1x8xf32>
    %add3A_297 = arith.addf %broadcast_in_dim3A_294, %add3A_296 : vector<32x1x8xf32>
    %div3A_298 = vector.broadcast %add3A_297 : vector<32x1x8xf32> to vector<32x18x8xf32>
    %div3A_299 = arith.divf %div3A_291, %div3A_298 : vector<32x18x8xf32>
    %add3A_300 = arith.constant 9.99999971E-10 : f32
    %add3A_301 = vector.broadcast %add3A_300 : f32 to vector<32x18x8xf32>
    %add3A_302 = arith.addf %div3A_299, %add3A_301 : vector<32x18x8xf32>
    %log3A_303 = math.log %add3A_302 : vector<32x18x8xf32>
    %mul3A_304 = arith.mulf %div3A_299, %log3A_303 : vector<32x18x8xf32>
    %reduce_sum3A_305 = arith.constant dense<0.000000e+00> : vector<32x8xf32>
    %reduce_sum3A_306 = vector.multi_reduction <add>, %mul3A_304, %reduce_sum3A_305 [1] : vector<32x18x8xf32> to vector<32x8xf32>
    %add3A_307 = arith.constant 1.800000e+01 : f32
    %add3A_308 = arith.constant 9.99999971E-10 : f32
    %add3A_309 = arith.addf %add3A_307, %add3A_308 : f32
    %log3A_310 = math.log %add3A_309 : f32
    %add3A_311 = vector.broadcast %log3A_310 : f32 to vector<32x8xf32>
    %add3A_312 = arith.addf %add3A_311, %reduce_sum3A_306 : vector<32x8xf32>
    %log3A_313 = arith.constant 1.800000e+01 : f32
    %log3A_314 = math.log %log3A_313 : f32
    %div3A_315 = vector.broadcast %log3A_314 : f32 to vector<32x8xf32>
    %div3A_316 = arith.divf %add3A_312, %div3A_315 : vector<32x8xf32>
    %dot_general3A_317 = arith.constant dense<0.000000e+00> : vector<8x8xf32>
    %dot_general3A_318 = tpu.matmul %select_n3A_66, %div3A_316, %dot_general3A_317 {dimension_numbers = #tpu.dot_dimension_numbers<[1], [0], [0], [1], [0, 0, 1, 1], [], []>, precision = #tpu.contract_precision<fp32>, transpose_lhs_hint = false} : vector<8x32xf32>, vector<32x8xf32>, vector<8x8xf32> -> vector<8x8xf32>
    %stack3A = vector.shape_cast %dot_general3A_94 : vector<8x8xf32> to vector<8x8x1xf32>
    %stack3A_319 = vector.shape_cast %dot_general3A_126 : vector<8x8xf32> to vector<8x8x1xf32>
    %stack3A_320 = vector.shape_cast %dot_general3A_158 : vector<8x8xf32> to vector<8x8x1xf32>
    %stack3A_321 = vector.shape_cast %dot_general3A_190 : vector<8x8xf32> to vector<8x8x1xf32>
    %stack3A_322 = vector.shape_cast %dot_general3A_222 : vector<8x8xf32> to vector<8x8x1xf32>
    %stack3A_323 = vector.shape_cast %dot_general3A_254 : vector<8x8xf32> to vector<8x8x1xf32>
    %stack3A_324 = vector.shape_cast %dot_general3A_286 : vector<8x8xf32> to vector<8x8x1xf32>
    %stack3A_325 = vector.shape_cast %dot_general3A_318 : vector<8x8xf32> to vector<8x8x1xf32>
    %stack3A_326 = tpu.concatenate %stack3A, %stack3A_319, %stack3A_320, %stack3A_321, %stack3A_322, %stack3A_323, %stack3A_324, %stack3A_325 in 2 : vector<8x8x1xf32>, vector<8x8x1xf32>, vector<8x8x1xf32>, vector<8x8x1xf32>, vector<8x8x1xf32>, vector<8x8x1xf32>, vector<8x8x1xf32>, vector<8x8x1xf32> -> vector<8x8x8xf32>
    %swap3A = arith.constant 0 : index
    %swap3A_327 = arith.constant 0 : index
    %swap3A_328 = arith.constant 0 : index
    %swap3A_329 = vector.load %arg1[%swap3A, %swap3A_327, %swap3A_328] : memref<8x8x8xf32, #tpu.memory_space<vmem>>, vector<8x8x8xf32>
    tpu.vector_store %arg1[%swap3A, %swap3A_327, %swap3A_328], %stack3A_326 {strides = array<i32>} : memref<8x8x8xf32, #tpu.memory_space<vmem>>, vector<8x8x8xf32>,
    return
  }
}

</mosaic_0001>

<sc_bundles>
// kernel: kernel.4.cloned.1.call-start
scs
__scs_entry_jumppad:
0x0: {  	(pc) =	sbr.rel $0x88, $3  }
0x1: {  	(tag) =	ssettag $0x0;
	lr =	simm.s32 $0x1  }
0x2: {  	[smem:$0x3F9F] =	sst lr;
	_ =	strace $0xD0000000  }
0x3: {  	_ = 	snop  }
0x4: {  	_ = 	snop  }
0x5: {  	_ = 	snop  }
0x6: {  	_ = 	snop  }
0x7: {  	_ = 	snop  }
__scs_overlays_trampoline_lowered:
0x8: {  	[smem:$0x3FAE] =	sst s0  }
0x9: {  	[smem:$0x3FAF] =	sst s1  }
0xa: {  	[smem:$0x3FB0] =	sst s2  }
0xb: {  	[smem:$0x3FB1] =	sst s3  }
0xc: {  	[smem:$0x3FB2] =	sst s4  }
0xd: {  	[smem:$0x3FB3] =	sst s5  }
0xe: {  	[smem:$0x3FB4] =	sst s6  }
0xf: {  	[smem:$0x3FB5] =	sst s7  }
0x10: {  	[smem:$0x3FB6] =	sst s8  }
0x11: {  	[smem:$0x3FB7] =	sst s9;
	s0 =	simm.s32 @!p0 $0x0  }
0x12: {  	s1 =	sld [smem:$0x3F9D];
	s0 =	simm.s32 @p0 $0x1  }
0x13: {  	[smem:$0x3FB8] =	sst s0;
	s0 =	simm.s32 @!p1 $0x0  }
0x14: {  	s2 =	sld [smem:$0x3F9C];
	s0 =	simm.s32 @p1 $0x1  }
0x15: {  	[smem:$0x3FB9] =	sst s0;
	s0 =	simm.s32 @!p2 $0x0  }
0x16: {  	s3 =	sld [smem:$0x3FDB];
	s0 =	simm.s32 @p2 $0x1  }
0x17: {  	s4 =	simm.s32 $0x1BF5;
	[smem:$0x3FBB] =	sst s0  }
0x18: {  	s0 =	sld [smem:$0x3F9E];
	_ =	swait.ge [sflag:s4], $0x0  }
0x19: {  	s7 =	sld [smem:$0x3F9F]  }
0x1a: {  	s8 =	sadd.s32 $0xFFFFE003, lr  }
0x1b: {  	s9 =	sadd.s32 $0xFFFFFEF7, lr;
	s5 =	simm.s32 $0xFFFFFFFF;
	p2 =	slt.u32 s8, $0xFFFFF086  }
0x1c: {  	p1 =	slt.u32 s9, $0xF7A;
	s5 =	simm.s32 @!p2 $0x0  }
0x1d: {  	s5 =	simm.s32 @p1 $0x1;
	p0 =	seq.s32 s7, s2  }
0x1e: {  	s7 =	smul.u32 @!p0 $0xF7A, s2;
	p2 =	seq.s32 @!p0 s5, $0x0  }
0x1f: {  	s9 =	smul.u32 $0xF7A, s1;
	s8 =	simm.s32 @!p0 $0x1BF5;
	p2 =	por !p2, p0  }
0x20: {  	[sflag:s8] =	ssyncset.s32 @!p0 $0xFFFFF086;
	s6 =	sadd.s32 @!p0 s3, s7;
	s7 =	simm.s32 @!p0 $0x108  }
0x21: {  	s3 =	sadd.s32 s3, s9;
	s6 =	sadd.s32 @!p0 $0x88, s6;
	s7 =	simm.s32 @p2 $0x1082  }
0x22: {  	[simem:s7], [sflag:s8] =	dma.local @!p0 [hbm:s6], $0xF7A  }
0x23: {  	s9 =	sor.u32 $0xD0000000, s2;
	s6 =	simm.s32 $0x108;
	_ =	swait.ge @!p0 [sflag:s8], $0x0  }
0x24: {  	s3 =	sadd.s32 $0x88, s3;
	s6 =	simm.s32 @!p1 $0x1082;
	[sflag:s4] =	ssyncset.s32 $0xFFFFF086  }
0x25: {  	[simem:s6], [sflag:s4] =	dma.local [hbm:s3], $0xF7A  }
0x26: {  	[smem:$0x3F9F] =	sst s1;
	(tag) =	ssettag s2;
	_ =	strace s9  }
0x27: {  	s1 =	sld [smem:$0x3FAF]  }
0x28: {  	s2 =	sld [smem:$0x3FB0]  }
0x29: {  	s4 =	sld [smem:$0x3FB2]  }
0x2a: {  	p0 =	seq.s32 s5, $0x0;
	s5 =	sld [smem:$0x3FB3]  }
0x2b: {  	s6 =	sld [smem:$0x3FB4]  }
0x2c: {  	s7 =	sld [smem:$0x3FB5]  }
0x2d: {  	s3 =	simm.s32 $0x108;
	s8 =	sld [smem:$0x3FB6]  }
0x2e: {  	s3 =	simm.s32 @!p0 $0x1082;
	s9 =	sld [smem:$0x3FB7]  }
0x2f: {  	lr =	sadd.s32 s0, s3;
	s0 =	sld [smem:$0x3FAE]  }
0x30: {  	s3 =	sld [smem:$0x3FB1]  }
0x31: {  	[smem:$0x3FBA] =	sst s10  }
0x32: {  	s10 =	sld [smem:$0x3FB8];
	_ =	sdelay $0x3  }
0x33: {  	p0 =	seq.s32 s10, $0x1;
	s10 =	sld [smem:$0x3FBA];
	_ =	sdelay $0x3  }
0x34: {  	[smem:$0x3FBA] =	sst s10  }
0x35: {  	s10 =	sld [smem:$0x3FB9];
	_ =	sdelay $0x3  }
0x36: {  	p1 =	seq.s32 s10, $0x1;
	s10 =	sld [smem:$0x3FBA];
	_ =	sdelay $0x3  }
0x37: {  	[smem:$0x3FBA] =	sst s10  }
0x38: {  	s10 =	sld [smem:$0x3FBB]  }
0x39: {  	_ = 	snop;
	(pc) =	sbr.ind lr, $3  }
0x3a: {  	_ = 	snop  }
0x3b: {  	_ = 	snop  }
0x3c: {  	p2 =	seq.s32 s10, $0x1;
	s10 =	sld [smem:$0x3FBA]  }
0x3d: {  	_ =	shalt  }
0x3e: {  	_ =	shalt  }
0x3f: {  	_ =	shalt  }
0x40: {  	_ =	shalt  }
0x41: {  	_ =	shalt  }
0x42: {  	_ =	shalt  }
0x43: {  	_ =	shalt  }
0x44: {  	_ =	shalt  }
0x45: {  	_ =	shalt  }
0x46: {  	_ =	shalt  }
0x47: {  	_ =	shalt  }
0x48: {  	_ =	shalt  }
0x49: {  	_ =	shalt  }
0x4a: {  	_ =	shalt  }
0x4b: {  	_ =	shalt  }
0x4c: {  	_ =	shalt  }
0x4d: {  	_ =	shalt  }
0x4e: {  	_ =	shalt  }
0x4f: {  	_ =	shalt  }
0x50: {  	_ =	shalt  }
0x51: {  	_ =	shalt  }
0x52: {  	_ =	shalt  }
0x53: {  	_ =	shalt  }
0x54: {  	_ =	shalt  }
0x55: {  	_ =	shalt  }
0x56: {  	_ =	shalt  }
0x57: {  	_ =	shalt  }
0x58: {  	_ =	shalt  }
0x59: {  	_ =	shalt  }
0x5a: {  	_ =	shalt  }
0x5b: {  	_ =	shalt  }
0x5c: {  	_ =	shalt  }
0x5d: {  	_ =	shalt  }
0x5e: {  	_ =	shalt  }
0x5f: {  	_ =	shalt  }
0x60: {  	_ =	shalt  }
0x61: {  	_ =	shalt  }
0x62: {  	_ =	shalt  }
0x63: {  	_ =	shalt  }
0x64: {  	_ =	shalt  }
0x65: {  	_ =	shalt  }
0x66: {  	_ =	shalt  }
0x67: {  	_ =	shalt  }
0x68: {  	_ =	shalt  }
0x69: {  	_ =	shalt  }
0x6a: {  	_ =	shalt  }
0x6b: {  	_ =	shalt  }
0x6c: {  	_ =	shalt  }
0x6d: {  	_ =	shalt  }
0x6e: {  	_ =	shalt  }
0x6f: {  	_ =	shalt  }
0x70: {  	_ =	shalt  }
0x71: {  	_ =	shalt  }
0x72: {  	_ =	shalt  }
0x73: {  	_ =	shalt  }
0x74: {  	_ =	shalt  }
0x75: {  	_ =	shalt  }
0x76: {  	_ =	shalt  }
0x77: {  	_ =	shalt  }
0x78: {  	_ =	shalt  }
0x79: {  	_ =	shalt  }
0x7a: {  	_ =	shalt  }
0x7b: {  	_ =	shalt  }
0x7c: {  	_ =	shalt  }
0x7d: {  	_ =	shalt  }
0x7e: {  	_ =	shalt  }
0x7f: {  	_ =	shalt  }
0x80: {  	_ =	shalt  }
0x81: {  	_ =	shalt  }
0x82: {  	_ =	shalt  }
0x83: {  	_ =	shalt  }
0x84: {  	_ =	shalt  }
0x85: {  	_ =	shalt  }
0x86: {  	_ =	shalt  }
0x87: {  	_ =	shalt  }
.Lfunc_end0:
.L_simem_size_0:
called_computation_lowered:
.L_overlay_start_0:
0x88: {  	s2 =	sld [smem:$0x3FD9]  }
0x89: {  	s3 =	sld [smem:$0x3FFE];
	_ =	sdelay $0x1  }
0x8a: {  	s1 =	srdreg.scid  }
0x8b: {  	s0 =	sand.u32 $0x1, s1  }
0x8c: {  	s17 =	sshll.u32 s0, $0xA;
	s2 =	sadd.s32 s3, s2  }
0x8d: {  	s2 =	sadd.s32 s2, s17  }
0x8e: {  	[smem:$0x3FC6] =	sst s2  }
0x8f: {  	_ = 	snop  }
0x90: {  	s2 =	sld [smem:$0x3FC9]  }
0x91: {  	s18 =	sld [smem:$0x3FC8];
	(tm) =	ssettm $0x1  }
0x92: {  	s4 =	sld [smem:$0x3FFB];
	_ =	sdelay $0x3  }
0x93: {  	_ =	strace s4  }
0x94: {  	s4 =	sld [smem:$0x3FFC];
	_ =	sdelay $0x3  }
0x95: {  	_ =	strace s4  }
0x96: {  	s4 =	sld [smem:$0x3FFD];
	_ =	sdelay $0x3  }
0x97: {  	_ =	strace s4  }
0x98: {  	_ =	strace $0x8FFFFFFF  }
0x99: {  	s19 =	sld [smem:$0x3FDB];
	_ =	sdelay $0x1  }
0x9a: {  	s5 =	simm.s32 $_scs_section_size  }
0x9b: {  	s6 =	simm.s32 $_size__tile_overlayer_lowered;
	s7 =	simm.s32 $_tile_overlayer_lowered  }
0x9c: {  	s22 =	simm.s32 $0x1BFF;
	s21 =	sshll.u32 s7, $0x1;
	s4 =	sadd.s32 s5, s19  }
0x9d: {  	s8 =	simm.s32 $0x0;
	s20 =	sshll.u32 s6, $0x1;
	s6 =	sadd.s32 s21, s4  }
0x9e: {  	[timem:s8], [sflag:s22] =	dma.local [hbm:s6], s20  }
0x9f: {  	_ =	swait.ge [sflag:s22], s20  }
0xa0: {  	s5 =	ssub.s32 $0x0, s20;
	[sflag:s22] =	ssyncset.done $0x0  }
0xa1: {  	[sflag:s22] =	ssyncadd.s32 s5;
	_ =	sdelay $0x1  }
0xa2: {  	s23 =	simm.s32 $0x1B8B  }
0xa3: {  	_ =	swait.ge [sflag:s23], $0x1  }
0xa4: {  	[sflag:s23] =	ssyncset.done $0x0  }
0xa5: {  	s25 =	simm.s32 $0x1B8E;
	s24 =	sld [smem:$0x3FFE];
	[sflag:s23] =	ssyncadd.s32 $0xFFFFFFFF  }
0xa6: {  	s26 =	simm.s32 $execute0_lowered;
	[smem:$0x3FD2] =	sst s25  }
0xa7: {  	s6 =	sshll.u32 s26, $0x1;
	_ =	strace $0x80000046;
	[dreg:$0x1] =	wrdreg $0xFFFFFFFF  }
0xa8: {  	s28 =	simm.s32 $_size_execute0_lowered;
	s4 =	sadd.s32 s4, s6;
	[dreg:$0x0] =	wrdreg $0x0  }
0xa9: {  	s6 =	sshll.u32 s28, $0x1;
	[dreg:$0x2] =	wrdreg s4  }
0xaa: {  	[dreg:$0x3] =	wrdreg s6  }
0xab: {  	[dreg:$0x4] =	wrdreg $0xC0  }
0xac: {  	_ =	task [dreg:s8], $0x5FFFF  }
0xad: {  	[dreg:$0x1] =	wrdreg $0xFFFFFFFF  }
0xae: {  	[dreg:$0x0] =	wrdreg $0x60  }
0xaf: {  	[dreg:$0x2] =	wrdreg s2  }
0xb0: {  	[dreg:$0x3] =	wrdreg s18  }
0xb1: {  	[dreg:$0x4] =	wrdreg s24  }
0xb2: {  	[dreg:$0x5] =	wrdreg $0x9  }
0xb3: {  	_ =	task.clear_ibuf [dreg:s8], $0x6FFFF;
	_ =	strace $0x90000046  }
0xb4: {  	s29 =	simm.s32 $0x9;
	_ =	strace $0x80000048  }
0xb5: {  	_ =	swait.ge [sflag:s29], $0x1  }
0xb6: {  	[sflag:s29] =	ssyncadd.s32 $0xFFFFFFFF  }
0xb7: {  	_ =	strace $0x90000048  }
0xb8: {  	_ =	sfence  }
0xb9: {  	s30 =	sld [smem:$0x0];
	_ =	sdelay $0x2  }
0xba: {  	s31 =	sshll.u32 s1, $0xD;
	s1 =	sshrl.u32 s1, $0x2  }
0xbb: {  	s3 =	sand.u32 $0x4000, s31;
	s1 =	sadd.s32 s1, s30  }
0xbc: {  	s0 =	sor.u32 s3, s0;
	s1 =	sshll.u32 s1, $0x11  }
0xbd: {  	s0 =	sor.u32 s1, s0  }
0xbe: {  	s0 =	sadd.s32 $0x8F2B, s0  }
0xbf: {  	[sflag:s0] =	ssyncadd.remote.s32 $0x1  }
0xc0: {  	_ =	sfence.sel $0xFFFF  }
0xc1: {  	[dreg:$0x0] =	wrdreg $0xFFFFFFFF;
	(pc) =	sbr.abs _section_cstart, $3  }
0xc2: {  	[dreg:$0x1] =	wrdreg $0xFFFFFFFF  }
0xc3: {  	_ =	task.clear_ibuf [dreg:s8], $0x2FFFF;
	_ =	strace $0x9FFFFFFF  }
0xc4: {  	(tm) =	ssettm $0x7FFFFFFF  }
0xc5: {  	_ =	shalt  }
tec
execute0_lowered:
.L_overlay_start_1:
0x0: {  	(tag) =	ssettag $0x1  }
0x1: {  	s1 =	rddreg [dreg:$0x0]  }
0x2: {  	s0 =	rddreg [dreg:$0x1];
	v0 =	vlaneseq.u32;
	s3 =	simm.s32 $0x0  }
0x3: {  	[smem:$0x7FF] =	sst s3;
	v3 =	vor.u32 $0x1B50, v0  }
0x4: {  	s2 =	rddreg [dreg:$0x2];
	v7 =	vor.u32 $0x2400, v0;
	_ =	strace $0x80000047;
	[tilespmem:$0x1FDA0] =	vst v3  }
0x5: {  	v26 =	vor.u32 $0x900, v0;
	[tilespmem:$0x1FE70] =	vst v7  }
0x6: {  	v28 =	vor.u32 $0x1B00, v0;
	[tilespmem:$0x1FE80] =	vst v26  }
0x7: {  	v27 =	vor.u32 $0x1200, v0;
	[tilespmem:$0x1FE90] =	vst v28  }
0x8: {  	v55 =	vor.u32 $0x1B40, v0;
	[tilespmem:$0x1FEA0] =	vst v27  }
0x9: {  	v56 =	vor.u32 $0x2D40, v0;
	[tilespmem:$0x1FEB0] =	vst v55  }
0xa: {  	v57 =	vor.u32 $0x3640, v0;
	[tilespmem:$0x1FEC0] =	vst v56  }
0xb: {  	v58 =	vor.u32 $0x3F40, v0;
	[tilespmem:$0x1FED0] =	vst v57  }
0xc: {  	v59 =	vor.u32 $0x4840, v0;
	[tilespmem:$0x1FEE0] =	vst v58  }
0xd: {  	v44 =	vor.u32 $0x30, v0;
	[tilespmem:$0x1FEF0] =	vst v59  }
0xe: {  	v34 =	vor.u32 $0x4810, v0;
	[tilespmem:$0x1FF00] =	vst v44  }
0xf: {  	v46 =	vor.u32 $0x1230, v0;
	[tilespmem:$0x1FF10] =	vst v34  }
0x10: {  	v33 =	vor.u32 $0x3F10, v0;
	[tilespmem:$0x1FF20] =	vst v46  }
0x11: {  	v47 =	vor.u32 $0x1B30, v0;
	[tilespmem:$0x1FF30] =	vst v33  }
0x12: {  	v45 =	vor.u32 $0x930, v0;
	[tilespmem:$0x1FF40] =	vst v47  }
0x13: {  	v35 =	vor.u32 $0x20, v0;
	[tilespmem:$0x1FF50] =	vst v45  }
0x14: {  	v48 =	vor.u32 $0x2430, v0;
	[tilespmem:$0x1FF60] =	vst v35  }
0x15: {  	v36 =	vor.u32 $0x920, v0;
	[tilespmem:$0x1FF70] =	vst v48  }
0x16: {  	v37 =	vor.u32 $0x1220, v0;
	[tilespmem:$0x1FF80] =	vst v36  }
0x17: {  	v9 =	vor.u32 $0x2D00, v0;
	[tilespmem:$0x1FF90] =	vst v37  }
0x18: {  	v63 =	vor.u32 $0x2440, v0;
	[tilespmem:$0x1FFA0] =	vst v9  }
0x19: {  	s22 =	srdreg.scid;
	v20 =	vor.u32 $0x3F00, v0;
	[tilespmem:$0x1FFB0] =	vst v63  }
0x1a: {  	s9 =	stileid.u32;
	s14 =	simm.s32 $0x80;
	s15 =	simm.s32 $0x1000;
	v21 =	vor.u32 $0x4800, v0;
	[tilespmem:$0x1FFC0] =	vst v20  }
0x1b: {  	s16 =	simm.s32 $0x400;
	s28 =	simm.s32 $0x2C00;
	s29 =	simm.s32 $0x3000;
	v22 =	vor.u32 $0x10, v0;
	[tilespmem:$0x1FFD0] =	vst v21  }
0x1c: {  	s30 =	simm.s32 $0x3400;
	s31 =	simm.s32 $0x3800;
	v10 =	vor.u32 $0x3600, v0;
	s3 =	sand.u32 $0x1, s22;
	[tilespmem:$0x1FFE0] =	vst v22  }
0x1d: {  	s4 =	sshll.u32 s9, $0x8;
	s5 =	sshrl.u32 s9, $0x1;
	s7 =	sshll.u32 s9, $0xB;
	v3 =	vor.u32 $0x2450, v0;
	[tilespmem:$0x1FFF0] =	vst v10  }
0x1e: {  	v1 =	vimm.f32 $0.0e+00;
	v2 =	vimm.s32 $0x0;
	s23 =	sshrl.u32 s9, $0x2;
	s22 =	simm.s32 $0x1;
	s6 =	sshll.u32 s3, $0x7;
	[tilespmem:$0x1FDB0] =	vst v3;
	v3 =	vor.u32 $0x2D50, v0  }
0x1f: {  	v23 =	vor.u32 $0x910, v0;
	v24 =	vor.u32 $0x1210, v0;
	s8 =	sshll.u32 s5, $0xC;
	s5 =	sshll.u32 s5, $0xF;
	s3 =	ssub.s32 $0x2, s3;
	[tilespmem:$0x1FDC0] =	vst v3;
	v3 =	vor.u32 $0x3650, v0  }
0x20: {  	v25 =	vor.u32 $0x1B10, v0;
	v29 =	vor.u32 $0x2410, v0;
	s4 =	sor.u32 s6, s4;
	s7 =	ssub.s32 s7, s8;
	s6 =	smul.u32 $0x28800, s23;
	[tilespmem:$0x1FDD0] =	vst v3;
	v3 =	vor.u32 $0x3F50, v0  }
0x21: {  	v30 =	vor.u32 $0x2D10, v0;
	v31 =	vor.u32 $0x3610, v0;
	s26 =	sshrl.u32 s3, $0x1;
	s7 =	sand.u32 $0xFFFFF000, s7;
	s24 =	sand.u32 $0x380, s4;
	[tilespmem:$0x1FDE0] =	vst v3;
	v3 =	vor.u32 $0x4850, v0  }
0x22: {  	v38 =	vor.u32 $0x1B20, v0;
	v39 =	vor.u32 $0x2420, v0;
	s4 =	sand.u32 $0x180, s4;
	s5 =	sadd.s32 s5, s7;
	s6 =	sor.u32 s6, s24;
	[tilespmem:$0x1FDF0] =	vst v3;
	v3 =	vor.u32 $0x60, v0  }
0x23: {  	v40 =	vor.u32 $0x2D20, v0;
	v41 =	vor.u32 $0x3620, v0;
	s4 =	sor.u32 s4, s5;
	s25 =	sshrl.u32 s6, $0x3;
	s6 =	ssub.s32 s3, s26;
	[tilespmem:$0x1FE00] =	vst v3;
	v3 =	vor.u32 $0x960, v0  }
0x24: {  	v42 =	vor.u32 $0x3F20, v0;
	v43 =	vor.u32 $0x4820, v0;
	s26 =	simm.s32 $0x2800;
	s4 =	sshrl.u32 s4, $0x3;
	s2 =	sadd.s32 s25, s2;
	[tilespmem:$0x1FE10] =	vst v3;
	v3 =	vor.u32 $0x1260, v0  }
0x25: {  	v49 =	vor.u32 $0x2D30, v0;
	v50 =	vor.u32 $0x3630, v0;
	s6 =	smax.u32 s6, $0x1;
	s3 =	sadd.s32 s1, s4;
	s4 =	sadd.s32 s0, s4;
	[tilespmem:$0x1FE20] =	vst v3;
	v3 =	vor.u32 $0x1B60, v0  }
0x26: {  	v11 =	vimm.f32 $1.000000000e+00;
	v51 =	vor.u32 $0x3F30, v0;
	s5 =	sadd.s32 $0x600, s2;
	s0 =	simm.s32 $0x3C00;
	s2 =	simm.s32 $0x4000;
	[tilespmem:$0x1FE30] =	vst v3;
	v3 =	vor.u32 $0x2460, v0  }
0x27: {  	v52 =	vor.u32 $0x4830, v0;
	v53 =	vor.u32 $0x40, v0;
	s1 =	simm.s32 $0x0;
	s7 =	sadd.s32 $0x40, s3;
	s8 =	sadd.s32 $0x80, s3;
	[tilespmem:$0x1FE40] =	vst v3;
	v3 =	vor.u32 $0x2D60, v0  }
0x28: {  	v32 =	vor.u32 $0x940, v0;
	v54 =	vor.u32 $0x1240, v0;
	s9 =	sadd.s32 $0xC0, s3;
	s10 =	sadd.s32 $0x100, s3;
	s11 =	sadd.s32 $0x140, s3;
	[tilespmem:$0x1FE50] =	vst v3;
	v3 =	vor.u32 $0x3660, v0  }
0x29: {  	v60 =	vor.u32 $0x50, v0;
	v61 =	vor.u32 $0x950, v0;
	v62 =	vor.u32 $0x1250, v0;
	s12 =	sadd.s32 $0x180, s3;
	s13 =	sadd.s32 $0x1C0, s3;
	s24 =	sadd.s32 $0x40, s4;
	[tilespmem:$0x1FE60] =	vst v3  }
.LBB2_1:
0x2a: {  	s17 =	simm.s32 $0x0  }
0x2b: {  	[tilespmem:s17], [sflag:$0x1] =	stream.strided.gather [hbm4b:s3+s14], $0x400, s15, s14, $0x38;
	[tilespmem:$0x9100] =	vst v63  }
0x2c: {  	_ = 	snop  }
0x2d: {  	[tilespmem:s16], [sflag:$0x1] =	stream.strided.gather [hbm4b:s7+s14], $0x400, s15, s14, $0x38;
	[tilespmem:$0x9100] =	vst v63  }
0x2e: {  	s25 =	simm.s32 $0x800  }
0x2f: {  	[tilespmem:s25], [sflag:$0x1] =	stream.strided.gather [hbm4b:s8+s14], $0x400, s15, s14, $0x38;
	[tilespmem:$0x9100] =	vst v63  }
0x30: {  	s18 =	simm.s32 $0xC00  }
0x31: {  	[tilespmem:s18], [sflag:$0x1] =	stream.strided.gather [hbm4b:s9+s14], $0x400, s15, s14, $0x38;
	[tilespmem:$0x9100] =	vst v63  }
0x32: {  	_ = 	snop  }
0x33: {  	[tilespmem:s15], [sflag:$0x1] =	stream.strided.gather [hbm4b:s10+s14], $0x400, s15, s14, $0x38;
	[tilespmem:$0x9100] =	vst v63  }
0x34: {  	s19 =	simm.s32 $0x1400  }
0x35: {  	[tilespmem:s19], [sflag:$0x1] =	stream.strided.gather [hbm4b:s11+s14], $0x400, s15, s14, $0x38;
	[tilespmem:$0x9100] =	vst v63  }
0x36: {  	s20 =	simm.s32 $0x1800  }
0x37: {  	[tilespmem:s20], [sflag:$0x1] =	stream.strided.gather [hbm4b:s12+s14], $0x400, s15, s14, $0x38;
	[tilespmem:$0x9100] =	vst v63  }
0x38: {  	s21 =	simm.s32 $0x1C00  }
0x39: {  	[tilespmem:s21], [sflag:$0x1] =	stream.strided.gather [hbm4b:s13+s14], $0x400, s15, s14, $0x38;
	[tilespmem:$0x9100] =	vst v63  }
0x3a: {  	_ =	swait.ge [sflag:s22], $0x2000  }
0x3b: {  	[sflag:s22] =	ssyncset.done $0x0  }
0x3c: {  	s23 =	simm.s32 $0x2000;
	[sflag:s22] =	ssyncadd.s32 $0xFFFFE000  }
0x3d: {  	[tilespmem:s23], [sflag:$0x1] =	stream.strided.gather [hbm4b:s4+s14], $0x400, s15, s14, $0x38;
	[tilespmem:$0x9100] =	vst v63  }
0x3e: {  	s25 =	simm.s32 $0x2400  }
0x3f: {  	[tilespmem:s25], [sflag:$0x1] =	stream.strided.gather [hbm4b:s24+s14], $0x400, s15, s14, $0x38;
	[tilespmem:$0x9100] =	vst v63  }
0x40: {  	s18 =	sadd.s32 $0x80, s4  }
0x41: {  	[tilespmem:s26], [sflag:$0x1] =	stream.strided.gather [hbm4b:s18+s14], $0x400, s15, s14, $0x38;
	[tilespmem:$0x9100] =	vst v63  }
0x42: {  	s19 =	sadd.s32 $0xC0, s4  }
0x43: {  	[tilespmem:s28], [sflag:$0x1] =	stream.strided.gather [hbm4b:s19+s14], $0x400, s15, s14, $0x38;
	[tilespmem:$0x9100] =	vst v63  }
0x44: {  	s20 =	sadd.s32 $0x100, s4  }
0x45: {  	[tilespmem:s29], [sflag:$0x1] =	stream.strided.gather [hbm4b:s20+s14], $0x400, s15, s14, $0x38;
	[tilespmem:$0x9100] =	vst v63  }
0x46: {  	s21 =	sadd.s32 $0x140, s4  }
0x47: {  	[tilespmem:s30], [sflag:$0x1] =	stream.strided.gather [hbm4b:s21+s14], $0x400, s15, s14, $0x38;
	[tilespmem:$0x9100] =	vst v63  }
0x48: {  	s23 =	sadd.s32 $0x180, s4  }
0x49: {  	[tilespmem:s31], [sflag:$0x1] =	stream.strided.gather [hbm4b:s23+s14], $0x400, s15, s14, $0x38;
	[tilespmem:$0x9100] =	vst v63  }
0x4a: {  	s25 =	sadd.s32 $0x1C0, s4  }
0x4b: {  	[tilespmem:s0], [sflag:$0x1] =	stream.strided.gather [hbm4b:s25+s14], $0x400, s15, s14, $0x38;
	[tilespmem:$0x9100] =	vst v63  }
0x4c: {  	_ =	swait.ge [sflag:s22], $0x2000  }
0x4d: {  	[sflag:s22] =	ssyncset.done $0x0  }
0x4e: {  	s17 =	simm.s32 $0x0;
	s18 =	simm.s32 $0x400;
	[sflag:s22] =	ssyncadd.s32 $0xFFFFE000  }
.LBB2_2:
0x4f: {  	p0 =	sne.s32 s18, $0x14000;
	[tilespmem:s17+$0x40F0] =	vst v1  }
0x50: {  	[tilespmem:s17+$0x4000] =	vst v1  }
0x51: {  	[tilespmem:s17+$0x4010] =	vst v1  }
0x52: {  	[tilespmem:s17+$0x4020] =	vst v1  }
0x53: {  	[tilespmem:s17+$0x4030] =	vst v1  }
0x54: {  	[tilespmem:s17+$0x4040] =	vst v1  }
0x55: {  	[tilespmem:s17+$0x4050] =	vst v1  }
0x56: {  	[tilespmem:s17+$0x4060] =	vst v1  }
0x57: {  	[tilespmem:s17+$0x4070] =	vst v1  }
0x58: {  	[tilespmem:s17+$0x4080] =	vst v1  }
0x59: {  	[tilespmem:s17+$0x4090] =	vst v1  }
.Ltmp0:
0x5a: {  	[tilespmem:s17+$0x40A0] =	vst v1;
	(pc) =	sbr.rel @p0 .LBB2_2-.Ltmp0, $4  }
0x5b: {  	[tilespmem:s17+$0x40B0] =	vst v1  }
0x5c: {  	[tilespmem:s17+$0x40C0] =	vst v1  }
0x5d: {  	[tilespmem:s17+$0x40D0] =	vst v1  }
0x5e: {  	[tilespmem:s17+$0x40E0] =	vst v1;
	s17 =	sshra.s32 s18, $0x2;
	s18 =	sadd.s32 $0x400, s18  }
0x5f: {  	[tilespmem:s17+$0x40F0] =	vst v1  }
0x60: {  	[tilespmem:s17+$0x4000] =	vst v1  }
0x61: {  	[tilespmem:s17+$0x4010] =	vst v1  }
0x62: {  	[tilespmem:s17+$0x4020] =	vst v1  }
0x63: {  	[tilespmem:s17+$0x4030] =	vst v1  }
0x64: {  	[tilespmem:s17+$0x4040] =	vst v1  }
0x65: {  	[tilespmem:s17+$0x4050] =	vst v1  }
0x66: {  	[tilespmem:s17+$0x4060] =	vst v1  }
0x67: {  	[tilespmem:s17+$0x4070] =	vst v1  }
0x68: {  	[tilespmem:s17+$0x4080] =	vst v1  }
0x69: {  	[tilespmem:s17+$0x4090] =	vst v1  }
0x6a: {  	[tilespmem:s17+$0x40A0] =	vst v1  }
0x6b: {  	[tilespmem:s17+$0x40B0] =	vst v1  }
0x6c: {  	[tilespmem:s17+$0x40C0] =	vst v1  }
0x6d: {  	[tilespmem:s17+$0x40D0] =	vst v1  }
0x6e: {  	[tilespmem:s17+$0x40E0] =	vst v1;
	s17 =	simm.s32 $0x0;
	s18 =	simm.s32 $0x0;
	s19 =	simm.s32 $0x0  }
.LBB2_4:
0x6f: {  	s20 =	sand.u32 $0x60, s19;
	s21 =	sand.u32 $0x1C00, s18  }
0x70: {  	s20 =	sor.u32 s20, s21  }
0x71: {  	v3 =	vld [tilespmem:s20+$0x0];
	_ =	sdelay $0x4  }
0x72: {  	vm0 =	vgt.f32 v3, $-2.792526720e+00;
	vm1 =	vgt.f32 v3, $-2.443460940e+00  }
0x73: {  	vm10 =	vgt.f32 v3, $-1.745329260e+00;
	v4 =	vsel vm0, $0x1, v2;
	v5 =	vsel vm1, $0x1, v2  }
0x74: {  	vm11 =	vgt.f32 v3, $-2.094395160e+00;
	v6 =	vsel vm10, $0x1, v2;
	v4 =	vadd.s32 v5, v4  }
0x75: {  	vm12 =	vgt.f32 v3, $-1.047197580e+00;
	v16 =	vsel vm11, $0x1, v2;
	v4 =	vadd.s32 v6, v4  }
0x76: {  	vm13 =	vgt.f32 v3, $-1.396263360e+00;
	v17 =	vsel vm12, $0x1, v2;
	v4 =	vadd.s32 v16, v4  }
0x77: {  	vm14 =	vgt.f32 v3, $-3.490658400e-01;
	v12 =	vsel vm13, $0x1, v2;
	v4 =	vadd.s32 v17, v4  }
0x78: {  	vm15 =	vgt.f32 v3, $-6.981316800e-01;
	v13 =	vsel vm14, $0x1, v2;
	v4 =	vadd.s32 v12, v4  }
0x79: {  	vm4 =	vgt.f32 v3, $3.490658400e-01;
	v14 =	vsel vm15, $0x1, v2;
	v4 =	vadd.s32 v13, v4  }
0x7a: {  	vm5 =	vgt.f32 v3, $0.0e+00;
	v15 =	vsel vm4, $0x1, v2;
	v4 =	vadd.s32 v14, v4  }
0x7b: {  	vm6 =	vgt.f32 v3, $1.047197580e+00;
	v16 =	vsel vm5, $0x1, v2;
	v4 =	vadd.s32 v15, v4  }
0x7c: {  	vm7 =	vgt.f32 v3, $6.981316800e-01;
	v17 =	vsel vm6, $0x1, v2;
	v4 =	vadd.s32 v16, v4  }
0x7d: {  	vm8 =	vgt.f32 v3, $1.745329260e+00;
	v12 =	vsel vm7, $0x1, v2;
	v4 =	vadd.s32 v17, v4  }
0x7e: {  	vm9 =	vgt.f32 v3, $1.396263360e+00;
	v13 =	vsel vm8, $0x1, v2;
	v4 =	vadd.s32 v12, v4  }
0x7f: {  	s23 =	sand.u32 $0x3, s17;
	vm10 =	vgt.f32 v3, $2.443460940e+00;
	v14 =	vsel vm9, $0x1, v2;
	v4 =	vadd.s32 v13, v4  }
0x80: {  	s21 =	sshll.u32 s23, $0x5;
	s23 =	sor.u32 s18, s19;
	vm11 =	vgt.f32 v3, $2.094395160e+00;
	v15 =	vsel vm10, $0x1, v2;
	v4 =	vadd.s32 v14, v4  }
0x81: {  	v8 =	vld [tilespmem:$0x1FE70];
	s21 =	sadd.s32 s21, s18;
	s23 =	sor.u32 $0x380, s23;
	vm12 =	vgt.f32 v3, $2.792526720e+00;
	v16 =	vsel vm11, $0x1, v2;
	v3 =	vadd.s32 v15, v4  }
0x82: {  	s25 =	sor.u32 $0x300, s21;
	v19 =	vld [tilespmem:s23+$0x2000];
	v17 =	vsel vm12, $0x1, v2;
	v3 =	vadd.s32 v16, v3  }
0x83: {  	v18 =	vld [tilespmem:s25+$0x2000];
	v3 =	vadd.s32 v17, v3  }
0x84: {  	v12 =	vld [tilespmem:s20+$0x2000];
	v3 =	vshll.u32 v3, $0x7  }
0x85: {  	v13 =	vld [tilespmem:s20+$0x2080];
	v4 =	vor.u32 v0, v3  }
0x86: {  	v14 =	vld [tilespmem:s20+$0x2100];
	v5 =	vadd.s32 v26, v3  }
0x87: {  	v15 =	vld [tilespmem:s20+$0x2180];
	v6 =	vadd.s32 v27, v3  }
0x88: {  	v16 =	vld [tilespmem:s20+$0x2200];
	v7 =	vadd.s32 v28, v3  }
0x89: {  	v17 =	vld [tilespmem:s20+$0x2280];
	v8 =	vadd.s32 v8, v3  }
0x8a: {  	[tilespmem:v4+s2+$0x0] =	vst.idx.add.f32.msk $0xffff, v12;
	v4 =	vadd.s32 v9, v3  }
0x8b: {  	[tilespmem:v5+s2+$0x0] =	vst.idx.add.f32.msk $0xffff, v13;
	v5 =	vadd.s32 v10, v3  }
0x8c: {  	[tilespmem:v6+s2+$0x0] =	vst.idx.add.f32.msk $0xffff, v14;
	v6 =	vadd.s32 v20, v3  }
0x8d: {  	v3 =	vadd.s32 v21, v3;
	[tilespmem:v7+s2+$0x0] =	vst.idx.add.f32.msk $0xffff, v15  }
0x8e: {  	[tilespmem:v8+s2+$0x0] =	vst.idx.add.f32.msk $0xffff, v16  }
0x8f: {  	[tilespmem:v4+s2+$0x0] =	vst.idx.add.f32.msk $0xffff, v17  }
0x90: {  	[tilespmem:v5+s2+$0x0] =	vst.idx.add.f32.msk $0xffff, v18  }
0x91: {  	[tilespmem:v6+s2+$0x0] =	vst.idx.add.f32.msk $0xffff, v19  }
0x92: {  	[tilespmem:v3+s2+$0x0] =	vst.idx.add.f32.msk $0xffff, v11  }
0x93: {  	v3 =	vld [tilespmem:s20+$0x80];
	_ =	sdelay $0x4  }
0x94: {  	vm13 =	vgt.f32 v3, $-2.792526720e+00;
	vm14 =	vgt.f32 v3, $-2.443460940e+00  }
0x95: {  	vm15 =	vgt.f32 v3, $-1.745329260e+00;
	v4 =	vsel vm13, $0x1, v2;
	v5 =	vsel vm14, $0x1, v2  }
0x96: {  	vm4 =	vgt.f32 v3, $-2.094395160e+00;
	v6 =	vsel vm15, $0x1, v2;
	v4 =	vadd.s32 v5, v4  }
0x97: {  	vm5 =	vgt.f32 v3, $-1.047197580e+00;
	v5 =	vsel vm4, $0x1, v2;
	v4 =	vadd.s32 v6, v4  }
0x98: {  	vm6 =	vgt.f32 v3, $-1.396263360e+00;
	v6 =	vsel vm5, $0x1, v2;
	v4 =	vadd.s32 v5, v4  }
0x99: {  	vm7 =	vgt.f32 v3, $-3.490658400e-01;
	v5 =	vsel vm6, $0x1, v2;
	v4 =	vadd.s32 v6, v4  }
0x9a: {  	vm8 =	vgt.f32 v3, $-6.981316800e-01;
	v6 =	vsel vm7, $0x1, v2;
	v4 =	vadd.s32 v5, v4  }
0x9b: {  	vm9 =	vgt.f32 v3, $3.490658400e-01;
	v5 =	vsel vm8, $0x1, v2;
	v4 =	vadd.s32 v6, v4  }
0x9c: {  	vm10 =	vgt.f32 v3, $0.0e+00;
	v6 =	vsel vm9, $0x1, v2;
	v4 =	vadd.s32 v5, v4  }
0x9d: {  	vm11 =	vgt.f32 v3, $1.047197580e+00;
	v5 =	vsel vm10, $0x1, v2;
	v4 =	vadd.s32 v6, v4  }
0x9e: {  	vm12 =	vgt.f32 v3, $6.981316800e-01;
	v6 =	vsel vm11, $0x1, v2;
	v4 =	vadd.s32 v5, v4  }
0x9f: {  	vm13 =	vgt.f32 v3, $1.745329260e+00;
	v5 =	vsel vm12, $0x1, v2;
	v4 =	vadd.s32 v6, v4  }
0xa0: {  	vm14 =	vgt.f32 v3, $1.396263360e+00;
	v6 =	vsel vm13, $0x1, v2;
	v4 =	vadd.s32 v5, v4  }
0xa1: {  	vm15 =	vgt.f32 v3, $2.443460940e+00;
	v5 =	vsel vm14, $0x1, v2;
	v4 =	vadd.s32 v6, v4  }
0xa2: {  	vm4 =	vgt.f32 v3, $2.094395160e+00;
	v6 =	vsel vm15, $0x1, v2;
	v4 =	vadd.s32 v5, v4  }
0xa3: {  	vm5 =	vgt.f32 v3, $2.792526720e+00;
	v5 =	vsel vm4, $0x1, v2;
	v3 =	vadd.s32 v6, v4  }
0xa4: {  	v4 =	vsel vm5, $0x1, v2;
	v3 =	vadd.s32 v5, v3  }
0xa5: {  	v3 =	vadd.s32 v4, v3  }
0xa6: {  	v3 =	vshll.u32 v3, $0x7  }
0xa7: {  	v4 =	vor.u32 v22, v3  }
0xa8: {  	v5 =	vadd.s32 v23, v3  }
0xa9: {  	v6 =	vadd.s32 v24, v3  }
0xaa: {  	v7 =	vadd.s32 v25, v3  }
0xab: {  	v8 =	vadd.s32 v29, v3  }
0xac: {  	[tilespmem:v4+s2+$0x0] =	vst.idx.add.f32.msk $0xffff, v12;
	v4 =	vadd.s32 v30, v3  }
0xad: {  	[tilespmem:v5+s2+$0x0] =	vst.idx.add.f32.msk $0xffff, v13;
	v5 =	vadd.s32 v31, v3  }
0xae: {  	v33 =	vadd.s32 v33, v3;
	[tilespmem:v6+s2+$0x0] =	vst.idx.add.f32.msk $0xffff, v14  }
0xaf: {  	v3 =	vadd.s32 v34, v3;
	[tilespmem:v7+s2+$0x0] =	vst.idx.add.f32.msk $0xffff, v15  }
0xb0: {  	[tilespmem:v8+s2+$0x0] =	vst.idx.add.f32.msk $0xffff, v16  }
0xb1: {  	[tilespmem:v4+s2+$0x0] =	vst.idx.add.f32.msk $0xffff, v17  }
0xb2: {  	[tilespmem:v5+s2+$0x0] =	vst.idx.add.f32.msk $0xffff, v18  }
0xb3: {  	[tilespmem:v33+s2+$0x0] =	vst.idx.add.f32.msk $0xffff, v19  }
0xb4: {  	[tilespmem:v3+s2+$0x0] =	vst.idx.add.f32.msk $0xffff, v11  }
0xb5: {  	v3 =	vld [tilespmem:s20+$0x100];
	_ =	sdelay $0x4  }
0xb6: {  	vm6 =	vgt.f32 v3, $-2.792526720e+00;
	vm7 =	vgt.f32 v3, $-2.443460940e+00  }
0xb7: {  	vm8 =	vgt.f32 v3, $-1.745329260e+00;
	v4 =	vsel vm6, $0x1, v2;
	v33 =	vsel vm7, $0x1, v2  }
0xb8: {  	vm9 =	vgt.f32 v3, $-2.094395160e+00;
	v34 =	vsel vm8, $0x1, v2;
	v4 =	vadd.s32 v33, v4  }
0xb9: {  	vm10 =	vgt.f32 v3, $-1.047197580e+00;
	v33 =	vsel vm9, $0x1, v2;
	v4 =	vadd.s32 v34, v4  }
0xba: {  	vm11 =	vgt.f32 v3, $-1.396263360e+00;
	v34 =	vsel vm10, $0x1, v2;
	v4 =	vadd.s32 v33, v4  }
0xbb: {  	vm12 =	vgt.f32 v3, $-3.490658400e-01;
	v33 =	vsel vm11, $0x1, v2;
	v4 =	vadd.s32 v34, v4  }
0xbc: {  	vm13 =	vgt.f32 v3, $-6.981316800e-01;
	v34 =	vsel vm12, $0x1, v2;
	v4 =	vadd.s32 v33, v4  }
0xbd: {  	vm14 =	vgt.f32 v3, $3.490658400e-01;
	v33 =	vsel vm13, $0x1, v2;
	v4 =	vadd.s32 v34, v4  }
0xbe: {  	vm15 =	vgt.f32 v3, $0.0e+00;
	v34 =	vsel vm14, $0x1, v2;
	v4 =	vadd.s32 v33, v4  }
0xbf: {  	vm4 =	vgt.f32 v3, $1.047197580e+00;
	v33 =	vsel vm15, $0x1, v2;
	v4 =	vadd.s32 v34, v4  }
0xc0: {  	vm5 =	vgt.f32 v3, $6.981316800e-01;
	v34 =	vsel vm4, $0x1, v2;
	v4 =	vadd.s32 v33, v4  }
0xc1: {  	vm6 =	vgt.f32 v3, $1.745329260e+00;
	v33 =	vsel vm5, $0x1, v2;
	v4 =	vadd.s32 v34, v4  }
0xc2: {  	vm7 =	vgt.f32 v3, $1.396263360e+00;
	v34 =	vsel vm6, $0x1, v2;
	v4 =	vadd.s32 v33, v4  }
0xc3: {  	vm8 =	vgt.f32 v3, $2.443460940e+00;
	v33 =	vsel vm7, $0x1, v2;
	v4 =	vadd.s32 v34, v4  }
0xc4: {  	vm9 =	vgt.f32 v3, $2.094395160e+00;
	v34 =	vsel vm8, $0x1, v2;
	v4 =	vadd.s32 v33, v4  }
0xc5: {  	vm10 =	vgt.f32 v3, $2.792526720e+00;
	v33 =	vsel vm9, $0x1, v2;
	v3 =	vadd.s32 v34, v4  }
0xc6: {  	v34 =	vsel vm10, $0x1, v2;
	v3 =	vadd.s32 v33, v3  }
0xc7: {  	v3 =	vadd.s32 v34, v3  }
0xc8: {  	v3 =	vshll.u32 v3, $0x7  }
0xc9: {  	v4 =	vor.u32 v35, v3  }
0xca: {  	v33 =	vadd.s32 v36, v3  }
0xcb: {  	v34 =	vadd.s32 v37, v3  }
0xcc: {  	v35 =	vadd.s32 v38, v3  }
0xcd: {  	v8 =	vadd.s32 v39, v3  }
0xce: {  	v36 =	vadd.s32 v40, v3;
	[tilespmem:v4+s2+$0x0] =	vst.idx.add.f32.msk $0xffff, v12  }
0xcf: {  	v37 =	vadd.s32 v41, v3;
	[tilespmem:v33+s2+$0x0] =	vst.idx.add.f32.msk $0xffff, v13  }
0xd0: {  	v33 =	vadd.s32 v42, v3;
	[tilespmem:v34+s2+$0x0] =	vst.idx.add.f32.msk $0xffff, v14  }
0xd1: {  	v3 =	vadd.s32 v43, v3;
	[tilespmem:v35+s2+$0x0] =	vst.idx.add.f32.msk $0xffff, v15  }
0xd2: {  	[tilespmem:v8+s2+$0x0] =	vst.idx.add.f32.msk $0xffff, v16  }
0xd3: {  	[tilespmem:v36+s2+$0x0] =	vst.idx.add.f32.msk $0xffff, v17  }
0xd4: {  	[tilespmem:v37+s2+$0x0] =	vst.idx.add.f32.msk $0xffff, v18  }
0xd5: {  	[tilespmem:v33+s2+$0x0] =	vst.idx.add.f32.msk $0xffff, v19  }
0xd6: {  	[tilespmem:v3+s2+$0x0] =	vst.idx.add.f32.msk $0xffff, v11  }
0xd7: {  	v3 =	vld [tilespmem:s20+$0x180];
	_ =	sdelay $0x4  }
0xd8: {  	vm11 =	vgt.f32 v3, $-2.792526720e+00;
	vm12 =	vgt.f32 v3, $-2.443460940e+00  }
0xd9: {  	vm13 =	vgt.f32 v3, $-1.745329260e+00;
	v34 =	vsel vm11, $0x1, v2;
	v35 =	vsel vm12, $0x1, v2  }
0xda: {  	vm14 =	vgt.f32 v3, $-2.094395160e+00;
	v36 =	vsel vm13, $0x1, v2;
	v4 =	vadd.s32 v35, v34  }
0xdb: {  	vm15 =	vgt.f32 v3, $-1.047197580e+00;
	v37 =	vsel vm14, $0x1, v2;
	v4 =	vadd.s32 v36, v4  }
0xdc: {  	vm4 =	vgt.f32 v3, $-1.396263360e+00;
	v33 =	vsel vm15, $0x1, v2;
	v4 =	vadd.s32 v37, v4  }
0xdd: {  	vm5 =	vgt.f32 v3, $-3.490658400e-01;
	v34 =	vsel vm4, $0x1, v2;
	v4 =	vadd.s32 v33, v4  }
0xde: {  	vm6 =	vgt.f32 v3, $-6.981316800e-01;
	v35 =	vsel vm5, $0x1, v2;
	v4 =	vadd.s32 v34, v4  }
0xdf: {  	vm7 =	vgt.f32 v3, $3.490658400e-01;
	v36 =	vsel vm6, $0x1, v2;
	v4 =	vadd.s32 v35, v4  }
0xe0: {  	vm8 =	vgt.f32 v3, $0.0e+00;
	v37 =	vsel vm7, $0x1, v2;
	v4 =	vadd.s32 v36, v4  }
0xe1: {  	vm9 =	vgt.f32 v3, $1.047197580e+00;
	v33 =	vsel vm8, $0x1, v2;
	v4 =	vadd.s32 v37, v4  }
0xe2: {  	vm10 =	vgt.f32 v3, $6.981316800e-01;
	v34 =	vsel vm9, $0x1, v2;
	v4 =	vadd.s32 v33, v4  }
0xe3: {  	vm11 =	vgt.f32 v3, $1.745329260e+00;
	v35 =	vsel vm10, $0x1, v2;
	v4 =	vadd.s32 v34, v4  }
0xe4: {  	vm12 =	vgt.f32 v3, $1.396263360e+00;
	v36 =	vsel vm11, $0x1, v2;
	v4 =	vadd.s32 v35, v4  }
0xe5: {  	vm13 =	vgt.f32 v3, $2.443460940e+00;
	v37 =	vsel vm12, $0x1, v2;
	v4 =	vadd.s32 v36, v4  }
0xe6: {  	vm14 =	vgt.f32 v3, $2.094395160e+00;
	v33 =	vsel vm13, $0x1, v2;
	v4 =	vadd.s32 v37, v4  }
0xe7: {  	vm15 =	vgt.f32 v3, $2.792526720e+00;
	v34 =	vsel vm14, $0x1, v2;
	v3 =	vadd.s32 v33, v4  }
0xe8: {  	v35 =	vsel vm15, $0x1, v2;
	v3 =	vadd.s32 v34, v3  }
0xe9: {  	v3 =	vadd.s32 v35, v3  }
0xea: {  	v3 =	vshll.u32 v3, $0x7  }
0xeb: {  	v36 =	vor.u32 v44, v3  }
0xec: {  	v37 =	vadd.s32 v45, v3  }
0xed: {  	v44 =	vadd.s32 v46, v3  }
0xee: {  	v45 =	vadd.s32 v47, v3  }
0xef: {  	v8 =	vadd.s32 v48, v3  }
0xf0: {  	v46 =	vadd.s32 v49, v3;
	[tilespmem:v36+s2+$0x0] =	vst.idx.add.f32.msk $0xffff, v12  }
0xf1: {  	v47 =	vadd.s32 v50, v3;
	[tilespmem:v37+s2+$0x0] =	vst.idx.add.f32.msk $0xffff, v13  }
0xf2: {  	v48 =	vadd.s32 v51, v3;
	[tilespmem:v44+s2+$0x0] =	vst.idx.add.f32.msk $0xffff, v14  }
0xf3: {  	v3 =	vadd.s32 v52, v3;
	[tilespmem:v45+s2+$0x0] =	vst.idx.add.f32.msk $0xffff, v15  }
0xf4: {  	[tilespmem:v8+s2+$0x0] =	vst.idx.add.f32.msk $0xffff, v16  }
0xf5: {  	[tilespmem:v46+s2+$0x0] =	vst.idx.add.f32.msk $0xffff, v17  }
0xf6: {  	[tilespmem:v47+s2+$0x0] =	vst.idx.add.f32.msk $0xffff, v18  }
0xf7: {  	[tilespmem:v48+s2+$0x0] =	vst.idx.add.f32.msk $0xffff, v19  }
0xf8: {  	[tilespmem:v3+s2+$0x0] =	vst.idx.add.f32.msk $0xffff, v11  }
0xf9: {  	v3 =	vld [tilespmem:s20+$0x200];
	_ =	sdelay $0x4  }
0xfa: {  	vm4 =	vgt.f32 v3, $-2.792526720e+00;
	vm5 =	vgt.f32 v3, $-2.443460940e+00  }
0xfb: {  	vm6 =	vgt.f32 v3, $-1.745329260e+00;
	v33 =	vsel vm4, $0x1, v2;
	v34 =	vsel vm5, $0x1, v2  }
0xfc: {  	vm7 =	vgt.f32 v3, $-2.094395160e+00;
	v35 =	vsel vm6, $0x1, v2;
	v4 =	vadd.s32 v34, v33  }
0xfd: {  	vm8 =	vgt.f32 v3, $-1.047197580e+00;
	v36 =	vsel vm7, $0x1, v2;
	v4 =	vadd.s32 v35, v4  }
0xfe: {  	vm9 =	vgt.f32 v3, $-1.396263360e+00;
	v37 =	vsel vm8, $0x1, v2;
	v4 =	vadd.s32 v36, v4  }
0xff: {  	vm10 =	vgt.f32 v3, $-3.490658400e-01;
	v44 =	vsel vm9, $0x1, v2;
	v4 =	vadd.s32 v37, v4  }
0x100: {  	vm11 =	vgt.f32 v3, $-6.981316800e-01;
	v45 =	vsel vm10, $0x1, v2;
	v4 =	vadd.s32 v44, v4  }
0x101: {  	vm12 =	vgt.f32 v3, $3.490658400e-01;
	v46 =	vsel vm11, $0x1, v2;
	v4 =	vadd.s32 v45, v4  }
0x102: {  	vm13 =	vgt.f32 v3, $0.0e+00;
	v47 =	vsel vm12, $0x1, v2;
	v4 =	vadd.s32 v46, v4  }
0x103: {  	vm14 =	vgt.f32 v3, $1.047197580e+00;
	v48 =	vsel vm13, $0x1, v2;
	v4 =	vadd.s32 v47, v4  }
0x104: {  	vm15 =	vgt.f32 v3, $6.981316800e-01;
	v33 =	vsel vm14, $0x1, v2;
	v4 =	vadd.s32 v48, v4  }
0x105: {  	vm4 =	vgt.f32 v3, $1.745329260e+00;
	v34 =	vsel vm15, $0x1, v2;
	v4 =	vadd.s32 v33, v4  }
0x106: {  	vm5 =	vgt.f32 v3, $1.396263360e+00;
	v35 =	vsel vm4, $0x1, v2;
	v4 =	vadd.s32 v34, v4  }
0x107: {  	vm6 =	vgt.f32 v3, $2.443460940e+00;
	v36 =	vsel vm5, $0x1, v2;
	v4 =	vadd.s32 v35, v4  }
0x108: {  	vm7 =	vgt.f32 v3, $2.094395160e+00;
	v37 =	vsel vm6, $0x1, v2;
	v4 =	vadd.s32 v36, v4  }
0x109: {  	vm8 =	vgt.f32 v3, $2.792526720e+00;
	v44 =	vsel vm7, $0x1, v2;
	v3 =	vadd.s32 v37, v4  }
0x10a: {  	v45 =	vsel vm8, $0x1, v2;
	v3 =	vadd.s32 v44, v3  }
0x10b: {  	v3 =	vadd.s32 v45, v3  }
0x10c: {  	v3 =	vshll.u32 v3, $0x7  }
0x10d: {  	v46 =	vor.u32 v53, v3  }
0x10e: {  	v47 =	vadd.s32 v32, v3  }
0x10f: {  	v48 =	vadd.s32 v54, v3  }
0x110: {  	v55 =	vadd.s32 v55, v3  }
0x111: {  	v8 =	vadd.s32 v63, v3  }
0x112: {  	v56 =	vadd.s32 v56, v3;
	[tilespmem:v46+s2+$0x0] =	vst.idx.add.f32.msk $0xffff, v12  }
0x113: {  	v57 =	vadd.s32 v57, v3;
	[tilespmem:v47+s2+$0x0] =	vst.idx.add.f32.msk $0xffff, v13  }
0x114: {  	v58 =	vadd.s32 v58, v3;
	[tilespmem:v48+s2+$0x0] =	vst.idx.add.f32.msk $0xffff, v14  }
0x115: {  	v3 =	vadd.s32 v59, v3;
	[tilespmem:v55+s2+$0x0] =	vst.idx.add.f32.msk $0xffff, v15  }
0x116: {  	[tilespmem:v8+s2+$0x0] =	vst.idx.add.f32.msk $0xffff, v16  }
0x117: {  	[tilespmem:v56+s2+$0x0] =	vst.idx.add.f32.msk $0xffff, v17  }
0x118: {  	[tilespmem:v57+s2+$0x0] =	vst.idx.add.f32.msk $0xffff, v18  }
0x119: {  	[tilespmem:v58+s2+$0x0] =	vst.idx.add.f32.msk $0xffff, v19  }
0x11a: {  	[tilespmem:v3+s2+$0x0] =	vst.idx.add.f32.msk $0xffff, v11  }
0x11b: {  	v3 =	vld [tilespmem:s20+$0x280];
	_ =	sdelay $0x4  }
0x11c: {  	vm9 =	vgt.f32 v3, $-2.792526720e+00;
	vm10 =	vgt.f32 v3, $-2.443460940e+00  }
0x11d: {  	vm11 =	vgt.f32 v3, $-1.745329260e+00;
	v59 =	vsel vm9, $0x1, v2;
	v63 =	vsel vm10, $0x1, v2  }
0x11e: {  	vm12 =	vgt.f32 v3, $-2.094395160e+00;
	v33 =	vsel vm11, $0x1, v2;
	v4 =	vadd.s32 v63, v59  }
0x11f: {  	vm13 =	vgt.f32 v3, $-1.047197580e+00;
	v34 =	vsel vm12, $0x1, v2;
	v4 =	vadd.s32 v33, v4  }
0x120: {  	vm14 =	vgt.f32 v3, $-1.396263360e+00;
	v35 =	vsel vm13, $0x1, v2;
	v4 =	vadd.s32 v34, v4  }
0x121: {  	vm15 =	vgt.f32 v3, $-3.490658400e-01;
	v36 =	vsel vm14, $0x1, v2;
	v4 =	vadd.s32 v35, v4  }
0x122: {  	vm4 =	vgt.f32 v3, $-6.981316800e-01;
	v37 =	vsel vm15, $0x1, v2;
	v4 =	vadd.s32 v36, v4  }
0x123: {  	vm5 =	vgt.f32 v3, $3.490658400e-01;
	v44 =	vsel vm4, $0x1, v2;
	v4 =	vadd.s32 v37, v4  }
0x124: {  	vm6 =	vgt.f32 v3, $0.0e+00;
	v45 =	vsel vm5, $0x1, v2;
	v4 =	vadd.s32 v44, v4  }
0x125: {  	vm7 =	vgt.f32 v3, $1.047197580e+00;
	v46 =	vsel vm6, $0x1, v2;
	v4 =	vadd.s32 v45, v4  }
0x126: {  	vm8 =	vgt.f32 v3, $6.981316800e-01;
	v47 =	vsel vm7, $0x1, v2;
	v4 =	vadd.s32 v46, v4  }
0x127: {  	v48 =	vsel vm8, $0x1, v2;
	vm9 =	vgt.f32 v3, $1.745329260e+00;
	v4 =	vadd.s32 v47, v4  }
0x128: {  	vm10 =	vgt.f32 v3, $1.396263360e+00;
	v55 =	vsel vm9, $0x1, v2;
	v4 =	vadd.s32 v48, v4  }
0x129: {  	vm11 =	vgt.f32 v3, $2.443460940e+00;
	v56 =	vsel vm10, $0x1, v2;
	v4 =	vadd.s32 v55, v4  }
0x12a: {  	vm12 =	vgt.f32 v3, $2.094395160e+00;
	v57 =	vsel vm11, $0x1, v2;
	v4 =	vadd.s32 v56, v4  }
0x12b: {  	vm13 =	vgt.f32 v3, $2.792526720e+00;
	v58 =	vsel vm12, $0x1, v2;
	v3 =	vadd.s32 v57, v4  }
0x12c: {  	v59 =	vsel vm13, $0x1, v2;
	v3 =	vadd.s32 v58, v3  }
0x12d: {  	v34 =	vld [tilespmem:$0x1FDA0];
	v3 =	vadd.s32 v59, v3  }
0x12e: {  	v56 =	vld [tilespmem:$0x1FDB0];
	v3 =	vshll.u32 v3, $0x7  }
0x12f: {  	v44 =	vld [tilespmem:$0x1FDC0];
	v63 =	vor.u32 v60, v3  }
0x130: {  	v45 =	vld [tilespmem:$0x1FDD0];
	v36 =	vadd.s32 v61, v3  }
0x131: {  	v35 =	vld [tilespmem:$0x1FDE0];
	v37 =	vadd.s32 v62, v3  }
0x132: {  	v46 =	vld [tilespmem:$0x1FDF0];
	v48 =	vadd.s32 v34, v3  }
0x133: {  	v8 =	vadd.s32 v56, v3  }
0x134: {  	v57 =	vadd.s32 v44, v3;
	[tilespmem:v63+s2+$0x0] =	vst.idx.add.f32.msk $0xffff, v12  }
0x135: {  	v58 =	vadd.s32 v45, v3;
	[tilespmem:v36+s2+$0x0] =	vst.idx.add.f32.msk $0xffff, v13  }
0x136: {  	v59 =	vadd.s32 v35, v3;
	[tilespmem:v37+s2+$0x0] =	vst.idx.add.f32.msk $0xffff, v14  }
0x137: {  	v3 =	vadd.s32 v46, v3;
	[tilespmem:v48+s2+$0x0] =	vst.idx.add.f32.msk $0xffff, v15  }
0x138: {  	[tilespmem:v8+s2+$0x0] =	vst.idx.add.f32.msk $0xffff, v16  }
0x139: {  	[tilespmem:v57+s2+$0x0] =	vst.idx.add.f32.msk $0xffff, v17  }
0x13a: {  	[tilespmem:v58+s2+$0x0] =	vst.idx.add.f32.msk $0xffff, v18  }
0x13b: {  	[tilespmem:v59+s2+$0x0] =	vst.idx.add.f32.msk $0xffff, v19  }
0x13c: {  	[tilespmem:v3+s2+$0x0] =	vst.idx.add.f32.msk $0xffff, v11  }
0x13d: {  	v3 =	vld [tilespmem:s25+$0x0];
	_ =	sdelay $0x4  }
0x13e: {  	vm14 =	vgt.f32 v3, $-2.792526720e+00;
	vm15 =	vgt.f32 v3, $-2.443460940e+00  }
0x13f: {  	vm4 =	vgt.f32 v3, $-1.745329260e+00;
	v63 =	vsel vm14, $0x1, v2;
	v33 =	vsel vm15, $0x1, v2  }
0x140: {  	vm5 =	vgt.f32 v3, $-2.094395160e+00;
	v36 =	vsel vm4, $0x1, v2;
	v4 =	vadd.s32 v33, v63  }
0x141: {  	vm6 =	vgt.f32 v3, $-1.047197580e+00;
	v37 =	vsel vm5, $0x1, v2;
	v4 =	vadd.s32 v36, v4  }
0x142: {  	vm7 =	vgt.f32 v3, $-1.396263360e+00;
	v47 =	vsel vm6, $0x1, v2;
	v4 =	vadd.s32 v37, v4  }
0x143: {  	vm8 =	vgt.f32 v3, $-3.490658400e-01;
	v48 =	vsel vm7, $0x1, v2;
	v4 =	vadd.s32 v47, v4  }
0x144: {  	vm9 =	vgt.f32 v3, $-6.981316800e-01;
	v55 =	vsel vm8, $0x1, v2;
	v4 =	vadd.s32 v48, v4  }
0x145: {  	vm10 =	vgt.f32 v3, $3.490658400e-01;
	v57 =	vsel vm9, $0x1, v2;
	v4 =	vadd.s32 v55, v4  }
0x146: {  	vm11 =	vgt.f32 v3, $0.0e+00;
	v58 =	vsel vm10, $0x1, v2;
	v4 =	vadd.s32 v57, v4  }
0x147: {  	vm12 =	vgt.f32 v3, $1.047197580e+00;
	v59 =	vsel vm11, $0x1, v2;
	v4 =	vadd.s32 v58, v4  }
0x148: {  	vm13 =	vgt.f32 v3, $6.981316800e-01;
	v63 =	vsel vm12, $0x1, v2;
	v4 =	vadd.s32 v59, v4  }
0x149: {  	vm14 =	vgt.f32 v3, $1.745329260e+00;
	v33 =	vsel vm13, $0x1, v2;
	v4 =	vadd.s32 v63, v4  }
0x14a: {  	vm15 =	vgt.f32 v3, $1.396263360e+00;
	v36 =	vsel vm14, $0x1, v2;
	v4 =	vadd.s32 v33, v4  }
0x14b: {  	vm4 =	vgt.f32 v3, $2.443460940e+00;
	v37 =	vsel vm15, $0x1, v2;
	v4 =	vadd.s32 v36, v4  }
0x14c: {  	vm5 =	vgt.f32 v3, $2.094395160e+00;
	v47 =	vsel vm4, $0x1, v2;
	v36 =	vld [tilespmem:$0x1FE00];
	v4 =	vadd.s32 v37, v4  }
0x14d: {  	vm6 =	vgt.f32 v3, $2.792526720e+00;
	v48 =	vsel vm5, $0x1, v2;
	v3 =	vadd.s32 v47, v4  }
0x14e: {  	v55 =	vsel vm6, $0x1, v2;
	v3 =	vadd.s32 v48, v3  }
0x14f: {  	v3 =	vadd.s32 v55, v3  }
0x150: {  	v5 =	vshll.u32 v3, $0x7  }
0x151: {  	v33 =	vld [tilespmem:$0x1FE50];
	v3 =	vor.u32 v36, v5  }
0x152: {  	v37 =	vld [tilespmem:$0x1FE10]  }
0x153: {  	v47 =	vld [tilespmem:$0x1FE20]  }
0x154: {  	v48 =	vld [tilespmem:$0x1FE30]  }
0x155: {  	v55 =	vld [tilespmem:$0x1FE40]  }
0x156: {  	[tilespmem:v3+s2+$0x0] =	vst.idx.add.f32.msk $0xffff, v12  }
0x157: {  	v57 =	vadd.s32 v37, v5;
	v3 =	vld [tilespmem:$0x1FE60]  }
0x158: {  	v58 =	vadd.s32 v47, v5  }
0x159: {  	v59 =	vadd.s32 v48, v5  }
0x15a: {  	v8 =	vadd.s32 v55, v5  }
0x15b: {  	v9 =	vadd.s32 v33, v5  }
0x15c: {  	v63 =	vor.u32 $0x3F60, v0;
	[tilespmem:v57+s2+$0x0] =	vst.idx.add.f32.msk $0xffff, v13;
	v10 =	vadd.s32 v3, v5  }
0x15d: {  	v4 =	vor.u32 $0x4860, v0;
	v57 =	vadd.s32 v63, v5;
	[tilespmem:v58+s2+$0x0] =	vst.idx.add.f32.msk $0xffff, v14  }
0x15e: {  	[tilespmem:v59+s2+$0x0] =	vst.idx.add.f32.msk $0xffff, v15;
	v5 =	vadd.s32 v4, v5  }
0x15f: {  	[tilespmem:v8+s2+$0x0] =	vst.idx.add.f32.msk $0xffff, v16  }
0x160: {  	[tilespmem:v9+s2+$0x0] =	vst.idx.add.f32.msk $0xffff, v17  }
0x161: {  	[tilespmem:v10+s2+$0x0] =	vst.idx.add.f32.msk $0xffff, v18  }
0x162: {  	[tilespmem:v57+s2+$0x0] =	vst.idx.add.f32.msk $0xffff, v19  }
0x163: {  	[tilespmem:v5+s2+$0x0] =	vst.idx.add.f32.msk $0xffff, v11  }
0x164: {  	v5 =	vld [tilespmem:s23+$0x0];
	_ =	sdelay $0x4  }
0x165: {  	vm7 =	vgt.f32 v5, $-2.792526720e+00;
	vm8 =	vgt.f32 v5, $-2.443460940e+00  }
0x166: {  	vm9 =	vgt.f32 v5, $-1.745329260e+00;
	v58 =	vsel vm7, $0x1, v2;
	v59 =	vsel vm8, $0x1, v2  }
0x167: {  	vm10 =	vgt.f32 v5, $-2.094395160e+00;
	v8 =	vsel vm9, $0x1, v2;
	v6 =	vadd.s32 v59, v58  }
0x168: {  	vm11 =	vgt.f32 v5, $-1.047197580e+00;
	v57 =	vsel vm10, $0x1, v2;
	v6 =	vadd.s32 v8, v6  }
0x169: {  	vm12 =	vgt.f32 v5, $-1.396263360e+00;
	v8 =	vsel vm11, $0x1, v2;
	v6 =	vadd.s32 v57, v6  }
0x16a: {  	vm13 =	vgt.f32 v5, $-3.490658400e-01;
	v58 =	vsel vm12, $0x1, v2;
	v6 =	vadd.s32 v8, v6  }
0x16b: {  	vm14 =	vgt.f32 v5, $-6.981316800e-01;
	v8 =	vsel vm13, $0x1, v2;
	v6 =	vadd.s32 v58, v6  }
0x16c: {  	vm15 =	vgt.f32 v5, $3.490658400e-01;
	v59 =	vsel vm14, $0x1, v2;
	v6 =	vadd.s32 v8, v6  }
0x16d: {  	vm4 =	vgt.f32 v5, $0.0e+00;
	v8 =	vsel vm15, $0x1, v2;
	v6 =	vadd.s32 v59, v6  }
0x16e: {  	vm5 =	vgt.f32 v5, $1.047197580e+00;
	v57 =	vsel vm4, $0x1, v2;
	v6 =	vadd.s32 v8, v6  }
0x16f: {  	vm6 =	vgt.f32 v5, $6.981316800e-01;
	v8 =	vsel vm5, $0x1, v2;
	v6 =	vadd.s32 v57, v6  }
0x170: {  	vm7 =	vgt.f32 v5, $1.745329260e+00;
	v58 =	vsel vm6, $0x1, v2;
	v6 =	vadd.s32 v8, v6  }
0x171: {  	vm8 =	vgt.f32 v5, $1.396263360e+00;
	v8 =	vsel vm7, $0x1, v2;
	v6 =	vadd.s32 v58, v6  }
0x172: {  	vm9 =	vgt.f32 v5, $2.443460940e+00;
	v59 =	vsel vm8, $0x1, v2;
	v6 =	vadd.s32 v8, v6  }
0x173: {  	vm10 =	vgt.f32 v5, $2.094395160e+00;
	v8 =	vsel vm9, $0x1, v2;
	v6 =	vadd.s32 v59, v6  }
0x174: {  	vm11 =	vgt.f32 v5, $2.792526720e+00;
	v57 =	vsel vm10, $0x1, v2;
	v58 =	vadd.s32 v8, v6  }
0x175: {  	v59 =	vsel vm11, $0x1, v2;
	v5 =	vadd.s32 v57, v58  }
0x176: {  	v0 =	vlaneseq.u32;
	v5 =	vadd.s32 v59, v5  }
0x177: {  	v59 =	vor.u32 $0x70, v0;
	v20 =	vshll.u32 v5, $0x7  }
0x178: {  	v58 =	vor.u32 $0x970, v0;
	v21 =	vor.u32 v59, v20  }
0x179: {  	v57 =	vor.u32 $0x1270, v0;
	v22 =	vadd.s32 v58, v20  }
0x17a: {  	v7 =	vmovc v49;
	v49 =	vmovc v38;
	v38 =	vmov v23;
	v8 =	vor.u32 $0x1B70, v0;
	v23 =	vadd.s32 v57, v20  }
0x17b: {  	v9 =	vor.u32 $0x2470, v0;
	v6 =	vmovc v50;
	v50 =	vmovc v39;
	v39 =	vmov v24;
	v24 =	vadd.s32 v8, v20  }
0x17c: {  	v10 =	vor.u32 $0x2D70, v0;
	v5 =	vmovc v51;
	v51 =	vmovc v40;
	v40 =	vmov v25;
	v25 =	vadd.s32 v9, v20  }
0x17d: {  	[tilespmem:v21+s2+$0x0] =	vst.idx.add.f32.msk $0xffff, v12;
	v21 =	vadd.s32 v10, v20;
	v12 =	vor.u32 $0x3670, v0  }
0x17e: {  	[tilespmem:v22+s2+$0x0] =	vst.idx.add.f32.msk $0xffff, v13;
	v22 =	vadd.s32 v12, v20;
	v13 =	vor.u32 $0x3F70, v0  }
0x17f: {  	[tilespmem:v23+s2+$0x0] =	vst.idx.add.f32.msk $0xffff, v14;
	v23 =	vadd.s32 v13, v20;
	v14 =	vor.u32 $0x4870, v0  }
0x180: {  	[tilespmem:v24+s2+$0x0] =	vst.idx.add.f32.msk $0xffff, v15;
	v15 =	vadd.s32 v14, v20  }
0x181: {  	[tilespmem:v25+s2+$0x0] =	vst.idx.add.f32.msk $0xffff, v16  }
0x182: {  	[tilespmem:v21+s2+$0x0] =	vst.idx.add.f32.msk $0xffff, v17  }
0x183: {  	[tilespmem:v22+s2+$0x0] =	vst.idx.add.f32.msk $0xffff, v18  }
0x184: {  	[tilespmem:v23+s2+$0x0] =	vst.idx.add.f32.msk $0xffff, v19  }
0x185: {  	[tilespmem:v15+s2+$0x0] =	vst.idx.add.f32.msk $0xffff, v11  }
0x186: {  	v15 =	vld [tilespmem:s20+$0x10];
	_ =	sdelay $0x4  }
0x187: {  	vm12 =	vgt.f32 v15, $-2.792526720e+00;
	vm13 =	vgt.f32 v15, $-2.443460940e+00  }
0x188: {  	vm14 =	vgt.f32 v15, $-1.745329260e+00;
	v16 =	vsel vm12, $0x1, v2;
	v17 =	vsel vm13, $0x1, v2  }
0x189: {  	vm15 =	vgt.f32 v15, $-2.094395160e+00;
	v18 =	vsel vm14, $0x1, v2;
	v16 =	vadd.s32 v17, v16  }
0x18a: {  	vm4 =	vgt.f32 v15, $-1.047197580e+00;
	v17 =	vsel vm15, $0x1, v2;
	v16 =	vadd.s32 v18, v16  }
0x18b: {  	vm5 =	vgt.f32 v15, $-1.396263360e+00;
	v18 =	vsel vm4, $0x1, v2;
	v16 =	vadd.s32 v17, v16  }
0x18c: {  	vm6 =	vgt.f32 v15, $-3.490658400e-01;
	v17 =	vsel vm5, $0x1, v2;
	v16 =	vadd.s32 v18, v16  }
0x18d: {  	vm7 =	vgt.f32 v15, $-6.981316800e-01;
	v18 =	vsel vm6, $0x1, v2;
	v16 =	vadd.s32 v17, v16  }
0x18e: {  	vm8 =	vgt.f32 v15, $3.490658400e-01;
	v17 =	vsel vm7, $0x1, v2;
	v16 =	vadd.s32 v18, v16  }
0x18f: {  	vm9 =	vgt.f32 v15, $0.0e+00;
	v18 =	vsel vm8, $0x1, v2;
	v16 =	vadd.s32 v17, v16  }
0x190: {  	vm10 =	vgt.f32 v15, $1.047197580e+00;
	v17 =	vsel vm9, $0x1, v2;
	v16 =	vadd.s32 v18, v16  }
0x191: {  	vm11 =	vgt.f32 v15, $6.981316800e-01;
	v18 =	vsel vm10, $0x1, v2;
	v16 =	vadd.s32 v17, v16  }
0x192: {  	vm12 =	vgt.f32 v15, $1.745329260e+00;
	v17 =	vsel vm11, $0x1, v2;
	v16 =	vadd.s32 v18, v16  }
0x193: {  	vm13 =	vgt.f32 v15, $1.396263360e+00;
	v18 =	vsel vm12, $0x1, v2;
	v16 =	vadd.s32 v17, v16  }
0x194: {  	vm14 =	vgt.f32 v15, $2.443460940e+00;
	v17 =	vsel vm13, $0x1, v2;
	v16 =	vadd.s32 v18, v16  }
0x195: {  	vm15 =	vgt.f32 v15, $2.094395160e+00;
	v18 =	vsel vm14, $0x1, v2;
	v16 =	vadd.s32 v17, v16  }
0x196: {  	s21 =	sadd.s32 $0x10, s21;
	v19 =	vld [tilespmem:s20+$0x2210];
	vm4 =	vgt.f32 v15, $2.792526720e+00;
	v17 =	vsel vm15, $0x1, v2;
	v16 =	vadd.s32 v18, v16  }
0x197: {  	s25 =	sor.u32 $0x300, s21;
	v20 =	vld [tilespmem:s20+$0x2290];
	v18 =	vsel vm4, $0x1, v2;
	v17 =	vadd.s32 v17, v16  }
0x198: {  	s21 =	sor.u32 $0x380, s21;
	v21 =	vld [tilespmem:s25+$0x2000];
	v18 =	vadd.s32 v18, v17  }
0x199: {  	v22 =	vld [tilespmem:s21+$0x2000];
	v23 =	vshll.u32 v18, $0x7  }
0x19a: {  	v15 =	vld [tilespmem:s20+$0x2010];
	v24 =	vor.u32 v0, v23  }
0x19b: {  	v0 =	vld [tilespmem:$0x1FFA0]  }
0x19c: {  	v16 =	vld [tilespmem:s20+$0x2090]  }
0x19d: {  	v17 =	vld [tilespmem:s20+$0x2110]  }
0x19e: {  	v18 =	vld [tilespmem:s20+$0x2190]  }
0x19f: {  	v25 =	vadd.s32 v26, v23;
	[tilespmem:v24+s2+$0x0] =	vst.idx.add.f32.msk $0xffff, v15  }
0x1a0: {  	v24 =	vadd.s32 v0, v23;
	v0 =	vld [tilespmem:$0x1FFF0];
	_ =	sdelay $0x3  }
0x1a1: {  	v26 =	vadd.s32 v27, v23;
	[tilespmem:v25+s2+$0x0] =	vst.idx.add.f32.msk $0xffff, v16  }
0x1a2: {  	v25 =	vadd.s32 v0, v23;
	v0 =	vld [tilespmem:$0x1FFC0]  }
0x1a3: {  	v27 =	vadd.s32 v28, v23;
	v28 =	vld [tilespmem:$0x1FE70];
	_ =	sdelay $0x2  }
0x1a4: {  	[tilespmem:v26+s2+$0x0] =	vst.idx.add.f32.msk $0xffff, v17  }
0x1a5: {  	v26 =	vadd.s32 v0, v23;
	v0 =	vld [tilespmem:$0x1FFD0]  }
0x1a6: {  	v28 =	vadd.s32 v28, v23;
	_ =	sdelay $0x3  }
0x1a7: {  	[tilespmem:v27+s2+$0x0] =	vst.idx.add.f32.msk $0xffff, v18;
	v23 =	vadd.s32 v0, v23  }
0x1a8: {  	[tilespmem:v28+s2+$0x0] =	vst.idx.add.f32.msk $0xffff, v19  }
0x1a9: {  	[tilespmem:v24+s2+$0x0] =	vst.idx.add.f32.msk $0xffff, v20  }
0x1aa: {  	[tilespmem:v25+s2+$0x0] =	vst.idx.add.f32.msk $0xffff, v21  }
0x1ab: {  	[tilespmem:v26+s2+$0x0] =	vst.idx.add.f32.msk $0xffff, v22  }
0x1ac: {  	[tilespmem:v23+s2+$0x0] =	vst.idx.add.f32.msk $0xffff, v11  }
0x1ad: {  	v23 =	vld [tilespmem:s20+$0x90];
	_ =	sdelay $0x4  }
0x1ae: {  	vm5 =	vgt.f32 v23, $-2.792526720e+00;
	vm6 =	vgt.f32 v23, $-2.443460940e+00  }
0x1af: {  	vm7 =	vgt.f32 v23, $-1.745329260e+00;
	v24 =	vsel vm5, $0x1, v2;
	v25 =	vsel vm6, $0x1, v2  }
0x1b0: {  	vm8 =	vgt.f32 v23, $-2.094395160e+00;
	v26 =	vsel vm7, $0x1, v2;
	v24 =	vadd.s32 v25, v24  }
0x1b1: {  	vm9 =	vgt.f32 v23, $-1.047197580e+00;
	v25 =	vsel vm8, $0x1, v2;
	v24 =	vadd.s32 v26, v24  }
0x1b2: {  	vm10 =	vgt.f32 v23, $-1.396263360e+00;
	v26 =	vsel vm9, $0x1, v2;
	v24 =	vadd.s32 v25, v24  }
0x1b3: {  	vm11 =	vgt.f32 v23, $-3.490658400e-01;
	v25 =	vsel vm10, $0x1, v2;
	v24 =	vadd.s32 v26, v24  }
0x1b4: {  	vm12 =	vgt.f32 v23, $-6.981316800e-01;
	v26 =	vsel vm11, $0x1, v2;
	v24 =	vadd.s32 v25, v24  }
0x1b5: {  	vm13 =	vgt.f32 v23, $3.490658400e-01;
	v25 =	vsel vm12, $0x1, v2;
	v24 =	vadd.s32 v26, v24  }
0x1b6: {  	vm14 =	vgt.f32 v23, $0.0e+00;
	v26 =	vsel vm13, $0x1, v2;
	v24 =	vadd.s32 v25, v24  }
0x1b7: {  	vm15 =	vgt.f32 v23, $1.047197580e+00;
	v25 =	vsel vm14, $0x1, v2;
	v24 =	vadd.s32 v26, v24  }
0x1b8: {  	vm4 =	vgt.f32 v23, $6.981316800e-01;
	v26 =	vsel vm15, $0x1, v2;
	v24 =	vadd.s32 v25, v24  }
0x1b9: {  	vm5 =	vgt.f32 v23, $1.745329260e+00;
	v25 =	vsel vm4, $0x1, v2;
	v24 =	vadd.s32 v26, v24  }
0x1ba: {  	vm6 =	vgt.f32 v23, $1.396263360e+00;
	v26 =	vsel vm5, $0x1, v2;
	v24 =	vadd.s32 v25, v24  }
0x1bb: {  	vm7 =	vgt.f32 v23, $2.443460940e+00;
	v25 =	vsel vm6, $0x1, v2;
	v24 =	vadd.s32 v26, v24  }
0x1bc: {  	v0 =	vld [tilespmem:$0x1FFE0];
	vm8 =	vgt.f32 v23, $2.094395160e+00;
	v26 =	vsel vm7, $0x1, v2;
	v24 =	vadd.s32 v25, v24  }
0x1bd: {  	vm9 =	vgt.f32 v23, $2.792526720e+00;
	v25 =	vsel vm8, $0x1, v2;
	v23 =	vadd.s32 v26, v24  }
0x1be: {  	v24 =	vsel vm9, $0x1, v2;
	v23 =	vadd.s32 v25, v23  }
0x1bf: {  	v23 =	vadd.s32 v24, v23  }
0x1c0: {  	v23 =	vshll.u32 v23, $0x7  }
0x1c1: {  	v24 =	vor.u32 v0, v23  }
0x1c2: {  	v25 =	vadd.s32 v38, v23  }
0x1c3: {  	v26 =	vadd.s32 v39, v23  }
0x1c4: {  	v0 =	vld [tilespmem:$0x1FF30];
	_ =	sdelay $0x1  }
0x1c5: {  	[tilespmem:v24+s2+$0x0] =	vst.idx.add.f32.msk $0xffff, v15  }
0x1c6: {  	[tilespmem:v25+s2+$0x0] =	vst.idx.add.f32.msk $0xffff, v16  }
0x1c7: {  	[tilespmem:v26+s2+$0x0] =	vst.idx.add.f32.msk $0xffff, v17  }
0x1c8: {  	v27 =	vadd.s32 v40, v23;
	v26 =	vadd.s32 v0, v23;
	v0 =	vld [tilespmem:$0x1FF10]  }
0x1c9: {  	v28 =	vadd.s32 v29, v23  }
0x1ca: {  	v24 =	vadd.s32 v30, v23  }
0x1cb: {  	v25 =	vadd.s32 v31, v23;
	_ =	sdelay $0x1  }
0x1cc: {  	[tilespmem:v27+s2+$0x0] =	vst.idx.add.f32.msk $0xffff, v18;
	v23 =	vadd.s32 v0, v23  }
0x1cd: {  	[tilespmem:v28+s2+$0x0] =	vst.idx.add.f32.msk $0xffff, v19  }
0x1ce: {  	[tilespmem:v24+s2+$0x0] =	vst.idx.add.f32.msk $0xffff, v20  }
0x1cf: {  	[tilespmem:v25+s2+$0x0] =	vst.idx.add.f32.msk $0xffff, v21  }
0x1d0: {  	[tilespmem:v26+s2+$0x0] =	vst.idx.add.f32.msk $0xffff, v22  }
0x1d1: {  	[tilespmem:v23+s2+$0x0] =	vst.idx.add.f32.msk $0xffff, v11  }
0x1d2: {  	v23 =	vld [tilespmem:s20+$0x110];
	_ =	sdelay $0x4  }
0x1d3: {  	vm10 =	vgt.f32 v23, $-2.792526720e+00;
	vm11 =	vgt.f32 v23, $-2.443460940e+00  }
0x1d4: {  	vm12 =	vgt.f32 v23, $-1.745329260e+00;
	v24 =	vsel vm10, $0x1, v2;
	v25 =	vsel vm11, $0x1, v2  }
0x1d5: {  	vm13 =	vgt.f32 v23, $-2.094395160e+00;
	v26 =	vsel vm12, $0x1, v2;
	v24 =	vadd.s32 v25, v24  }
0x1d6: {  	vm14 =	vgt.f32 v23, $-1.047197580e+00;
	v25 =	vsel vm13, $0x1, v2;
	v24 =	vadd.s32 v26, v24  }
0x1d7: {  	vm15 =	vgt.f32 v23, $-1.396263360e+00;
	v26 =	vsel vm14, $0x1, v2;
	v24 =	vadd.s32 v25, v24  }
0x1d8: {  	vm4 =	vgt.f32 v23, $-3.490658400e-01;
	v25 =	vsel vm15, $0x1, v2;
	v24 =	vadd.s32 v26, v24  }
0x1d9: {  	vm5 =	vgt.f32 v23, $-6.981316800e-01;
	v26 =	vsel vm4, $0x1, v2;
	v24 =	vadd.s32 v25, v24  }
0x1da: {  	vm6 =	vgt.f32 v23, $3.490658400e-01;
	v25 =	vsel vm5, $0x1, v2;
	v24 =	vadd.s32 v26, v24  }
0x1db: {  	vm7 =	vgt.f32 v23, $0.0e+00;
	v26 =	vsel vm6, $0x1, v2;
	v24 =	vadd.s32 v25, v24  }
0x1dc: {  	vm8 =	vgt.f32 v23, $1.047197580e+00;
	v25 =	vsel vm7, $0x1, v2;
	v24 =	vadd.s32 v26, v24  }
0x1dd: {  	vm9 =	vgt.f32 v23, $6.981316800e-01;
	v26 =	vsel vm8, $0x1, v2;
	v24 =	vadd.s32 v25, v24  }
0x1de: {  	vm10 =	vgt.f32 v23, $1.745329260e+00;
	v25 =	vsel vm9, $0x1, v2;
	v24 =	vadd.s32 v26, v24  }
0x1df: {  	vm11 =	vgt.f32 v23, $1.396263360e+00;
	v26 =	vsel vm10, $0x1, v2;
	v24 =	vadd.s32 v25, v24  }
0x1e0: {  	vm12 =	vgt.f32 v23, $2.443460940e+00;
	v25 =	vsel vm11, $0x1, v2;
	v24 =	vadd.s32 v26, v24  }
0x1e1: {  	v0 =	vld [tilespmem:$0x1FF60];
	vm13 =	vgt.f32 v23, $2.094395160e+00;
	v26 =	vsel vm12, $0x1, v2;
	v24 =	vadd.s32 v25, v24  }
0x1e2: {  	vm14 =	vgt.f32 v23, $2.792526720e+00;
	v25 =	vsel vm13, $0x1, v2;
	v23 =	vadd.s32 v26, v24  }
0x1e3: {  	v24 =	vsel vm14, $0x1, v2;
	v23 =	vadd.s32 v25, v23  }
0x1e4: {  	v23 =	vadd.s32 v24, v23  }
0x1e5: {  	v23 =	vshll.u32 v23, $0x7  }
0x1e6: {  	v24 =	vor.u32 v0, v23;
	v0 =	vld [tilespmem:$0x1FF80];
	_ =	sdelay $0x4  }
0x1e7: {  	v25 =	vadd.s32 v0, v23;
	v0 =	vld [tilespmem:$0x1FF90];
	_ =	sdelay $0x4  }
0x1e8: {  	v26 =	vadd.s32 v0, v23  }
0x1e9: {  	v27 =	vadd.s32 v49, v23  }
0x1ea: {  	v28 =	vadd.s32 v50, v23  }
0x1eb: {  	[tilespmem:v24+s2+$0x0] =	vst.idx.add.f32.msk $0xffff, v15;
	v24 =	vadd.s32 v51, v23  }
0x1ec: {  	[tilespmem:v25+s2+$0x0] =	vst.idx.add.f32.msk $0xffff, v16;
	v25 =	vadd.s32 v41, v23  }
0x1ed: {  	[tilespmem:v26+s2+$0x0] =	vst.idx.add.f32.msk $0xffff, v17;
	v26 =	vadd.s32 v42, v23  }
0x1ee: {  	v23 =	vadd.s32 v43, v23;
	[tilespmem:v27+s2+$0x0] =	vst.idx.add.f32.msk $0xffff, v18  }
0x1ef: {  	[tilespmem:v28+s2+$0x0] =	vst.idx.add.f32.msk $0xffff, v19  }
0x1f0: {  	[tilespmem:v24+s2+$0x0] =	vst.idx.add.f32.msk $0xffff, v20  }
0x1f1: {  	[tilespmem:v25+s2+$0x0] =	vst.idx.add.f32.msk $0xffff, v21  }
0x1f2: {  	[tilespmem:v26+s2+$0x0] =	vst.idx.add.f32.msk $0xffff, v22  }
0x1f3: {  	[tilespmem:v23+s2+$0x0] =	vst.idx.add.f32.msk $0xffff, v11  }
0x1f4: {  	v23 =	vld [tilespmem:s20+$0x190];
	_ =	sdelay $0x4  }
0x1f5: {  	vm15 =	vgt.f32 v23, $-2.792526720e+00;
	vm4 =	vgt.f32 v23, $-2.443460940e+00  }
0x1f6: {  	vm5 =	vgt.f32 v23, $-1.745329260e+00;
	v24 =	vsel vm15, $0x1, v2;
	v25 =	vsel vm4, $0x1, v2  }
0x1f7: {  	vm6 =	vgt.f32 v23, $-2.094395160e+00;
	v26 =	vsel vm5, $0x1, v2;
	v24 =	vadd.s32 v25, v24  }
0x1f8: {  	vm7 =	vgt.f32 v23, $-1.047197580e+00;
	v25 =	vsel vm6, $0x1, v2;
	v24 =	vadd.s32 v26, v24  }
0x1f9: {  	vm8 =	vgt.f32 v23, $-1.396263360e+00;
	v26 =	vsel vm7, $0x1, v2;
	v24 =	vadd.s32 v25, v24  }
0x1fa: {  	vm9 =	vgt.f32 v23, $-3.490658400e-01;
	v25 =	vsel vm8, $0x1, v2;
	v24 =	vadd.s32 v26, v24  }
0x1fb: {  	vm10 =	vgt.f32 v23, $-6.981316800e-01;
	v26 =	vsel vm9, $0x1, v2;
	v24 =	vadd.s32 v25, v24  }
0x1fc: {  	vm11 =	vgt.f32 v23, $3.490658400e-01;
	v25 =	vsel vm10, $0x1, v2;
	v24 =	vadd.s32 v26, v24  }
0x1fd: {  	vm12 =	vgt.f32 v23, $0.0e+00;
	v26 =	vsel vm11, $0x1, v2;
	v24 =	vadd.s32 v25, v24  }
0x1fe: {  	vm13 =	vgt.f32 v23, $1.047197580e+00;
	v25 =	vsel vm12, $0x1, v2;
	v24 =	vadd.s32 v26, v24  }
0x1ff: {  	vm14 =	vgt.f32 v23, $6.981316800e-01;
	v26 =	vsel vm13, $0x1, v2;
	v24 =	vadd.s32 v25, v24  }
0x200: {  	vm15 =	vgt.f32 v23, $1.745329260e+00;
	v25 =	vsel vm14, $0x1, v2;
	v24 =	vadd.s32 v26, v24  }
0x201: {  	vm4 =	vgt.f32 v23, $1.396263360e+00;
	v26 =	vsel vm15, $0x1, v2;
	v24 =	vadd.s32 v25, v24  }
0x202: {  	vm5 =	vgt.f32 v23, $2.443460940e+00;
	v25 =	vsel vm4, $0x1, v2;
	v24 =	vadd.s32 v26, v24  }
0x203: {  	v0 =	vld [tilespmem:$0x1FF00];
	vm6 =	vgt.f32 v23, $2.094395160e+00;
	v26 =	vsel vm5, $0x1, v2;
	v24 =	vadd.s32 v25, v24  }
0x204: {  	vm7 =	vgt.f32 v23, $2.792526720e+00;
	v25 =	vsel vm6, $0x1, v2;
	v23 =	vadd.s32 v26, v24  }
0x205: {  	v24 =	vsel vm7, $0x1, v2;
	v23 =	vadd.s32 v25, v23  }
0x206: {  	v23 =	vadd.s32 v24, v23  }
0x207: {  	v23 =	vshll.u32 v23, $0x7  }
0x208: {  	v24 =	vor.u32 v0, v23;
	v0 =	vld [tilespmem:$0x1FF50];
	_ =	sdelay $0x4  }
0x209: {  	v25 =	vadd.s32 v0, v23;
	v0 =	vld [tilespmem:$0x1FF20];
	_ =	sdelay $0x4  }
0x20a: {  	v26 =	vadd.s32 v0, v23;
	v0 =	vld [tilespmem:$0x1FF40];
	_ =	sdelay $0x4  }
0x20b: {  	v27 =	vadd.s32 v0, v23;
	v0 =	vld [tilespmem:$0x1FF70];
	_ =	sdelay $0x4  }
0x20c: {  	v28 =	vadd.s32 v0, v23  }
0x20d: {  	[tilespmem:v24+s2+$0x0] =	vst.idx.add.f32.msk $0xffff, v15;
	v24 =	vadd.s32 v7, v23  }
0x20e: {  	[tilespmem:v25+s2+$0x0] =	vst.idx.add.f32.msk $0xffff, v16;
	v25 =	vadd.s32 v6, v23  }
0x20f: {  	[tilespmem:v26+s2+$0x0] =	vst.idx.add.f32.msk $0xffff, v17;
	v26 =	vadd.s32 v5, v23  }
0x210: {  	[tilespmem:v27+s2+$0x0] =	vst.idx.add.f32.msk $0xffff, v18;
	v23 =	vadd.s32 v52, v23  }
0x211: {  	[tilespmem:v28+s2+$0x0] =	vst.idx.add.f32.msk $0xffff, v19  }
0x212: {  	[tilespmem:v24+s2+$0x0] =	vst.idx.add.f32.msk $0xffff, v20  }
0x213: {  	[tilespmem:v25+s2+$0x0] =	vst.idx.add.f32.msk $0xffff, v21  }
0x214: {  	[tilespmem:v26+s2+$0x0] =	vst.idx.add.f32.msk $0xffff, v22  }
0x215: {  	[tilespmem:v23+s2+$0x0] =	vst.idx.add.f32.msk $0xffff, v11  }
0x216: {  	v23 =	vld [tilespmem:s20+$0x210];
	_ =	sdelay $0x4  }
0x217: {  	vm8 =	vgt.f32 v23, $-2.792526720e+00;
	vm9 =	vgt.f32 v23, $-2.443460940e+00  }
0x218: {  	vm10 =	vgt.f32 v23, $-1.745329260e+00;
	v24 =	vsel vm8, $0x1, v2;
	v25 =	vsel vm9, $0x1, v2  }
0x219: {  	vm11 =	vgt.f32 v23, $-2.094395160e+00;
	v26 =	vsel vm10, $0x1, v2;
	v24 =	vadd.s32 v25, v24  }
0x21a: {  	vm12 =	vgt.f32 v23, $-1.047197580e+00;
	v25 =	vsel vm11, $0x1, v2;
	v24 =	vadd.s32 v26, v24  }
0x21b: {  	vm13 =	vgt.f32 v23, $-1.396263360e+00;
	v26 =	vsel vm12, $0x1, v2;
	v24 =	vadd.s32 v25, v24  }
0x21c: {  	vm14 =	vgt.f32 v23, $-3.490658400e-01;
	v25 =	vsel vm13, $0x1, v2;
	v24 =	vadd.s32 v26, v24  }
0x21d: {  	vm15 =	vgt.f32 v23, $-6.981316800e-01;
	v26 =	vsel vm14, $0x1, v2;
	v24 =	vadd.s32 v25, v24  }
0x21e: {  	vm4 =	vgt.f32 v23, $3.490658400e-01;
	v25 =	vsel vm15, $0x1, v2;
	v24 =	vadd.s32 v26, v24  }
0x21f: {  	vm5 =	vgt.f32 v23, $0.0e+00;
	v26 =	vsel vm4, $0x1, v2;
	v24 =	vadd.s32 v25, v24  }
0x220: {  	vm6 =	vgt.f32 v23, $1.047197580e+00;
	v25 =	vsel vm5, $0x1, v2;
	v24 =	vadd.s32 v26, v24  }
0x221: {  	vm7 =	vgt.f32 v23, $6.981316800e-01;
	v26 =	vsel vm6, $0x1, v2;
	v24 =	vadd.s32 v25, v24  }
0x222: {  	vm8 =	vgt.f32 v23, $1.745329260e+00;
	v25 =	vsel vm7, $0x1, v2;
	v24 =	vadd.s32 v26, v24  }
0x223: {  	vm9 =	vgt.f32 v23, $1.396263360e+00;
	v26 =	vsel vm8, $0x1, v2;
	v24 =	vadd.s32 v25, v24  }
0x224: {  	vm10 =	vgt.f32 v23, $2.443460940e+00;
	v25 =	vsel vm9, $0x1, v2;
	v24 =	vadd.s32 v26, v24  }
0x225: {  	vm11 =	vgt.f32 v23, $2.094395160e+00;
	v26 =	vsel vm10, $0x1, v2;
	v24 =	vadd.s32 v25, v24  }
0x226: {  	vm12 =	vgt.f32 v23, $2.792526720e+00;
	v25 =	vsel vm11, $0x1, v2;
	v23 =	vadd.s32 v26, v24  }
0x227: {  	v0 =	vld [tilespmem:$0x1FFB0];
	v24 =	vsel vm12, $0x1, v2;
	v23 =	vadd.s32 v25, v23  }
0x228: {  	v23 =	vadd.s32 v24, v23  }
0x229: {  	v23 =	vshll.u32 v23, $0x7  }
0x22a: {  	v24 =	vor.u32 v53, v23  }
0x22b: {  	v25 =	vadd.s32 v32, v23  }
0x22c: {  	v28 =	vadd.s32 v0, v23;
	v0 =	vld [tilespmem:$0x1FED0];
	_ =	sdelay $0x1  }
0x22d: {  	v27 =	vld [tilespmem:$0x1FEB0]  }
0x22e: {  	[tilespmem:v24+s2+$0x0] =	vst.idx.add.f32.msk $0xffff, v15  }
0x22f: {  	v26 =	vadd.s32 v54, v23;
	[tilespmem:v25+s2+$0x0] =	vst.idx.add.f32.msk $0xffff, v16  }
0x230: {  	v25 =	vadd.s32 v0, v23;
	v0 =	vld [tilespmem:$0x1FEE0];
	_ =	sdelay $0x1  }
0x231: {  	v24 =	vld [tilespmem:$0x1FEC0];
	_ =	sdelay $0x1  }
0x232: {  	[tilespmem:v26+s2+$0x0] =	vst.idx.add.f32.msk $0xffff, v17  }
0x233: {  	v27 =	vadd.s32 v27, v23;
	v26 =	vadd.s32 v0, v23;
	v0 =	vld [tilespmem:$0x1FEF0];
	_ =	sdelay $0x1  }
0x234: {  	v24 =	vadd.s32 v24, v23;
	_ =	sdelay $0x2  }
0x235: {  	[tilespmem:v27+s2+$0x0] =	vst.idx.add.f32.msk $0xffff, v18;
	v23 =	vadd.s32 v0, v23  }
0x236: {  	[tilespmem:v28+s2+$0x0] =	vst.idx.add.f32.msk $0xffff, v19  }
0x237: {  	[tilespmem:v24+s2+$0x0] =	vst.idx.add.f32.msk $0xffff, v20  }
0x238: {  	[tilespmem:v25+s2+$0x0] =	vst.idx.add.f32.msk $0xffff, v21  }
0x239: {  	[tilespmem:v26+s2+$0x0] =	vst.idx.add.f32.msk $0xffff, v22  }
0x23a: {  	[tilespmem:v23+s2+$0x0] =	vst.idx.add.f32.msk $0xffff, v11  }
0x23b: {  	v23 =	vld [tilespmem:s20+$0x290];
	_ =	sdelay $0x4  }
0x23c: {  	vm13 =	vgt.f32 v23, $-2.792526720e+00;
	vm14 =	vgt.f32 v23, $-2.443460940e+00  }
0x23d: {  	vm15 =	vgt.f32 v23, $-1.745329260e+00;
	v24 =	vsel vm13, $0x1, v2;
	v25 =	vsel vm14, $0x1, v2  }
0x23e: {  	vm4 =	vgt.f32 v23, $-2.094395160e+00;
	v26 =	vsel vm15, $0x1, v2;
	v24 =	vadd.s32 v25, v24  }
0x23f: {  	vm5 =	vgt.f32 v23, $-1.047197580e+00;
	v25 =	vsel vm4, $0x1, v2;
	v24 =	vadd.s32 v26, v24  }
0x240: {  	vm6 =	vgt.f32 v23, $-1.396263360e+00;
	v26 =	vsel vm5, $0x1, v2;
	v24 =	vadd.s32 v25, v24  }
0x241: {  	vm7 =	vgt.f32 v23, $-3.490658400e-01;
	v25 =	vsel vm6, $0x1, v2;
	v24 =	vadd.s32 v26, v24  }
0x242: {  	vm8 =	vgt.f32 v23, $-6.981316800e-01;
	v26 =	vsel vm7, $0x1, v2;
	v24 =	vadd.s32 v25, v24  }
0x243: {  	vm9 =	vgt.f32 v23, $3.490658400e-01;
	v25 =	vsel vm8, $0x1, v2;
	v24 =	vadd.s32 v26, v24  }
0x244: {  	vm10 =	vgt.f32 v23, $0.0e+00;
	v26 =	vsel vm9, $0x1, v2;
	v24 =	vadd.s32 v25, v24  }
0x245: {  	vm11 =	vgt.f32 v23, $1.047197580e+00;
	v25 =	vsel vm10, $0x1, v2;
	v24 =	vadd.s32 v26, v24  }
0x246: {  	vm12 =	vgt.f32 v23, $6.981316800e-01;
	v26 =	vsel vm11, $0x1, v2;
	v24 =	vadd.s32 v25, v24  }
0x247: {  	vm13 =	vgt.f32 v23, $1.745329260e+00;
	v25 =	vsel vm12, $0x1, v2;
	v24 =	vadd.s32 v26, v24  }
0x248: {  	vm14 =	vgt.f32 v23, $1.396263360e+00;
	v26 =	vsel vm13, $0x1, v2;
	v24 =	vadd.s32 v25, v24  }
0x249: {  	vm15 =	vgt.f32 v23, $2.443460940e+00;
	v25 =	vsel vm14, $0x1, v2;
	v24 =	vadd.s32 v26, v24  }
0x24a: {  	vm4 =	vgt.f32 v23, $2.094395160e+00;
	v26 =	vsel vm15, $0x1, v2;
	v24 =	vadd.s32 v25, v24  }
0x24b: {  	vm5 =	vgt.f32 v23, $2.792526720e+00;
	v25 =	vsel vm4, $0x1, v2;
	v23 =	vadd.s32 v26, v24  }
0x24c: {  	v24 =	vsel vm5, $0x1, v2;
	v23 =	vadd.s32 v25, v23  }
0x24d: {  	v23 =	vadd.s32 v24, v23  }
0x24e: {  	v23 =	vshll.u32 v23, $0x7  }
0x24f: {  	v24 =	vor.u32 v60, v23  }
0x250: {  	v25 =	vadd.s32 v61, v23  }
0x251: {  	v26 =	vadd.s32 v62, v23  }
0x252: {  	v27 =	vadd.s32 v34, v23  }
0x253: {  	v28 =	vadd.s32 v56, v23  }
0x254: {  	[tilespmem:v24+s2+$0x0] =	vst.idx.add.f32.msk $0xffff, v15;
	v24 =	vadd.s32 v44, v23  }
0x255: {  	[tilespmem:v25+s2+$0x0] =	vst.idx.add.f32.msk $0xffff, v16;
	v25 =	vadd.s32 v45, v23  }
0x256: {  	[tilespmem:v26+s2+$0x0] =	vst.idx.add.f32.msk $0xffff, v17;
	v26 =	vadd.s32 v35, v23  }
0x257: {  	v23 =	vadd.s32 v46, v23;
	[tilespmem:v27+s2+$0x0] =	vst.idx.add.f32.msk $0xffff, v18  }
0x258: {  	[tilespmem:v28+s2+$0x0] =	vst.idx.add.f32.msk $0xffff, v19  }
0x259: {  	[tilespmem:v24+s2+$0x0] =	vst.idx.add.f32.msk $0xffff, v20  }
0x25a: {  	[tilespmem:v25+s2+$0x0] =	vst.idx.add.f32.msk $0xffff, v21  }
0x25b: {  	[tilespmem:v26+s2+$0x0] =	vst.idx.add.f32.msk $0xffff, v22  }
0x25c: {  	[tilespmem:v23+s2+$0x0] =	vst.idx.add.f32.msk $0xffff, v11  }
0x25d: {  	v23 =	vld [tilespmem:s25+$0x0];
	_ =	sdelay $0x4  }
0x25e: {  	vm6 =	vgt.f32 v23, $-2.792526720e+00;
	vm7 =	vgt.f32 v23, $-2.443460940e+00  }
0x25f: {  	vm8 =	vgt.f32 v23, $-1.745329260e+00;
	v24 =	vsel vm6, $0x1, v2;
	v25 =	vsel vm7, $0x1, v2  }
0x260: {  	vm9 =	vgt.f32 v23, $-2.094395160e+00;
	v26 =	vsel vm8, $0x1, v2;
	v24 =	vadd.s32 v25, v24  }
0x261: {  	vm10 =	vgt.f32 v23, $-1.047197580e+00;
	v25 =	vsel vm9, $0x1, v2;
	v24 =	vadd.s32 v26, v24  }
0x262: {  	vm11 =	vgt.f32 v23, $-1.396263360e+00;
	v26 =	vsel vm10, $0x1, v2;
	v24 =	vadd.s32 v25, v24  }
0x263: {  	vm12 =	vgt.f32 v23, $-3.490658400e-01;
	v25 =	vsel vm11, $0x1, v2;
	v24 =	vadd.s32 v26, v24  }
0x264: {  	vm13 =	vgt.f32 v23, $-6.981316800e-01;
	v26 =	vsel vm12, $0x1, v2;
	v24 =	vadd.s32 v25, v24  }
0x265: {  	vm14 =	vgt.f32 v23, $3.490658400e-01;
	v25 =	vsel vm13, $0x1, v2;
	v24 =	vadd.s32 v26, v24  }
0x266: {  	vm15 =	vgt.f32 v23, $0.0e+00;
	v26 =	vsel vm14, $0x1, v2;
	v24 =	vadd.s32 v25, v24  }
0x267: {  	vm4 =	vgt.f32 v23, $1.047197580e+00;
	v25 =	vsel vm15, $0x1, v2;
	v24 =	vadd.s32 v26, v24  }
0x268: {  	vm5 =	vgt.f32 v23, $6.981316800e-01;
	v26 =	vsel vm4, $0x1, v2;
	v24 =	vadd.s32 v25, v24  }
0x269: {  	vm6 =	vgt.f32 v23, $1.745329260e+00;
	v25 =	vsel vm5, $0x1, v2;
	v24 =	vadd.s32 v26, v24  }
0x26a: {  	vm7 =	vgt.f32 v23, $1.396263360e+00;
	v26 =	vsel vm6, $0x1, v2;
	v24 =	vadd.s32 v25, v24  }
0x26b: {  	vm8 =	vgt.f32 v23, $2.443460940e+00;
	v25 =	vsel vm7, $0x1, v2;
	v24 =	vadd.s32 v26, v24  }
0x26c: {  	vm9 =	vgt.f32 v23, $2.094395160e+00;
	v26 =	vsel vm8, $0x1, v2;
	v24 =	vadd.s32 v25, v24  }
0x26d: {  	vm10 =	vgt.f32 v23, $2.792526720e+00;
	v25 =	vsel vm9, $0x1, v2;
	v23 =	vadd.s32 v26, v24  }
0x26e: {  	v24 =	vsel vm10, $0x1, v2;
	v23 =	vadd.s32 v25, v23  }
0x26f: {  	v23 =	vadd.s32 v24, v23  }
0x270: {  	v23 =	vshll.u32 v23, $0x7  }
0x271: {  	v24 =	vor.u32 v36, v23  }
0x272: {  	v25 =	vadd.s32 v37, v23  }
0x273: {  	v26 =	vadd.s32 v47, v23  }
0x274: {  	v27 =	vadd.s32 v48, v23  }
0x275: {  	v28 =	vadd.s32 v55, v23  }
0x276: {  	[tilespmem:v24+s2+$0x0] =	vst.idx.add.f32.msk $0xffff, v15;
	v24 =	vadd.s32 v33, v23  }
0x277: {  	[tilespmem:v25+s2+$0x0] =	vst.idx.add.f32.msk $0xffff, v16;
	v25 =	vadd.s32 v3, v23  }
0x278: {  	v3 =	vadd.s32 v63, v23;
	[tilespmem:v26+s2+$0x0] =	vst.idx.add.f32.msk $0xffff, v17  }
0x279: {  	v4 =	vadd.s32 v4, v23;
	[tilespmem:v27+s2+$0x0] =	vst.idx.add.f32.msk $0xffff, v18  }
0x27a: {  	[tilespmem:v28+s2+$0x0] =	vst.idx.add.f32.msk $0xffff, v19  }
0x27b: {  	[tilespmem:v24+s2+$0x0] =	vst.idx.add.f32.msk $0xffff, v20  }
0x27c: {  	[tilespmem:v25+s2+$0x0] =	vst.idx.add.f32.msk $0xffff, v21  }
0x27d: {  	[tilespmem:v3+s2+$0x0] =	vst.idx.add.f32.msk $0xffff, v22  }
0x27e: {  	[tilespmem:v4+s2+$0x0] =	vst.idx.add.f32.msk $0xffff, v11  }
0x27f: {  	v3 =	vld [tilespmem:s21+$0x0];
	_ =	sdelay $0x4  }
0x280: {  	vm11 =	vgt.f32 v3, $-2.792526720e+00;
	vm12 =	vgt.f32 v3, $-2.443460940e+00  }
0x281: {  	vm13 =	vgt.f32 v3, $-1.745329260e+00;
	v34 =	vsel vm11, $0x1, v2;
	v23 =	vsel vm12, $0x1, v2  }
0x282: {  	vm14 =	vgt.f32 v3, $-2.094395160e+00;
	v4 =	vadd.s32 v23, v34;
	v23 =	vsel vm13, $0x1, v2  }
0x283: {  	vm15 =	vgt.f32 v3, $-1.047197580e+00;
	v4 =	vadd.s32 v23, v4;
	v23 =	vsel vm14, $0x1, v2  }
0x284: {  	vm4 =	vgt.f32 v3, $-1.396263360e+00;
	v4 =	vadd.s32 v23, v4;
	v23 =	vsel vm15, $0x1, v2  }
0x285: {  	vm5 =	vgt.f32 v3, $-3.490658400e-01;
	v4 =	vadd.s32 v23, v4;
	v23 =	vsel vm4, $0x1, v2  }
0x286: {  	vm6 =	vgt.f32 v3, $-6.981316800e-01;
	v4 =	vadd.s32 v23, v4;
	v23 =	vsel vm5, $0x1, v2  }
0x287: {  	v56 =	vld [tilespmem:$0x1FEC0];
	vm7 =	vgt.f32 v3, $3.490658400e-01;
	v4 =	vadd.s32 v23, v4;
	v23 =	vsel vm6, $0x1, v2  }
0x288: {  	v44 =	vld [tilespmem:$0x1FF00];
	vm8 =	vgt.f32 v3, $0.0e+00;
	v4 =	vadd.s32 v23, v4;
	v23 =	vsel vm7, $0x1, v2  }
0x289: {  	v45 =	vld [tilespmem:$0x1FF50];
	vm9 =	vgt.f32 v3, $1.047197580e+00;
	v4 =	vadd.s32 v23, v4;
	v23 =	vsel vm8, $0x1, v2  }
0x28a: {  	v46 =	vld [tilespmem:$0x1FF20];
	vm10 =	vgt.f32 v3, $6.981316800e-01;
	v4 =	vadd.s32 v23, v4;
	v23 =	vsel vm9, $0x1, v2  }
0x28b: {  	v55 =	vld [tilespmem:$0x1FEB0];
	vm11 =	vgt.f32 v3, $1.745329260e+00;
	v4 =	vadd.s32 v23, v4;
	v23 =	vsel vm10, $0x1, v2  }
0x28c: {  	v47 =	vld [tilespmem:$0x1FF40];
	vm12 =	vgt.f32 v3, $1.396263360e+00;
	v4 =	vadd.s32 v23, v4;
	v23 =	vsel vm11, $0x1, v2  }
0x28d: {  	v33 =	vld [tilespmem:$0x1FF30];
	vm13 =	vgt.f32 v3, $2.443460940e+00;
	v4 =	vadd.s32 v23, v4;
	v23 =	vsel vm12, $0x1, v2  }
0x28e: {  	v63 =	vld [tilespmem:$0x1FFB0];
	vm14 =	vgt.f32 v3, $2.094395160e+00;
	v4 =	vadd.s32 v23, v4;
	v23 =	vsel vm13, $0x1, v2  }
0x28f: {  	v26 =	vld [tilespmem:$0x1FE80];
	vm15 =	vgt.f32 v3, $2.792526720e+00;
	v3 =	vsel vm14, $0x1, v2;
	v4 =	vadd.s32 v23, v4  }
0x290: {  	v27 =	vld [tilespmem:$0x1FEA0];
	v35 =	vsel vm15, $0x1, v2;
	v3 =	vadd.s32 v3, v4  }
0x291: {  	v28 =	vld [tilespmem:$0x1FE90];
	v3 =	vadd.s32 v35, v3  }
0x292: {  	v34 =	vld [tilespmem:$0x1FF10];
	v3 =	vshll.u32 v3, $0x7  }
0x293: {  	v35 =	vld [tilespmem:$0x1FF60];
	v36 =	vor.u32 v59, v3  }
0x294: {  	v23 =	vmovc v38;
	v38 =	vmovc v49;
	v49 =	vmov v7;
	v7 =	vadd.s32 v8, v3;
	v8 =	vadd.s32 v9, v3;
	v9 =	vld [tilespmem:$0x1FFA0]  }
0x295: {  	v37 =	vadd.s32 v58, v3;
	v48 =	vadd.s32 v57, v3;
	v57 =	vld [tilespmem:$0x1FED0]  }
0x296: {  	v58 =	vld [tilespmem:$0x1FEE0]  }
0x297: {  	v59 =	vld [tilespmem:$0x1FEF0]  }
0x298: {  	[tilespmem:v36+s2+$0x0] =	vst.idx.add.f32.msk $0xffff, v15  }
0x299: {  	v36 =	vadd.s32 v10, v3;
	v10 =	vld [tilespmem:$0x1FFF0]  }
0x29a: {  	[tilespmem:v37+s2+$0x0] =	vst.idx.add.f32.msk $0xffff, v16  }
0x29b: {  	[tilespmem:v48+s2+$0x0] =	vst.idx.add.f32.msk $0xffff, v17  }
0x29c: {  	v37 =	vadd.s32 v12, v3;
	[tilespmem:v7+s2+$0x0] =	vst.idx.add.f32.msk $0xffff, v18  }
0x29d: {  	[tilespmem:v8+s2+$0x0] =	vst.idx.add.f32.msk $0xffff, v19  }
0x29e: {  	[tilespmem:v36+s2+$0x0] =	vst.idx.add.f32.msk $0xffff, v20  }
0x29f: {  	v48 =	vadd.s32 v13, v3;
	v20 =	vld [tilespmem:$0x1FFC0]  }
0x2a0: {  	v36 =	vld [tilespmem:$0x1FF80]  }
0x2a1: {  	[tilespmem:v37+s2+$0x0] =	vst.idx.add.f32.msk $0xffff, v21  }
0x2a2: {  	p0 =	sne.s32 s19, $0x3E0;
	v3 =	vadd.s32 v14, v3;
	v21 =	vld [tilespmem:$0x1FFD0]  }
.Ltmp1:
0x2a3: {  	v37 =	vld [tilespmem:$0x1FF90];
	(pc) =	sbr.rel @p0 .LBB2_4-.Ltmp1, $4  }
0x2a4: {  	[tilespmem:v48+s2+$0x0] =	vst.idx.add.f32.msk $0xffff, v22  }
0x2a5: {  	v22 =	vld [tilespmem:$0x1FFE0]  }
0x2a6: {  	v0 =	vlaneseq.u32;
	v24 =	vmov v39;
	v48 =	vld [tilespmem:$0x1FF70]  }
0x2a7: {  	s17 =	sadd.s32 $0x1, s17;
	s19 =	sadd.s32 $0x20, s19;
	s18 =	sadd.s32 $0x100, s18;
	v39 =	vmovc v50;
	v50 =	vmovc v6;
	v25 =	vmov v40;
	v40 =	vmov v51;
	v51 =	vmov v5;
	[tilespmem:v3+s2+$0x0] =	vst.idx.add.f32.msk $0xffff, v11  }
0x2a8: {  	s1 =	sadd.s32 $0x1, s1  }
0x2a9: {  	p0 =	sne.s32 s1, s6  }
.Ltmp2:
0x2aa: {  	_ = 	snop;
	(pc) =	sbr.rel @p0 .LBB2_1-.Ltmp2, $4  }
0x2ab: {  	[hbm4b:s5+s14] =	stream.strided.scatter [tilespmem:s2], [sflag:$0x1], $0x5100, s16, s14, $0x38;
	[tilespmem:$0x9100] =	vst v63  }
0x2ac: {  	_ =	swait.ge [sflag:s22], $0x5100  }
0x2ad: {  	[sflag:s22] =	ssyncset.done $0x0  }
0x2ae: {  	[sflag:s22] =	ssyncadd.s32 $0xFFFFAF00  }
0x2af: {  	_ =	sfence.sel $0x180000  }
0x2b0: {  	[bflag:$0x0] =	sbarrier.arrive $0xFFFF  }
0x2b1: {  	_ =	strace $0x90000047  }
0x2b2: {  	s0 =	stileid.u32;
	[bflag:$0x2] =	sbarrier.arrive $0xFFFF  }
0x2b3: {  	p0 =	sne.s32 s0, $0x0;
	s0 =	rddreg [dreg:$0x3]  }
0x2b4: {  	s0 =	sadd.s32 @!p0 $0x100000, s0  }
0x2b5: {  	[sflag:s0] =	ssyncadd.tile.s32 @!p0 $0x1;
	_ =	shalt  }
.Lfunc_end2:
_tile_overlayer_lowered:
.L_overlay_start_2:
0x2b6: {  	(tag) =	ssettag $0x2  }
0x2b7: {  	s0 =	rddreg [dreg:$0x0];
	s2 =	stileid.u32  }
0x2b8: {  	s1 =	rddreg [dreg:$0x1];
	p0 =	sne.s32 s2, $0x0  }
0x2b9: {  	s3 =	rddreg [dreg:$0x2];
	[bflag:$0x3] =	sbarrier.arrive $0xFFFF;
	s2 =	simm.s32 @!p0 $0x1C01  }
0x2ba: {  	[timem:s3], [sflag:s2] =	dma.local @!p0 [hbm:s0], s1  }
0x2bb: {  	s0 =	simm.s32 @!p0 $0x1  }
0x2bc: {  	_ =	swait.ge @!p0 [sflag:s0], s1  }
0x2bd: {  	s1 =	ssub.s32 @!p0 $0x0, s1;
	[sflag:s0] =	ssyncset.done @!p0 $0x0  }
0x2be: {  	[sflag:s0] =	ssyncadd.s32 @!p0 s1  }
0x2bf: {  	[bflag:$0x3] =	sbarrier.arrive $0xFFFF  }
0x2c0: {  	_ =	shalt  }

</sc_bundles>
